<compile_context>
chip_gen: v7x
topology: tpu7x:2x2x1
jax: 0.10.2.dev20260603
libtpu: 0.0.44.dev20260713+nightly
codegen_flags: <defaults>
</compile_context>

<pallas_src>
import functools

import jax
import jax.numpy as jnp
from jax import lax
from jax.experimental import pallas as pl
from jax.experimental.pallas import tpu as pltpu
from jax.experimental.pallas import tpu_sc as plsc

NC = 2
NS = 16
NW = NC * NS
LANES = 16


def _sc_mesh():
    return plsc.VectorSubcoreMesh(core_axis_name="c", subcore_axis_name="s")


def _make_deg_kernel(npad, e):
    ew = e // NW
    assert ew * NW == e and ew % LANES == 0

    @functools.partial(
        pl.kernel,
        mesh=_sc_mesh(),
        out_type=jax.ShapeDtypeStruct((NW * npad,), jnp.float32),
        scratch_types=[
            pltpu.VMEM((ew,), jnp.int32),
            pltpu.VMEM((npad,), jnp.float32),
        ],
        compiler_params=pltpu.CompilerParams(needs_layout_passes=False),
    )
    def deg_kernel(eidx_hbm, out_hbm, dst_v, deg_v):
        cid = lax.axis_index("c")
        sid = lax.axis_index("s")
        wid = sid * NC + cid
        zeros16 = jnp.zeros((LANES,), jnp.float32)
        ones16 = jnp.ones((LANES,), jnp.float32)

        def zero_body(i, carry):
            deg_v[pl.ds(i * LANES, LANES)] = zeros16
            return carry

        lax.fori_loop(0, npad // LANES, zero_body, 0)
        pltpu.sync_copy(eidx_hbm.at[1, wid], dst_v)

        def acc_body(j, c2):
            idx = dst_v[pl.ds(j * LANES, LANES)]
            plsc.addupdate_scatter(deg_v, [idx], ones16)
            return c2

        lax.fori_loop(0, ew // LANES, acc_body, 0)
        pltpu.sync_copy(deg_v, out_hbm.at[pl.ds(wid * npad, npad)])

    return deg_kernel


def _make_agg_kernel(npad, e, w, k, sb):
    cs = e // (NW * k * sb)
    assert cs * NW * k * sb == e
    assert cs % 2 == 1 and cs >= 3
    pairs = (cs - 1) // 2
    rows_per_tile = npad // NS
    assert rows_per_tile * NS == npad and rows_per_tile % 8 == 0

    @functools.partial(
        pl.kernel,
        mesh=_sc_mesh(),
        out_type=jax.ShapeDtypeStruct((NC, npad, w), jnp.float32),
        scratch_types=[
            pltpu.VMEM((2, cs, k), jnp.int32),
            pltpu.VMEM((2, cs, k), jnp.int32),
            pltpu.VMEM((k, w), jnp.float32),
            pltpu.VMEM((k, w), jnp.float32),
            pltpu.VMEM_SHARED((npad, w), jnp.float32),
            pltpu.SemaphoreType.DMA,
            pltpu.SemaphoreType.DMA,
            pltpu.SemaphoreType.DMA,
        ],
        compiler_params=pltpu.CompilerParams(
            needs_layout_passes=False,
            use_tc_tiling_on_sc=(w % 128 == 0),
        ),
    )
    def agg_kernel(table_hbm, eidx_hbm, out_hbm,
                   src_v, dst_v, rows_a, rows_b, accum_sh, ga, gb, isem):
        cid = lax.axis_index("c")
        sid = lax.axis_index("s")
        wid = sid * NC + cid
        stripe = pl.ds(sid * rows_per_tile, rows_per_tile)

        def idx_start(s, buf):
            pltpu.async_copy(eidx_hbm.at[0, wid, s], src_v.at[buf], isem)
            pltpu.async_copy(eidx_hbm.at[1, wid, s], dst_v.at[buf], isem)

        def idx_wait(s, buf):
            pltpu.make_async_copy(
                eidx_hbm.at[0, wid, s], src_v.at[buf], isem).wait()
            pltpu.make_async_copy(
                eidx_hbm.at[1, wid, s], dst_v.at[buf], isem).wait()

        def gather(buf, c, rows, sem):
            pltpu.async_copy(table_hbm.at[src_v.at[buf, c]], rows, sem)

        def gwait(buf, c, rows, sem):
            pltpu.make_async_copy(
                table_hbm.at[src_v.at[buf, c]], rows, sem).wait()

        def scat(buf, c, rows):
            pass

        idx_start(0, 0)
        pltpu.sync_copy(table_hbm.at[stripe], accum_sh.at[stripe])
        plsc.subcore_barrier()
        idx_wait(0, 0)
        gather(0, 0, rows_a, ga)

        for s in range(sb):
            cur = s % 2
            if s + 1 < sb:
                idx_start(s + 1, 1 - cur)

            def pair_body(j, c2, cur=cur):
                c0 = 2 * j
                gather(cur, c0 + 1, rows_b, gb)
                gwait(cur, c0, rows_a, ga)
                scat(cur, c0, rows_a)
                gather(cur, c0 + 2, rows_a, ga)
                gwait(cur, c0 + 1, rows_b, gb)
                scat(cur, c0 + 1, rows_b)
                return c2

            lax.fori_loop(0, pairs, pair_body, 0)
            gwait(cur, cs - 1, rows_a, ga)
            scat(cur, cs - 1, rows_a)
            if s + 1 < sb:
                idx_wait(s + 1, 1 - cur)
                gather(1 - cur, 0, rows_a, ga)

        plsc.subcore_barrier()
        pltpu.sync_copy(accum_sh.at[stripe], out_hbm.at[cid, stripe])

    return agg_kernel


def _dis(degp_blk):
    deg = jnp.sum(degp_blk, axis=0) + 1.0
    return lax.rsqrt(deg)[:, None]


def _prep_body(x_ref, fi_ref, w1_ref, degp_ref, out_ref):
    xw = x_ref[...] * jax.nn.sigmoid(fi_ref[...])[0][None, :]
    h = jnp.dot(xw, w1_ref[...], preferred_element_type=jnp.float32)
    out_ref[...] = h * _dis(degp_ref[...])


def _mid_body(agg_ref, table_ref, degp_ref, b1_ref,
              bnw_ref, bnb_ref, w2_ref, out_ref):
    dis = _dis(degp_ref[...])
    agg = agg_ref[0] + agg_ref[1] - table_ref[...]
    t = dis * agg + b1_ref[...][0][None, :]
    t = t * bnw_ref[...][0][None, :] + bnb_ref[...][0][None, :]
    t = jnp.maximum(t, 0.0)
    g = jnp.dot(t, w2_ref[...], preferred_element_type=jnp.float32)
    out_ref[...] = g * dis


def _final_body(agg_ref, table_ref, degp_ref, b2_ref, out_ref):
    n, out_dim = out_ref.shape
    agg = (agg_ref[0, :, :out_dim] + agg_ref[1, :, :out_dim]
           - table_ref[:, :out_dim])
    dis = _dis(degp_ref[...])[:n]
    out_ref[...] = dis * agg + b2_ref[...][0][None, :out_dim]


W2PAD = 16


def kernel(x, edge_index, feature_importance, W1, b1, gamma, beta,
           running_mean, running_var, W2, b2):
    n, d = x.shape
    e = edge_index.shape[1]
    h = W1.shape[1]
    out_dim = W2.shape[1]
    e32 = edge_index.astype(jnp.int32)

    row_align = NS * 8 * 8
    npad = ((n + row_align - 1) // row_align) * row_align

    k1, sb1 = 80, 5
    k2, sb2 = 2000, 1
    eidx1 = e32.reshape(2, NW, sb1, e // (NW * k1 * sb1), k1)
    eidx2 = e32.reshape(2, NW, sb2, e // (NW * k2 * sb2), k2)
    eidx_deg = e32.reshape(2, NW, e // NW)

    degp = _make_deg_kernel(npad, e)(eidx_deg).reshape(NW, npad)

    bn = 2048
    grid = npad // bn

    h1p = pl.pallas_call(
        _prep_body,
        grid=(grid,),
        in_specs=[
            pl.BlockSpec((bn, d), lambda i: (i, 0)),
            pl.BlockSpec((1, d), lambda i: (0, 0)),
            pl.BlockSpec((d, h), lambda i: (0, 0)),
            pl.BlockSpec((NW, bn), lambda i: (0, i)),
        ],
        out_specs=pl.BlockSpec((bn, h), lambda i: (i, 0)),
        out_shape=jax.ShapeDtypeStruct((npad, h), jnp.float32),
    )(x, feature_importance[None, :], W1, degp)

    agg1 = _make_agg_kernel(npad, e, h, k1, sb1)(h1p, eidx1)

    w2p = jnp.zeros((h, W2PAD), jnp.float32).at[:, :out_dim].set(W2)
    bnw = gamma * lax.rsqrt(running_var + 1e-5)
    bnb = beta - running_mean * bnw
    gp = pl.pallas_call(
        _mid_body,
        grid=(grid,),
        in_specs=[
            pl.BlockSpec((NC, bn, h), lambda i: (0, i, 0)),
            pl.BlockSpec((bn, h), lambda i: (i, 0)),
            pl.BlockSpec((NW, bn), lambda i: (0, i)),
            pl.BlockSpec((1, h), lambda i: (0, 0)),
            pl.BlockSpec((1, h), lambda i: (0, 0)),
            pl.BlockSpec((1, h), lambda i: (0, 0)),
            pl.BlockSpec((h, W2PAD), lambda i: (0, 0)),
        ],
        out_specs=pl.BlockSpec((bn, W2PAD), lambda i: (i, 0)),
        out_shape=jax.ShapeDtypeStruct((npad, W2PAD), jnp.float32),
    )(agg1, h1p, degp, b1[None, :], bnw[None, :], bnb[None, :], w2p)

    agg2 = _make_agg_kernel(npad, e, W2PAD, k2, sb2)(gp, eidx2)

    outp = pl.pallas_call(
        _final_body,
        grid=(1,),
        in_specs=[
            pl.BlockSpec((NC, n, W2PAD), lambda i: (0, 0, 0)),
            pl.BlockSpec((n, W2PAD), lambda i: (0, 0)),
            pl.BlockSpec((NW, npad), lambda i: (0, 0)),
            pl.BlockSpec((1, out_dim), lambda i: (0, 0)),
        ],
        out_specs=pl.BlockSpec((n, out_dim), lambda i: (0, 0)),
        out_shape=jax.ShapeDtypeStruct((n, out_dim), jnp.float32),
    )(agg2, gp, degp, b2[None, :])

    return outp

# --- scband reference (transcript-rebuilt; emitter-appended) ---
"""Pipeline reference for scband-naa-gcn-24481313587809 (READ-ONLY COPY).

The authoritative reference and input builder live on the scoring server;
editing this copy changes nothing except your own understanding.
"""

import jax, jax.numpy as jnp
import numpy as np

N = 10000
E = 320000
D = 128
H = 128
OUT = 2


def setup_inputs(seed: int = 0) -> dict:
    key = jax.random.key(seed)
    ks = jax.random.split(key, 8)
    x = jax.random.normal(ks[0], (N, D), dtype=jnp.float32)
    edge_index = jax.random.randint(ks[1], (2, E), 0, N)
    # learned parameters
    feature_importance = jnp.ones((D,), dtype=jnp.float32)  # nn.Parameter(torch.ones(in_dim))
    s1 = float(np.sqrt(6.0 / (D + H)))
    W1 = jax.random.uniform(ks[2], (D, H), minval=-s1, maxval=s1, dtype=jnp.float32)
    b1 = jnp.zeros((H,), dtype=jnp.float32)
    gamma = jnp.ones((H,), dtype=jnp.float32)
    beta = jnp.zeros((H,), dtype=jnp.float32)
    running_mean = jnp.zeros((H,), dtype=jnp.float32)
    running_var = jnp.ones((H,), dtype=jnp.float32)
    s2 = float(np.sqrt(6.0 / (H + OUT)))
    W2 = jax.random.uniform(ks[3], (H, OUT), minval=-s2, maxval=s2, dtype=jnp.float32)
    b2 = jnp.zeros((OUT,), dtype=jnp.float32)
    return {"x": x, "edge_index": edge_index, "feature_importance": feature_importance,
            "W1": W1, "b1": b1, "gamma": gamma, "beta": beta,
            "running_mean": running_mean, "running_var": running_var,
            "W2": W2, "b2": b2}


def _gcn_conv(x, edge_index, W, b):
    # GCNConv: lin -> add self loops -> symmetric normalization -> scatter-add aggregate
    h = x @ W
    src = edge_index[0]
    dst = edge_index[1]
    sl = jnp.arange(N, dtype=src.dtype)
    src = jnp.concatenate([src, sl], axis=0)
    dst = jnp.concatenate([dst, sl], axis=0)
    deg = jnp.zeros((N,), dtype=x.dtype).at[dst].add(1.0)
    dis = jax.lax.rsqrt(jnp.maximum(deg, 1e-12))
    norm = dis[src] * dis[dst]
    msg = h[src] * norm[:, None]
    out = jnp.zeros((N, W.shape[1]), dtype=x.dtype).at[dst].add(msg)
    return out + b


def reference(x, edge_index, feature_importance, W1, b1, gamma, beta, running_mean, running_var, W2, b2):
    # eval-mode forward (dropout = identity, BN uses running stats)
    fw = jax.nn.sigmoid(feature_importance)
    xw = x * fw
    h = _gcn_conv(xw, edge_index, W1, b1)
    h = (h - running_mean) / jnp.sqrt(running_var + 1e-5) * gamma + beta
    h = jax.nn.relu(h)
    out = _gcn_conv(h, edge_index, W2, b2)
    return out

if __name__ == "__main__":
    import jax
    _d = setup_inputs()
    print(jax.jit(kernel)(*tuple(_d.values())))

</pallas_src>

<mosaic_0001>
#map = affine_map<(d0, d1) -> (0, 0, 0)>
#map1 = affine_map<(d0, d1) -> (0)>
module attributes {stable_mosaic.version = 14 : i64} {
  func.func @deg_kernel(%arg0: i32, %arg1: i32, %arg2: memref<2x32x10000xi32, #tpu.memory_space<hbm>>, %arg3: memref<327680xf32, #tpu.memory_space<hbm>>, %arg4: memref<10000xi32, #tpu.memory_space<vmem>>, %arg5: memref<10240xf32, #tpu.memory_space<vmem>>) attributes {dimension_semantics = [#tpu.dimension_semantics<core_parallel>, #tpu.dimension_semantics<subcore_parallel>], iteration_bounds = array<i64: 2, 16>, scalar_prefetch = 0 : i64, scratch_operands = 2 : i64, tpu.core_type = #tpu.core_type<sc_vector_subcore>, window_params = [{transform_indices = #map}, {transform_indices = #map1}]} {
    %mul3A = arith.constant 2 : i32
    %mul3A_0 = arith.muli %arg1, %mul3A : i32
    %add3A = arith.addi %mul3A_0, %arg0 : i32
    %broadcast_in_dim3A = arith.constant 0.000000e+00 : f32
    %broadcast_in_dim3A_1 = vector.broadcast %broadcast_in_dim3A : f32 to vector<16xf32>
    %broadcast_in_dim3A_2 = arith.constant 1.000000e+00 : f32
    %broadcast_in_dim3A_3 = vector.broadcast %broadcast_in_dim3A_2 : f32 to vector<16xf32>
    %scan3A = arith.constant 0 : i32
    %scan3A_4 = arith.constant 0 : i32
    %scan3A_5 = arith.constant 640 : i32
    %scan3A_6 = arith.addi %scan3A_4, %scan3A_5 : i32
    %scan3A_7 = arith.constant 1 : i32
    scf.for %scan3A_17 = %scan3A_4 to %scan3A_6 step %scan3A_7  : i32 {
      %mul3A_18 = arith.constant 16 : i32
      %mul3A_19 = arith.muli %scan3A_17, %mul3A_18 : i32
      %swap3A = arith.index_cast %mul3A_19 : i32 to index
      %swap3A_20 = tpu.vector_load %arg5[%swap3A] {strides = array<i32>} : memref<10240xf32, #tpu.memory_space<vmem>>, vector<16xf32>,
      tpu.vector_store %arg5[%swap3A], %broadcast_in_dim3A_1 {strides = array<i32>} : memref<10240xf32, #tpu.memory_space<vmem>>, vector<16xf32>,
    }
    %scan3A_8 = arith.constant 640 : i32
    %run_scoped3A = arith.constant 1 : i32
    "tpu.region"() ({
      %run_scoped3A_17 = tpu.sem_alloc : memref<!tpu.dma_semaphore, #tpu.memory_space<semaphore_mem>>
      %dma_start3A = arith.constant 0 : i32
      %dma_start3A_18 = tpu.memref_slice %arg2[%run_scoped3A, %add3A, %dma_start3A] : memref<2x32x10000xi32, #tpu.memory_space<hbm>> -> memref<1x1x10000xi32, #tpu.memory_space<hbm>>
      %dma_start3A_19 = tpu.memref_squeeze %dma_start3A_18 : memref<1x1x10000xi32, #tpu.memory_space<hbm>> -> memref<10000xi32, #tpu.memory_space<hbm>>
      %dma_start3A_20 = arith.constant 0 : i32
      %dma_start3A_21 = tpu.memref_slice %arg2[%run_scoped3A, %add3A, %dma_start3A_20] : memref<2x32x10000xi32, #tpu.memory_space<hbm>> -> memref<1x1x10000xi32, #tpu.memory_space<hbm>>
      %dma_start3A_22 = tpu.memref_squeeze %dma_start3A_21 : memref<1x1x10000xi32, #tpu.memory_space<hbm>> -> memref<10000xi32, #tpu.memory_space<hbm>>
      tpu.enqueue_dma source(%dma_start3A_22 : memref<10000xi32, #tpu.memory_space<hbm>>) target(%arg4 : memref<10000xi32, #tpu.memory_space<vmem>>) target_semaphore(%run_scoped3A_17 : memref<!tpu.dma_semaphore, #tpu.memory_space<semaphore_mem>>)
      %dma_wait3A = arith.constant 0 : i32
      %dma_wait3A_23 = tpu.memref_slice %arg2[%run_scoped3A, %add3A, %dma_wait3A] : memref<2x32x10000xi32, #tpu.memory_space<hbm>> -> memref<1x1x10000xi32, #tpu.memory_space<hbm>>
      %dma_wait3A_24 = tpu.memref_squeeze %dma_wait3A_23 : memref<1x1x10000xi32, #tpu.memory_space<hbm>> -> memref<10000xi32, #tpu.memory_space<hbm>>
      %dma_wait3A_25 = arith.constant 0 : i32
      %dma_wait3A_26 = tpu.memref_slice %arg2[%run_scoped3A, %add3A, %dma_wait3A_25] : memref<2x32x10000xi32, #tpu.memory_space<hbm>> -> memref<1x1x10000xi32, #tpu.memory_space<hbm>>
      %dma_wait3A_27 = tpu.memref_squeeze %dma_wait3A_26 : memref<1x1x10000xi32, #tpu.memory_space<hbm>> -> memref<10000xi32, #tpu.memory_space<hbm>>
      tpu.wait_dma2 semaphore(%run_scoped3A_17 : memref<!tpu.dma_semaphore, #tpu.memory_space<semaphore_mem>>) src(%dma_wait3A_27 : memref<10000xi32, #tpu.memory_space<hbm>>) dst(%arg4 : memref<10000xi32, #tpu.memory_space<vmem>>)
      tpu.yield
    }) : () -> ()
    %scan3A_9 = arith.constant 0 : i32
    %scan3A_10 = arith.constant 0 : i32
    %scan3A_11 = arith.constant 625 : i32
    %scan3A_12 = arith.addi %scan3A_10, %scan3A_11 : i32
    %scan3A_13 = arith.constant 1 : i32
    scf.for %scan3A_17 = %scan3A_10 to %scan3A_12 step %scan3A_13  : i32 {
      %mul3A_18 = arith.constant 16 : i32
      %mul3A_19 = arith.muli %scan3A_17, %mul3A_18 : i32
      %get3A = arith.index_cast %mul3A_19 : i32 to index
      %get3A_20 = tpu.vector_load %arg4[%get3A] {strides = array<i32>} : memref<10000xi32, #tpu.memory_space<vmem>>, vector<16xi32>,
      tpu.vector_store_idx %arg5[%get3A_20], %broadcast_in_dim3A_3 {add = true} : memref<10240xf32, #tpu.memory_space<vmem>>[vector<16xi32>], vector<16xf32>,
    }
    %scan3A_14 = arith.constant 625 : i32
    %mul3A_15 = arith.constant 10240 : i32
    %mul3A_16 = arith.muli %add3A, %mul3A_15 : i32
    "tpu.region"() ({
      %run_scoped3A_17 = tpu.sem_alloc : memref<!tpu.dma_semaphore, #tpu.memory_space<semaphore_mem>>
      %dma_start3A = tpu.memref_slice %arg3[%mul3A_16] : memref<327680xf32, #tpu.memory_space<hbm>> -> memref<10240xf32, #tpu.memory_space<hbm>>
      %dma_start3A_18 = tpu.memref_slice %arg3[%mul3A_16] : memref<327680xf32, #tpu.memory_space<hbm>> -> memref<10240xf32, #tpu.memory_space<hbm>>
      tpu.enqueue_dma source(%arg5 : memref<10240xf32, #tpu.memory_space<vmem>>) target(%dma_start3A_18 : memref<10240xf32, #tpu.memory_space<hbm>>) target_semaphore(%run_scoped3A_17 : memref<!tpu.dma_semaphore, #tpu.memory_space<semaphore_mem>>)
      %dma_wait3A = tpu.memref_slice %arg3[%mul3A_16] : memref<327680xf32, #tpu.memory_space<hbm>> -> memref<10240xf32, #tpu.memory_space<hbm>>
      %dma_wait3A_19 = tpu.memref_slice %arg3[%mul3A_16] : memref<327680xf32, #tpu.memory_space<hbm>> -> memref<10240xf32, #tpu.memory_space<hbm>>
      tpu.wait_dma2 semaphore(%run_scoped3A_17 : memref<!tpu.dma_semaphore, #tpu.memory_space<semaphore_mem>>) src(%arg5 : memref<10240xf32, #tpu.memory_space<vmem>>) dst(%dma_wait3A_19 : memref<10240xf32, #tpu.memory_space<hbm>>)
      tpu.yield
    }) : () -> ()
    return
  }
}

#map = affine_map<(d0, d1) -> (0, 0)>
#map1 = affine_map<(d0, d1) -> (0, 0, 0, 0, 0)>
#map2 = affine_map<(d0, d1) -> (0, 0, 0)>
module attributes {stable_mosaic.version = 14 : i64} {
  func.func @agg_kernel(%arg0: i32, %arg1: i32, %arg2: memref<10240x16xf32, #tpu.memory_space<hbm>>, %arg3: memref<2x32x1x5x2000xi32, #tpu.memory_space<hbm>>, %arg4: memref<2x10240x16xf32, #tpu.memory_space<hbm>>, %arg5: memref<2x5x2000xi32, #tpu.memory_space<vmem>>, %arg6: memref<2x5x2000xi32, #tpu.memory_space<vmem>>, %arg7: memref<2000x16xf32, #tpu.memory_space<vmem>>, %arg8: memref<2000x16xf32, #tpu.memory_space<vmem>>, %arg9: memref<10240x16xf32, #tpu.memory_space<vmem_shared>>, %arg10: memref<!tpu.dma_semaphore, #tpu.memory_space<semaphore_mem>>, %arg11: memref<!tpu.dma_semaphore, #tpu.memory_space<semaphore_mem>>, %arg12: memref<!tpu.dma_semaphore, #tpu.memory_space<semaphore_mem>>) attributes {dimension_semantics = [#tpu.dimension_semantics<core_parallel>, #tpu.dimension_semantics<subcore_parallel>], iteration_bounds = array<i64: 2, 16>, scalar_prefetch = 0 : i64, scratch_operands = 8 : i64, tpu.core_type = #tpu.core_type<sc_vector_subcore>, window_params = [{transform_indices = #map}, {transform_indices = #map1}, {transform_indices = #map2}]} {
    %mul3A = arith.constant 2 : i32
    %mul3A_0 = arith.muli %arg1, %mul3A : i32
    %add3A = arith.addi %mul3A_0, %arg0 : i32
    %mul3A_1 = arith.constant 640 : i32
    %mul3A_2 = arith.muli %arg1, %mul3A_1 : i32
    %dma_start3A = arith.constant 0 : i32
    %dma_start3A_3 = arith.constant 0 : i32
    %dma_start3A_4 = arith.constant 0 : i32
    %dma_start3A_5 = arith.constant 0 : i32
    %dma_start3A_6 = arith.constant 0 : i32
    %dma_start3A_7 = tpu.memref_slice %arg5[%dma_start3A_4, %dma_start3A_5, %dma_start3A_6] : memref<2x5x2000xi32, #tpu.memory_space<vmem>> -> memref<1x5x2000xi32, #tpu.memory_space<vmem>>
    %dma_start3A_8 = tpu.memref_squeeze %dma_start3A_7 : memref<1x5x2000xi32, #tpu.memory_space<vmem>> -> memref<5x2000xi32, #tpu.memory_space<vmem>>
    %dma_start3A_9 = arith.constant 0 : i32
    %dma_start3A_10 = arith.constant 0 : i32
    %dma_start3A_11 = tpu.memref_slice %arg3[%dma_start3A, %add3A, %dma_start3A_3, %dma_start3A_9, %dma_start3A_10] : memref<2x32x1x5x2000xi32, #tpu.memory_space<hbm>> -> memref<1x1x1x5x2000xi32, #tpu.memory_space<hbm>>
    %dma_start3A_12 = tpu.memref_squeeze %dma_start3A_11 : memref<1x1x1x5x2000xi32, #tpu.memory_space<hbm>> -> memref<5x2000xi32, #tpu.memory_space<hbm>>
    %dma_start3A_13 = arith.constant 0 : i32
    %dma_start3A_14 = arith.constant 0 : i32
    %dma_start3A_15 = tpu.memref_slice %arg5[%dma_start3A_4, %dma_start3A_13, %dma_start3A_14] : memref<2x5x2000xi32, #tpu.memory_space<vmem>> -> memref<1x5x2000xi32, #tpu.memory_space<vmem>>
    %dma_start3A_16 = tpu.memref_squeeze %dma_start3A_15 : memref<1x5x2000xi32, #tpu.memory_space<vmem>> -> memref<5x2000xi32, #tpu.memory_space<vmem>>
    %dma_start3A_17 = arith.constant 0 : i32
    %dma_start3A_18 = arith.constant 0 : i32
    %dma_start3A_19 = tpu.memref_slice %arg3[%dma_start3A, %add3A, %dma_start3A_3, %dma_start3A_17, %dma_start3A_18] : memref<2x32x1x5x2000xi32, #tpu.memory_space<hbm>> -> memref<1x1x1x5x2000xi32, #tpu.memory_space<hbm>>
    %dma_start3A_20 = tpu.memref_squeeze %dma_start3A_19 : memref<1x1x1x5x2000xi32, #tpu.memory_space<hbm>> -> memref<5x2000xi32, #tpu.memory_space<hbm>>
    tpu.enqueue_dma source(%dma_start3A_20 : memref<5x2000xi32, #tpu.memory_space<hbm>>) target(%dma_start3A_16 : memref<5x2000xi32, #tpu.memory_space<vmem>>) target_semaphore(%arg12 : memref<!tpu.dma_semaphore, #tpu.memory_space<semaphore_mem>>)
    %dma_start3A_21 = arith.constant 1 : i32
    %dma_start3A_22 = arith.constant 0 : i32
    %dma_start3A_23 = arith.constant 0 : i32
    %dma_start3A_24 = arith.constant 0 : i32
    %dma_start3A_25 = arith.constant 0 : i32
    %dma_start3A_26 = tpu.memref_slice %arg6[%dma_start3A_23, %dma_start3A_24, %dma_start3A_25] : memref<2x5x2000xi32, #tpu.memory_space<vmem>> -> memref<1x5x2000xi32, #tpu.memory_space<vmem>>
    %dma_start3A_27 = tpu.memref_squeeze %dma_start3A_26 : memref<1x5x2000xi32, #tpu.memory_space<vmem>> -> memref<5x2000xi32, #tpu.memory_space<vmem>>
    %dma_start3A_28 = arith.constant 0 : i32
    %dma_start3A_29 = arith.constant 0 : i32
    %dma_start3A_30 = tpu.memref_slice %arg3[%dma_start3A_21, %add3A, %dma_start3A_22, %dma_start3A_28, %dma_start3A_29] : memref<2x32x1x5x2000xi32, #tpu.memory_space<hbm>> -> memref<1x1x1x5x2000xi32, #tpu.memory_space<hbm>>
    %dma_start3A_31 = tpu.memref_squeeze %dma_start3A_30 : memref<1x1x1x5x2000xi32, #tpu.memory_space<hbm>> -> memref<5x2000xi32, #tpu.memory_space<hbm>>
    %dma_start3A_32 = arith.constant 0 : i32
    %dma_start3A_33 = arith.constant 0 : i32
    %dma_start3A_34 = tpu.memref_slice %arg6[%dma_start3A_23, %dma_start3A_32, %dma_start3A_33] : memref<2x5x2000xi32, #tpu.memory_space<vmem>> -> memref<1x5x2000xi32, #tpu.memory_space<vmem>>
    %dma_start3A_35 = tpu.memref_squeeze %dma_start3A_34 : memref<1x5x2000xi32, #tpu.memory_space<vmem>> -> memref<5x2000xi32, #tpu.memory_space<vmem>>
    %dma_start3A_36 = arith.constant 0 : i32
    %dma_start3A_37 = arith.constant 0 : i32
    %dma_start3A_38 = tpu.memref_slice %arg3[%dma_start3A_21, %add3A, %dma_start3A_22, %dma_start3A_36, %dma_start3A_37] : memref<2x32x1x5x2000xi32, #tpu.memory_space<hbm>> -> memref<1x1x1x5x2000xi32, #tpu.memory_space<hbm>>
    %dma_start3A_39 = tpu.memref_squeeze %dma_start3A_38 : memref<1x1x1x5x2000xi32, #tpu.memory_space<hbm>> -> memref<5x2000xi32, #tpu.memory_space<hbm>>
    tpu.enqueue_dma source(%dma_start3A_39 : memref<5x2000xi32, #tpu.memory_space<hbm>>) target(%dma_start3A_35 : memref<5x2000xi32, #tpu.memory_space<vmem>>) target_semaphore(%arg12 : memref<!tpu.dma_semaphore, #tpu.memory_space<semaphore_mem>>)
    "tpu.region"() ({
      %run_scoped3A = tpu.sem_alloc : memref<!tpu.dma_semaphore, #tpu.memory_space<semaphore_mem>>
      %dma_start3A_99 = arith.constant 0 : i32
      %dma_start3A_100 = tpu.memref_slice %arg9[%mul3A_2, %dma_start3A_99] : memref<10240x16xf32, #tpu.memory_space<vmem_shared>> -> memref<640x16xf32, #tpu.memory_space<vmem_shared>>
      %dma_start3A_101 = arith.constant 0 : i32
      %dma_start3A_102 = tpu.memref_slice %arg2[%mul3A_2, %dma_start3A_101] : memref<10240x16xf32, #tpu.memory_space<hbm>> -> memref<640x16xf32, #tpu.memory_space<hbm>>
      tpu.enqueue_dma source(%dma_start3A_102 : memref<640x16xf32, #tpu.memory_space<hbm>>) target(%dma_start3A_100 : memref<640x16xf32, #tpu.memory_space<vmem_shared>>) target_semaphore(%run_scoped3A : memref<!tpu.dma_semaphore, #tpu.memory_space<semaphore_mem>>)
      %dma_wait3A_103 = arith.constant 0 : i32
      %dma_wait3A_104 = tpu.memref_slice %arg9[%mul3A_2, %dma_wait3A_103] : memref<10240x16xf32, #tpu.memory_space<vmem_shared>> -> memref<640x16xf32, #tpu.memory_space<vmem_shared>>
      %dma_wait3A_105 = arith.constant 0 : i32
      %dma_wait3A_106 = tpu.memref_slice %arg2[%mul3A_2, %dma_wait3A_105] : memref<10240x16xf32, #tpu.memory_space<hbm>> -> memref<640x16xf32, #tpu.memory_space<hbm>>
      tpu.wait_dma2 semaphore(%run_scoped3A : memref<!tpu.dma_semaphore, #tpu.memory_space<semaphore_mem>>) src(%dma_wait3A_106 : memref<640x16xf32, #tpu.memory_space<hbm>>) dst(%dma_wait3A_104 : memref<640x16xf32, #tpu.memory_space<vmem_shared>>)
      tpu.yield
    }) : () -> ()
    %barrier3A = arith.constant 0 : index
    tpu.barrier barrier_id(%barrier3A)
    %dma_wait3A = arith.constant 0 : i32
    %dma_wait3A_40 = arith.constant 0 : i32
    %dma_wait3A_41 = arith.constant 0 : i32
    %dma_wait3A_42 = arith.constant 0 : i32
    %dma_wait3A_43 = arith.constant 0 : i32
    %dma_wait3A_44 = tpu.memref_slice %arg5[%dma_wait3A_41, %dma_wait3A_42, %dma_wait3A_43] : memref<2x5x2000xi32, #tpu.memory_space<vmem>> -> memref<1x5x2000xi32, #tpu.memory_space<vmem>>
    %dma_wait3A_45 = tpu.memref_squeeze %dma_wait3A_44 : memref<1x5x2000xi32, #tpu.memory_space<vmem>> -> memref<5x2000xi32, #tpu.memory_space<vmem>>
    %dma_wait3A_46 = arith.constant 0 : i32
    %dma_wait3A_47 = arith.constant 0 : i32
    %dma_wait3A_48 = tpu.memref_slice %arg3[%dma_wait3A, %add3A, %dma_wait3A_40, %dma_wait3A_46, %dma_wait3A_47] : memref<2x32x1x5x2000xi32, #tpu.memory_space<hbm>> -> memref<1x1x1x5x2000xi32, #tpu.memory_space<hbm>>
    %dma_wait3A_49 = tpu.memref_squeeze %dma_wait3A_48 : memref<1x1x1x5x2000xi32, #tpu.memory_space<hbm>> -> memref<5x2000xi32, #tpu.memory_space<hbm>>
    %dma_wait3A_50 = arith.constant 0 : i32
    %dma_wait3A_51 = arith.constant 0 : i32
    %dma_wait3A_52 = tpu.memref_slice %arg5[%dma_wait3A_41, %dma_wait3A_50, %dma_wait3A_51] : memref<2x5x2000xi32, #tpu.memory_space<vmem>> -> memref<1x5x2000xi32, #tpu.memory_space<vmem>>
    %dma_wait3A_53 = tpu.memref_squeeze %dma_wait3A_52 : memref<1x5x2000xi32, #tpu.memory_space<vmem>> -> memref<5x2000xi32, #tpu.memory_space<vmem>>
    %dma_wait3A_54 = arith.constant 0 : i32
    %dma_wait3A_55 = arith.constant 0 : i32
    %dma_wait3A_56 = tpu.memref_slice %arg3[%dma_wait3A, %add3A, %dma_wait3A_40, %dma_wait3A_54, %dma_wait3A_55] : memref<2x32x1x5x2000xi32, #tpu.memory_space<hbm>> -> memref<1x1x1x5x2000xi32, #tpu.memory_space<hbm>>
    %dma_wait3A_57 = tpu.memref_squeeze %dma_wait3A_56 : memref<1x1x1x5x2000xi32, #tpu.memory_space<hbm>> -> memref<5x2000xi32, #tpu.memory_space<hbm>>
    tpu.wait_dma2 semaphore(%arg12 : memref<!tpu.dma_semaphore, #tpu.memory_space<semaphore_mem>>) src(%dma_wait3A_57 : memref<5x2000xi32, #tpu.memory_space<hbm>>) dst(%dma_wait3A_53 : memref<5x2000xi32, #tpu.memory_space<vmem>>)
    %dma_wait3A_58 = arith.constant 1 : i32
    %dma_wait3A_59 = arith.constant 0 : i32
    %dma_wait3A_60 = arith.constant 0 : i32
    %dma_wait3A_61 = arith.constant 0 : i32
    %dma_wait3A_62 = arith.constant 0 : i32
    %dma_wait3A_63 = tpu.memref_slice %arg6[%dma_wait3A_60, %dma_wait3A_61, %dma_wait3A_62] : memref<2x5x2000xi32, #tpu.memory_space<vmem>> -> memref<1x5x2000xi32, #tpu.memory_space<vmem>>
    %dma_wait3A_64 = tpu.memref_squeeze %dma_wait3A_63 : memref<1x5x2000xi32, #tpu.memory_space<vmem>> -> memref<5x2000xi32, #tpu.memory_space<vmem>>
    %dma_wait3A_65 = arith.constant 0 : i32
    %dma_wait3A_66 = arith.constant 0 : i32
    %dma_wait3A_67 = tpu.memref_slice %arg3[%dma_wait3A_58, %add3A, %dma_wait3A_59, %dma_wait3A_65, %dma_wait3A_66] : memref<2x32x1x5x2000xi32, #tpu.memory_space<hbm>> -> memref<1x1x1x5x2000xi32, #tpu.memory_space<hbm>>
    %dma_wait3A_68 = tpu.memref_squeeze %dma_wait3A_67 : memref<1x1x1x5x2000xi32, #tpu.memory_space<hbm>> -> memref<5x2000xi32, #tpu.memory_space<hbm>>
    %dma_wait3A_69 = arith.constant 0 : i32
    %dma_wait3A_70 = arith.constant 0 : i32
    %dma_wait3A_71 = tpu.memref_slice %arg6[%dma_wait3A_60, %dma_wait3A_69, %dma_wait3A_70] : memref<2x5x2000xi32, #tpu.memory_space<vmem>> -> memref<1x5x2000xi32, #tpu.memory_space<vmem>>
    %dma_wait3A_72 = tpu.memref_squeeze %dma_wait3A_71 : memref<1x5x2000xi32, #tpu.memory_space<vmem>> -> memref<5x2000xi32, #tpu.memory_space<vmem>>
    %dma_wait3A_73 = arith.constant 0 : i32
    %dma_wait3A_74 = arith.constant 0 : i32
    %dma_wait3A_75 = tpu.memref_slice %arg3[%dma_wait3A_58, %add3A, %dma_wait3A_59, %dma_wait3A_73, %dma_wait3A_74] : memref<2x32x1x5x2000xi32, #tpu.memory_space<hbm>> -> memref<1x1x1x5x2000xi32, #tpu.memory_space<hbm>>
    %dma_wait3A_76 = tpu.memref_squeeze %dma_wait3A_75 : memref<1x1x1x5x2000xi32, #tpu.memory_space<hbm>> -> memref<5x2000xi32, #tpu.memory_space<hbm>>
    tpu.wait_dma2 semaphore(%arg12 : memref<!tpu.dma_semaphore, #tpu.memory_space<semaphore_mem>>) src(%dma_wait3A_76 : memref<5x2000xi32, #tpu.memory_space<hbm>>) dst(%dma_wait3A_72 : memref<5x2000xi32, #tpu.memory_space<vmem>>)
    %dma_start3A_77 = arith.constant 0 : i32
    %dma_start3A_78 = arith.constant 0 : i32
    %dma_start3A_79 = arith.constant 0 : i32
    %dma_start3A_80 = tpu.memref_slice %arg5[%dma_start3A_77, %dma_start3A_78, %dma_start3A_79] : memref<2x5x2000xi32, #tpu.memory_space<vmem>> -> memref<1x1x2000xi32, #tpu.memory_space<vmem>>
    %dma_start3A_81 = tpu.memref_squeeze %dma_start3A_80 : memref<1x1x2000xi32, #tpu.memory_space<vmem>> -> memref<2000xi32, #tpu.memory_space<vmem>>
    %dma_start3A_82 = arith.constant 0 : i32
    %dma_start3A_83 = arith.constant 0 : i32
    %dma_start3A_84 = tpu.memref_slice %arg2[%dma_start3A_82, %dma_start3A_83] : memref<10240x16xf32, #tpu.memory_space<hbm>> -> memref<10240x16xf32, #tpu.memory_space<hbm>>
    tpu.enqueue_indirect_dma source(%dma_start3A_84 : memref<10240x16xf32, #tpu.memory_space<hbm>>) target(%arg7 : memref<2000x16xf32, #tpu.memory_space<vmem>>) offsets(%dma_start3A_81 : memref<2000xi32, #tpu.memory_space<vmem>>) semaphore(%arg10 : memref<!tpu.dma_semaphore, #tpu.memory_space<semaphore_mem>>)
    %scan3A = arith.constant 0 : i32
    %scan3A_85 = arith.constant 0 : i32
    %scan3A_86 = arith.constant 2 : i32
    %scan3A_87 = arith.addi %scan3A_85, %scan3A_86 : i32
    %scan3A_88 = arith.constant 1 : i32
    scf.for %scan3A_99 = %scan3A_85 to %scan3A_87 step %scan3A_88  : i32 {
      %mul3A_100 = arith.constant 2 : i32
      %mul3A_101 = arith.muli %mul3A_100, %scan3A_99 : i32
      %add3A_102 = arith.constant 1 : i32
      %add3A_103 = arith.addi %mul3A_101, %add3A_102 : i32
      %dma_start3A_104 = arith.constant 0 : i32
      %dma_start3A_105 = arith.constant 0 : i32
      %dma_start3A_106 = tpu.memref_slice %arg5[%dma_start3A_104, %add3A_103, %dma_start3A_105] : memref<2x5x2000xi32, #tpu.memory_space<vmem>> -> memref<1x1x2000xi32, #tpu.memory_space<vmem>>
      %dma_start3A_107 = tpu.memref_squeeze %dma_start3A_106 : memref<1x1x2000xi32, #tpu.memory_space<vmem>> -> memref<2000xi32, #tpu.memory_space<vmem>>
      %dma_start3A_108 = arith.constant 0 : i32
      %dma_start3A_109 = arith.constant 0 : i32
      %dma_start3A_110 = tpu.memref_slice %arg2[%dma_start3A_108, %dma_start3A_109] : memref<10240x16xf32, #tpu.memory_space<hbm>> -> memref<10240x16xf32, #tpu.memory_space<hbm>>
      tpu.enqueue_indirect_dma source(%dma_start3A_110 : memref<10240x16xf32, #tpu.memory_space<hbm>>) target(%arg8 : memref<2000x16xf32, #tpu.memory_space<vmem>>) offsets(%dma_start3A_107 : memref<2000xi32, #tpu.memory_space<vmem>>) semaphore(%arg11 : memref<!tpu.dma_semaphore, #tpu.memory_space<semaphore_mem>>)
      %dma_wait3A_111 = arith.constant 0 : i32
      %dma_wait3A_112 = arith.constant 0 : i32
      %dma_wait3A_113 = tpu.memref_slice %arg5[%dma_wait3A_111, %mul3A_101, %dma_wait3A_112] : memref<2x5x2000xi32, #tpu.memory_space<vmem>> -> memref<1x1x2000xi32, #tpu.memory_space<vmem>>
      %dma_wait3A_114 = tpu.memref_squeeze %dma_wait3A_113 : memref<1x1x2000xi32, #tpu.memory_space<vmem>> -> memref<2000xi32, #tpu.memory_space<vmem>>
      %dma_wait3A_115 = arith.constant 0 : i32
      %dma_wait3A_116 = arith.constant 0 : i32
      %dma_wait3A_117 = tpu.memref_slice %arg2[%dma_wait3A_115, %dma_wait3A_116] : memref<10240x16xf32, #tpu.memory_space<hbm>> -> memref<10240x16xf32, #tpu.memory_space<hbm>>
      tpu.wait_indirect_dma semaphore(%arg10 : memref<!tpu.dma_semaphore, #tpu.memory_space<semaphore_mem>>) src(%dma_wait3A_117 : memref<10240x16xf32, #tpu.memory_space<hbm>>) dst(%arg7 : memref<2000x16xf32, #tpu.memory_space<vmem>>)
      %add3A_118 = arith.constant 2 : i32
      %add3A_119 = arith.addi %mul3A_101, %add3A_118 : i32
      %dma_start3A_120 = arith.constant 0 : i32
      %dma_start3A_121 = arith.constant 0 : i32
      %dma_start3A_122 = tpu.memref_slice %arg5[%dma_start3A_120, %add3A_119, %dma_start3A_121] : memref<2x5x2000xi32, #tpu.memory_space<vmem>> -> memref<1x1x2000xi32, #tpu.memory_space<vmem>>
      %dma_start3A_123 = tpu.memref_squeeze %dma_start3A_122 : memref<1x1x2000xi32, #tpu.memory_space<vmem>> -> memref<2000xi32, #tpu.memory_space<vmem>>
      %dma_start3A_124 = arith.constant 0 : i32
      %dma_start3A_125 = arith.constant 0 : i32
      %dma_start3A_126 = tpu.memref_slice %arg2[%dma_start3A_124, %dma_start3A_125] : memref<10240x16xf32, #tpu.memory_space<hbm>> -> memref<10240x16xf32, #tpu.memory_space<hbm>>
      tpu.enqueue_indirect_dma source(%dma_start3A_126 : memref<10240x16xf32, #tpu.memory_space<hbm>>) target(%arg7 : memref<2000x16xf32, #tpu.memory_space<vmem>>) offsets(%dma_start3A_123 : memref<2000xi32, #tpu.memory_space<vmem>>) semaphore(%arg10 : memref<!tpu.dma_semaphore, #tpu.memory_space<semaphore_mem>>)
      %add3A_127 = arith.constant 1 : i32
      %add3A_128 = arith.addi %mul3A_101, %add3A_127 : i32
      %dma_wait3A_129 = arith.constant 0 : i32
      %dma_wait3A_130 = arith.constant 0 : i32
      %dma_wait3A_131 = tpu.memref_slice %arg5[%dma_wait3A_129, %add3A_128, %dma_wait3A_130] : memref<2x5x2000xi32, #tpu.memory_space<vmem>> -> memref<1x1x2000xi32, #tpu.memory_space<vmem>>
      %dma_wait3A_132 = tpu.memref_squeeze %dma_wait3A_131 : memref<1x1x2000xi32, #tpu.memory_space<vmem>> -> memref<2000xi32, #tpu.memory_space<vmem>>
      %dma_wait3A_133 = arith.constant 0 : i32
      %dma_wait3A_134 = arith.constant 0 : i32
      %dma_wait3A_135 = tpu.memref_slice %arg2[%dma_wait3A_133, %dma_wait3A_134] : memref<10240x16xf32, #tpu.memory_space<hbm>> -> memref<10240x16xf32, #tpu.memory_space<hbm>>
      tpu.wait_indirect_dma semaphore(%arg11 : memref<!tpu.dma_semaphore, #tpu.memory_space<semaphore_mem>>) src(%dma_wait3A_135 : memref<10240x16xf32, #tpu.memory_space<hbm>>) dst(%arg8 : memref<2000x16xf32, #tpu.memory_space<vmem>>)
      %add3A_136 = arith.constant 1 : i32
      %add3A_137 = arith.addi %mul3A_101, %add3A_136 : i32
    }
    %scan3A_89 = arith.constant 2 : i32
    %dma_wait3A_90 = arith.constant 0 : i32
    %dma_wait3A_91 = arith.constant 4 : i32
    %dma_wait3A_92 = arith.constant 0 : i32
    %dma_wait3A_93 = tpu.memref_slice %arg5[%dma_wait3A_90, %dma_wait3A_91, %dma_wait3A_92] : memref<2x5x2000xi32, #tpu.memory_space<vmem>> -> memref<1x1x2000xi32, #tpu.memory_space<vmem>>
    %dma_wait3A_94 = tpu.memref_squeeze %dma_wait3A_93 : memref<1x1x2000xi32, #tpu.memory_space<vmem>> -> memref<2000xi32, #tpu.memory_space<vmem>>
    %dma_wait3A_95 = arith.constant 0 : i32
    %dma_wait3A_96 = arith.constant 0 : i32
    %dma_wait3A_97 = tpu.memref_slice %arg2[%dma_wait3A_95, %dma_wait3A_96] : memref<10240x16xf32, #tpu.memory_space<hbm>> -> memref<10240x16xf32, #tpu.memory_space<hbm>>
    tpu.wait_indirect_dma semaphore(%arg10 : memref<!tpu.dma_semaphore, #tpu.memory_space<semaphore_mem>>) src(%dma_wait3A_97 : memref<10240x16xf32, #tpu.memory_space<hbm>>) dst(%arg7 : memref<2000x16xf32, #tpu.memory_space<vmem>>)
    %barrier3A_98 = arith.constant 0 : index
    tpu.barrier barrier_id(%barrier3A_98)
    "tpu.region"() ({
      %run_scoped3A = tpu.sem_alloc : memref<!tpu.dma_semaphore, #tpu.memory_space<semaphore_mem>>
      %dma_start3A_99 = arith.constant 0 : i32
      %dma_start3A_100 = tpu.memref_slice %arg4[%arg0, %mul3A_2, %dma_start3A_99] : memref<2x10240x16xf32, #tpu.memory_space<hbm>> -> memref<1x640x16xf32, #tpu.memory_space<hbm>>
      %dma_start3A_101 = tpu.memref_squeeze %dma_start3A_100 : memref<1x640x16xf32, #tpu.memory_space<hbm>> -> memref<640x16xf32, #tpu.memory_space<hbm>>
      %dma_start3A_102 = arith.constant 0 : i32
      %dma_start3A_103 = tpu.memref_slice %arg9[%mul3A_2, %dma_start3A_102] : memref<10240x16xf32, #tpu.memory_space<vmem_shared>> -> memref<640x16xf32, #tpu.memory_space<vmem_shared>>
      tpu.enqueue_dma source(%dma_start3A_103 : memref<640x16xf32, #tpu.memory_space<vmem_shared>>) target(%dma_start3A_101 : memref<640x16xf32, #tpu.memory_space<hbm>>) target_semaphore(%run_scoped3A : memref<!tpu.dma_semaphore, #tpu.memory_space<semaphore_mem>>)
      %dma_wait3A_104 = arith.constant 0 : i32
      %dma_wait3A_105 = tpu.memref_slice %arg4[%arg0, %mul3A_2, %dma_wait3A_104] : memref<2x10240x16xf32, #tpu.memory_space<hbm>> -> memref<1x640x16xf32, #tpu.memory_space<hbm>>
      %dma_wait3A_106 = tpu.memref_squeeze %dma_wait3A_105 : memref<1x640x16xf32, #tpu.memory_space<hbm>> -> memref<640x16xf32, #tpu.memory_space<hbm>>
      %dma_wait3A_107 = arith.constant 0 : i32
      %dma_wait3A_108 = tpu.memref_slice %arg9[%mul3A_2, %dma_wait3A_107] : memref<10240x16xf32, #tpu.memory_space<vmem_shared>> -> memref<640x16xf32, #tpu.memory_space<vmem_shared>>
      tpu.wait_dma2 semaphore(%run_scoped3A : memref<!tpu.dma_semaphore, #tpu.memory_space<semaphore_mem>>) src(%dma_wait3A_108 : memref<640x16xf32, #tpu.memory_space<vmem_shared>>) dst(%dma_wait3A_106 : memref<640x16xf32, #tpu.memory_space<hbm>>)
      tpu.yield
    }) : () -> ()
    return
  }
}

#map = affine_map<(d0, d1) -> (0, 0)>
#map1 = affine_map<(d0, d1) -> (0, 0, 0, 0, 0)>
#map2 = affine_map<(d0, d1) -> (0, 0, 0)>
module attributes {stable_mosaic.version = 14 : i64} {
  func.func @agg_kernel(%arg0: i32, %arg1: i32, %arg2: memref<10240x128xf32, #tpu.memory_space<hbm>>, %arg3: memref<2x32x5x25x80xi32, #tpu.memory_space<hbm>>, %arg4: memref<2x10240x128xf32, #tpu.memory_space<hbm>>, %arg5: memref<2x25x80xi32, #tpu.memory_space<vmem>>, %arg6: memref<2x25x80xi32, #tpu.memory_space<vmem>>, %arg7: memref<80x128xf32, #tpu.memory_space<vmem>>, %arg8: memref<80x128xf32, #tpu.memory_space<vmem>>, %arg9: memref<10240x128xf32, #tpu.memory_space<vmem_shared>>, %arg10: memref<!tpu.dma_semaphore, #tpu.memory_space<semaphore_mem>>, %arg11: memref<!tpu.dma_semaphore, #tpu.memory_space<semaphore_mem>>, %arg12: memref<!tpu.dma_semaphore, #tpu.memory_space<semaphore_mem>>) attributes {dimension_semantics = [#tpu.dimension_semantics<core_parallel>, #tpu.dimension_semantics<subcore_parallel>], iteration_bounds = array<i64: 2, 16>, scalar_prefetch = 0 : i64, scratch_operands = 8 : i64, tpu.core_type = #tpu.core_type<sc_vector_subcore>, window_params = [{transform_indices = #map}, {transform_indices = #map1}, {transform_indices = #map2}]} {
    %mul3A = arith.constant 2 : i32
    %mul3A_0 = arith.muli %arg1, %mul3A : i32
    %add3A = arith.addi %mul3A_0, %arg0 : i32
    %mul3A_1 = arith.constant 640 : i32
    %mul3A_2 = arith.muli %arg1, %mul3A_1 : i32
    %dma_start3A = arith.constant 0 : i32
    %dma_start3A_3 = arith.constant 0 : i32
    %dma_start3A_4 = arith.constant 0 : i32
    %dma_start3A_5 = arith.constant 0 : i32
    %dma_start3A_6 = arith.constant 0 : i32
    %dma_start3A_7 = tpu.memref_slice %arg5[%dma_start3A_4, %dma_start3A_5, %dma_start3A_6] : memref<2x25x80xi32, #tpu.memory_space<vmem>> -> memref<1x25x80xi32, #tpu.memory_space<vmem>>
    %dma_start3A_8 = tpu.memref_squeeze %dma_start3A_7 : memref<1x25x80xi32, #tpu.memory_space<vmem>> -> memref<25x80xi32, #tpu.memory_space<vmem>>
    %dma_start3A_9 = arith.constant 0 : i32
    %dma_start3A_10 = arith.constant 0 : i32
    %dma_start3A_11 = tpu.memref_slice %arg3[%dma_start3A, %add3A, %dma_start3A_3, %dma_start3A_9, %dma_start3A_10] : memref<2x32x5x25x80xi32, #tpu.memory_space<hbm>> -> memref<1x1x1x25x80xi32, #tpu.memory_space<hbm>>
    %dma_start3A_12 = tpu.memref_squeeze %dma_start3A_11 : memref<1x1x1x25x80xi32, #tpu.memory_space<hbm>> -> memref<25x80xi32, #tpu.memory_space<hbm>>
    %dma_start3A_13 = arith.constant 0 : i32
    %dma_start3A_14 = arith.constant 0 : i32
    %dma_start3A_15 = tpu.memref_slice %arg5[%dma_start3A_4, %dma_start3A_13, %dma_start3A_14] : memref<2x25x80xi32, #tpu.memory_space<vmem>> -> memref<1x25x80xi32, #tpu.memory_space<vmem>>
    %dma_start3A_16 = tpu.memref_squeeze %dma_start3A_15 : memref<1x25x80xi32, #tpu.memory_space<vmem>> -> memref<25x80xi32, #tpu.memory_space<vmem>>
    %dma_start3A_17 = arith.constant 0 : i32
    %dma_start3A_18 = arith.constant 0 : i32
    %dma_start3A_19 = tpu.memref_slice %arg3[%dma_start3A, %add3A, %dma_start3A_3, %dma_start3A_17, %dma_start3A_18] : memref<2x32x5x25x80xi32, #tpu.memory_space<hbm>> -> memref<1x1x1x25x80xi32, #tpu.memory_space<hbm>>
    %dma_start3A_20 = tpu.memref_squeeze %dma_start3A_19 : memref<1x1x1x25x80xi32, #tpu.memory_space<hbm>> -> memref<25x80xi32, #tpu.memory_space<hbm>>
    tpu.enqueue_dma source(%dma_start3A_20 : memref<25x80xi32, #tpu.memory_space<hbm>>) target(%dma_start3A_16 : memref<25x80xi32, #tpu.memory_space<vmem>>) target_semaphore(%arg12 : memref<!tpu.dma_semaphore, #tpu.memory_space<semaphore_mem>>)
    %dma_start3A_21 = arith.constant 1 : i32
    %dma_start3A_22 = arith.constant 0 : i32
    %dma_start3A_23 = arith.constant 0 : i32
    %dma_start3A_24 = arith.constant 0 : i32
    %dma_start3A_25 = arith.constant 0 : i32
    %dma_start3A_26 = tpu.memref_slice %arg6[%dma_start3A_23, %dma_start3A_24, %dma_start3A_25] : memref<2x25x80xi32, #tpu.memory_space<vmem>> -> memref<1x25x80xi32, #tpu.memory_space<vmem>>
    %dma_start3A_27 = tpu.memref_squeeze %dma_start3A_26 : memref<1x25x80xi32, #tpu.memory_space<vmem>> -> memref<25x80xi32, #tpu.memory_space<vmem>>
    %dma_start3A_28 = arith.constant 0 : i32
    %dma_start3A_29 = arith.constant 0 : i32
    %dma_start3A_30 = tpu.memref_slice %arg3[%dma_start3A_21, %add3A, %dma_start3A_22, %dma_start3A_28, %dma_start3A_29] : memref<2x32x5x25x80xi32, #tpu.memory_space<hbm>> -> memref<1x1x1x25x80xi32, #tpu.memory_space<hbm>>
    %dma_start3A_31 = tpu.memref_squeeze %dma_start3A_30 : memref<1x1x1x25x80xi32, #tpu.memory_space<hbm>> -> memref<25x80xi32, #tpu.memory_space<hbm>>
    %dma_start3A_32 = arith.constant 0 : i32
    %dma_start3A_33 = arith.constant 0 : i32
    %dma_start3A_34 = tpu.memref_slice %arg6[%dma_start3A_23, %dma_start3A_32, %dma_start3A_33] : memref<2x25x80xi32, #tpu.memory_space<vmem>> -> memref<1x25x80xi32, #tpu.memory_space<vmem>>
    %dma_start3A_35 = tpu.memref_squeeze %dma_start3A_34 : memref<1x25x80xi32, #tpu.memory_space<vmem>> -> memref<25x80xi32, #tpu.memory_space<vmem>>
    %dma_start3A_36 = arith.constant 0 : i32
    %dma_start3A_37 = arith.constant 0 : i32
    %dma_start3A_38 = tpu.memref_slice %arg3[%dma_start3A_21, %add3A, %dma_start3A_22, %dma_start3A_36, %dma_start3A_37] : memref<2x32x5x25x80xi32, #tpu.memory_space<hbm>> -> memref<1x1x1x25x80xi32, #tpu.memory_space<hbm>>
    %dma_start3A_39 = tpu.memref_squeeze %dma_start3A_38 : memref<1x1x1x25x80xi32, #tpu.memory_space<hbm>> -> memref<25x80xi32, #tpu.memory_space<hbm>>
    tpu.enqueue_dma source(%dma_start3A_39 : memref<25x80xi32, #tpu.memory_space<hbm>>) target(%dma_start3A_35 : memref<25x80xi32, #tpu.memory_space<vmem>>) target_semaphore(%arg12 : memref<!tpu.dma_semaphore, #tpu.memory_space<semaphore_mem>>)
    "tpu.region"() ({
      %run_scoped3A = tpu.sem_alloc : memref<!tpu.dma_semaphore, #tpu.memory_space<semaphore_mem>>
      %dma_start3A_491 = arith.constant 0 : i32
      %dma_start3A_492 = tpu.memref_slice %arg9[%mul3A_2, %dma_start3A_491] : memref<10240x128xf32, #tpu.memory_space<vmem_shared>> -> memref<640x128xf32, #tpu.memory_space<vmem_shared>>
      %dma_start3A_493 = arith.constant 0 : i32
      %dma_start3A_494 = tpu.memref_slice %arg2[%mul3A_2, %dma_start3A_493] : memref<10240x128xf32, #tpu.memory_space<hbm>> -> memref<640x128xf32, #tpu.memory_space<hbm>>
      tpu.enqueue_dma source(%dma_start3A_494 : memref<640x128xf32, #tpu.memory_space<hbm>>) target(%dma_start3A_492 : memref<640x128xf32, #tpu.memory_space<vmem_shared>>) target_semaphore(%run_scoped3A : memref<!tpu.dma_semaphore, #tpu.memory_space<semaphore_mem>>)
      %dma_wait3A_495 = arith.constant 0 : i32
      %dma_wait3A_496 = tpu.memref_slice %arg9[%mul3A_2, %dma_wait3A_495] : memref<10240x128xf32, #tpu.memory_space<vmem_shared>> -> memref<640x128xf32, #tpu.memory_space<vmem_shared>>
      %dma_wait3A_497 = arith.constant 0 : i32
      %dma_wait3A_498 = tpu.memref_slice %arg2[%mul3A_2, %dma_wait3A_497] : memref<10240x128xf32, #tpu.memory_space<hbm>> -> memref<640x128xf32, #tpu.memory_space<hbm>>
      tpu.wait_dma2 semaphore(%run_scoped3A : memref<!tpu.dma_semaphore, #tpu.memory_space<semaphore_mem>>) src(%dma_wait3A_498 : memref<640x128xf32, #tpu.memory_space<hbm>>) dst(%dma_wait3A_496 : memref<640x128xf32, #tpu.memory_space<vmem_shared>>)
      tpu.yield
    }) : () -> ()
    %barrier3A = arith.constant 0 : index
    tpu.barrier barrier_id(%barrier3A)
    %dma_wait3A = arith.constant 0 : i32
    %dma_wait3A_40 = arith.constant 0 : i32
    %dma_wait3A_41 = arith.constant 0 : i32
    %dma_wait3A_42 = arith.constant 0 : i32
    %dma_wait3A_43 = arith.constant 0 : i32
    %dma_wait3A_44 = tpu.memref_slice %arg5[%dma_wait3A_41, %dma_wait3A_42, %dma_wait3A_43] : memref<2x25x80xi32, #tpu.memory_space<vmem>> -> memref<1x25x80xi32, #tpu.memory_space<vmem>>
    %dma_wait3A_45 = tpu.memref_squeeze %dma_wait3A_44 : memref<1x25x80xi32, #tpu.memory_space<vmem>> -> memref<25x80xi32, #tpu.memory_space<vmem>>
    %dma_wait3A_46 = arith.constant 0 : i32
    %dma_wait3A_47 = arith.constant 0 : i32
    %dma_wait3A_48 = tpu.memref_slice %arg3[%dma_wait3A, %add3A, %dma_wait3A_40, %dma_wait3A_46, %dma_wait3A_47] : memref<2x32x5x25x80xi32, #tpu.memory_space<hbm>> -> memref<1x1x1x25x80xi32, #tpu.memory_space<hbm>>
    %dma_wait3A_49 = tpu.memref_squeeze %dma_wait3A_48 : memref<1x1x1x25x80xi32, #tpu.memory_space<hbm>> -> memref<25x80xi32, #tpu.memory_space<hbm>>
    %dma_wait3A_50 = arith.constant 0 : i32
    %dma_wait3A_51 = arith.constant 0 : i32
    %dma_wait3A_52 = tpu.memref_slice %arg5[%dma_wait3A_41, %dma_wait3A_50, %dma_wait3A_51] : memref<2x25x80xi32, #tpu.memory_space<vmem>> -> memref<1x25x80xi32, #tpu.memory_space<vmem>>
    %dma_wait3A_53 = tpu.memref_squeeze %dma_wait3A_52 : memref<1x25x80xi32, #tpu.memory_space<vmem>> -> memref<25x80xi32, #tpu.memory_space<vmem>>
    %dma_wait3A_54 = arith.constant 0 : i32
    %dma_wait3A_55 = arith.constant 0 : i32
    %dma_wait3A_56 = tpu.memref_slice %arg3[%dma_wait3A, %add3A, %dma_wait3A_40, %dma_wait3A_54, %dma_wait3A_55] : memref<2x32x5x25x80xi32, #tpu.memory_space<hbm>> -> memref<1x1x1x25x80xi32, #tpu.memory_space<hbm>>
    %dma_wait3A_57 = tpu.memref_squeeze %dma_wait3A_56 : memref<1x1x1x25x80xi32, #tpu.memory_space<hbm>> -> memref<25x80xi32, #tpu.memory_space<hbm>>
    tpu.wait_dma2 semaphore(%arg12 : memref<!tpu.dma_semaphore, #tpu.memory_space<semaphore_mem>>) src(%dma_wait3A_57 : memref<25x80xi32, #tpu.memory_space<hbm>>) dst(%dma_wait3A_53 : memref<25x80xi32, #tpu.memory_space<vmem>>)
    %dma_wait3A_58 = arith.constant 1 : i32
    %dma_wait3A_59 = arith.constant 0 : i32
    %dma_wait3A_60 = arith.constant 0 : i32
    %dma_wait3A_61 = arith.constant 0 : i32
    %dma_wait3A_62 = arith.constant 0 : i32
    %dma_wait3A_63 = tpu.memref_slice %arg6[%dma_wait3A_60, %dma_wait3A_61, %dma_wait3A_62] : memref<2x25x80xi32, #tpu.memory_space<vmem>> -> memref<1x25x80xi32, #tpu.memory_space<vmem>>
    %dma_wait3A_64 = tpu.memref_squeeze %dma_wait3A_63 : memref<1x25x80xi32, #tpu.memory_space<vmem>> -> memref<25x80xi32, #tpu.memory_space<vmem>>
    %dma_wait3A_65 = arith.constant 0 : i32
    %dma_wait3A_66 = arith.constant 0 : i32
    %dma_wait3A_67 = tpu.memref_slice %arg3[%dma_wait3A_58, %add3A, %dma_wait3A_59, %dma_wait3A_65, %dma_wait3A_66] : memref<2x32x5x25x80xi32, #tpu.memory_space<hbm>> -> memref<1x1x1x25x80xi32, #tpu.memory_space<hbm>>
    %dma_wait3A_68 = tpu.memref_squeeze %dma_wait3A_67 : memref<1x1x1x25x80xi32, #tpu.memory_space<hbm>> -> memref<25x80xi32, #tpu.memory_space<hbm>>
    %dma_wait3A_69 = arith.constant 0 : i32
    %dma_wait3A_70 = arith.constant 0 : i32
    %dma_wait3A_71 = tpu.memref_slice %arg6[%dma_wait3A_60, %dma_wait3A_69, %dma_wait3A_70] : memref<2x25x80xi32, #tpu.memory_space<vmem>> -> memref<1x25x80xi32, #tpu.memory_space<vmem>>
    %dma_wait3A_72 = tpu.memref_squeeze %dma_wait3A_71 : memref<1x25x80xi32, #tpu.memory_space<vmem>> -> memref<25x80xi32, #tpu.memory_space<vmem>>
    %dma_wait3A_73 = arith.constant 0 : i32
    %dma_wait3A_74 = arith.constant 0 : i32
    %dma_wait3A_75 = tpu.memref_slice %arg3[%dma_wait3A_58, %add3A, %dma_wait3A_59, %dma_wait3A_73, %dma_wait3A_74] : memref<2x32x5x25x80xi32, #tpu.memory_space<hbm>> -> memref<1x1x1x25x80xi32, #tpu.memory_space<hbm>>
    %dma_wait3A_76 = tpu.memref_squeeze %dma_wait3A_75 : memref<1x1x1x25x80xi32, #tpu.memory_space<hbm>> -> memref<25x80xi32, #tpu.memory_space<hbm>>
    tpu.wait_dma2 semaphore(%arg12 : memref<!tpu.dma_semaphore, #tpu.memory_space<semaphore_mem>>) src(%dma_wait3A_76 : memref<25x80xi32, #tpu.memory_space<hbm>>) dst(%dma_wait3A_72 : memref<25x80xi32, #tpu.memory_space<vmem>>)
    %dma_start3A_77 = arith.constant 0 : i32
    %dma_start3A_78 = arith.constant 0 : i32
    %dma_start3A_79 = arith.constant 0 : i32
    %dma_start3A_80 = tpu.memref_slice %arg5[%dma_start3A_77, %dma_start3A_78, %dma_start3A_79] : memref<2x25x80xi32, #tpu.memory_space<vmem>> -> memref<1x1x80xi32, #tpu.memory_space<vmem>>
    %dma_start3A_81 = tpu.memref_squeeze %dma_start3A_80 : memref<1x1x80xi32, #tpu.memory_space<vmem>> -> memref<80xi32, #tpu.memory_space<vmem>>
    %dma_start3A_82 = arith.constant 0 : i32
    %dma_start3A_83 = arith.constant 0 : i32
    %dma_start3A_84 = tpu.memref_slice %arg2[%dma_start3A_82, %dma_start3A_83] : memref<10240x128xf32, #tpu.memory_space<hbm>> -> memref<10240x128xf32, #tpu.memory_space<hbm>>
    tpu.enqueue_indirect_dma source(%dma_start3A_84 : memref<10240x128xf32, #tpu.memory_space<hbm>>) target(%arg7 : memref<80x128xf32, #tpu.memory_space<vmem>>) offsets(%dma_start3A_81 : memref<80xi32, #tpu.memory_space<vmem>>) semaphore(%arg10 : memref<!tpu.dma_semaphore, #tpu.memory_space<semaphore_mem>>)
    %dma_start3A_85 = arith.constant 0 : i32
    %dma_start3A_86 = arith.constant 1 : i32
    %dma_start3A_87 = arith.constant 1 : i32
    %dma_start3A_88 = arith.constant 0 : i32
    %dma_start3A_89 = arith.constant 0 : i32
    %dma_start3A_90 = tpu.memref_slice %arg5[%dma_start3A_87, %dma_start3A_88, %dma_start3A_89] : memref<2x25x80xi32, #tpu.memory_space<vmem>> -> memref<1x25x80xi32, #tpu.memory_space<vmem>>
    %dma_start3A_91 = tpu.memref_squeeze %dma_start3A_90 : memref<1x25x80xi32, #tpu.memory_space<vmem>> -> memref<25x80xi32, #tpu.memory_space<vmem>>
    %dma_start3A_92 = arith.constant 0 : i32
    %dma_start3A_93 = arith.constant 0 : i32
    %dma_start3A_94 = tpu.memref_slice %arg3[%dma_start3A_85, %add3A, %dma_start3A_86, %dma_start3A_92, %dma_start3A_93] : memref<2x32x5x25x80xi32, #tpu.memory_space<hbm>> -> memref<1x1x1x25x80xi32, #tpu.memory_space<hbm>>
    %dma_start3A_95 = tpu.memref_squeeze %dma_start3A_94 : memref<1x1x1x25x80xi32, #tpu.memory_space<hbm>> -> memref<25x80xi32, #tpu.memory_space<hbm>>
    %dma_start3A_96 = arith.constant 0 : i32
    %dma_start3A_97 = arith.constant 0 : i32
    %dma_start3A_98 = tpu.memref_slice %arg5[%dma_start3A_87, %dma_start3A_96, %dma_start3A_97] : memref<2x25x80xi32, #tpu.memory_space<vmem>> -> memref<1x25x80xi32, #tpu.memory_space<vmem>>
    %dma_start3A_99 = tpu.memref_squeeze %dma_start3A_98 : memref<1x25x80xi32, #tpu.memory_space<vmem>> -> memref<25x80xi32, #tpu.memory_space<vmem>>
    %dma_start3A_100 = arith.constant 0 : i32
    %dma_start3A_101 = arith.constant 0 : i32
    %dma_start3A_102 = tpu.memref_slice %arg3[%dma_start3A_85, %add3A, %dma_start3A_86, %dma_start3A_100, %dma_start3A_101] : memref<2x32x5x25x80xi32, #tpu.memory_space<hbm>> -> memref<1x1x1x25x80xi32, #tpu.memory_space<hbm>>
    %dma_start3A_103 = tpu.memref_squeeze %dma_start3A_102 : memref<1x1x1x25x80xi32, #tpu.memory_space<hbm>> -> memref<25x80xi32, #tpu.memory_space<hbm>>
    tpu.enqueue_dma source(%dma_start3A_103 : memref<25x80xi32, #tpu.memory_space<hbm>>) target(%dma_start3A_99 : memref<25x80xi32, #tpu.memory_space<vmem>>) target_semaphore(%arg12 : memref<!tpu.dma_semaphore, #tpu.memory_space<semaphore_mem>>)
    %dma_start3A_104 = arith.constant 1 : i32
    %dma_start3A_105 = arith.constant 1 : i32
    %dma_start3A_106 = arith.constant 1 : i32
    %dma_start3A_107 = arith.constant 0 : i32
    %dma_start3A_108 = arith.constant 0 : i32
    %dma_start3A_109 = tpu.memref_slice %arg6[%dma_start3A_106, %dma_start3A_107, %dma_start3A_108] : memref<2x25x80xi32, #tpu.memory_space<vmem>> -> memref<1x25x80xi32, #tpu.memory_space<vmem>>
    %dma_start3A_110 = tpu.memref_squeeze %dma_start3A_109 : memref<1x25x80xi32, #tpu.memory_space<vmem>> -> memref<25x80xi32, #tpu.memory_space<vmem>>
    %dma_start3A_111 = arith.constant 0 : i32
    %dma_start3A_112 = arith.constant 0 : i32
    %dma_start3A_113 = tpu.memref_slice %arg3[%dma_start3A_104, %add3A, %dma_start3A_105, %dma_start3A_111, %dma_start3A_112] : memref<2x32x5x25x80xi32, #tpu.memory_space<hbm>> -> memref<1x1x1x25x80xi32, #tpu.memory_space<hbm>>
    %dma_start3A_114 = tpu.memref_squeeze %dma_start3A_113 : memref<1x1x1x25x80xi32, #tpu.memory_space<hbm>> -> memref<25x80xi32, #tpu.memory_space<hbm>>
    %dma_start3A_115 = arith.constant 0 : i32
    %dma_start3A_116 = arith.constant 0 : i32
    %dma_start3A_117 = tpu.memref_slice %arg6[%dma_start3A_106, %dma_start3A_115, %dma_start3A_116] : memref<2x25x80xi32, #tpu.memory_space<vmem>> -> memref<1x25x80xi32, #tpu.memory_space<vmem>>
    %dma_start3A_118 = tpu.memref_squeeze %dma_start3A_117 : memref<1x25x80xi32, #tpu.memory_space<vmem>> -> memref<25x80xi32, #tpu.memory_space<vmem>>
    %dma_start3A_119 = arith.constant 0 : i32
    %dma_start3A_120 = arith.constant 0 : i32
    %dma_start3A_121 = tpu.memref_slice %arg3[%dma_start3A_104, %add3A, %dma_start3A_105, %dma_start3A_119, %dma_start3A_120] : memref<2x32x5x25x80xi32, #tpu.memory_space<hbm>> -> memref<1x1x1x25x80xi32, #tpu.memory_space<hbm>>
    %dma_start3A_122 = tpu.memref_squeeze %dma_start3A_121 : memref<1x1x1x25x80xi32, #tpu.memory_space<hbm>> -> memref<25x80xi32, #tpu.memory_space<hbm>>
    tpu.enqueue_dma source(%dma_start3A_122 : memref<25x80xi32, #tpu.memory_space<hbm>>) target(%dma_start3A_118 : memref<25x80xi32, #tpu.memory_space<vmem>>) target_semaphore(%arg12 : memref<!tpu.dma_semaphore, #tpu.memory_space<semaphore_mem>>)
    %scan3A = arith.constant 0 : i32
    %scan3A_123 = arith.constant 0 : i32
    %scan3A_124 = arith.constant 12 : i32
    %scan3A_125 = arith.addi %scan3A_123, %scan3A_124 : i32
    %scan3A_126 = arith.constant 1 : i32
    scf.for %scan3A_491 = %scan3A_123 to %scan3A_125 step %scan3A_126  : i32 {
      %mul3A_492 = arith.constant 2 : i32
      %mul3A_493 = arith.muli %mul3A_492, %scan3A_491 : i32
      %add3A_494 = arith.constant 1 : i32
      %add3A_495 = arith.addi %mul3A_493, %add3A_494 : i32
      %dma_start3A_496 = arith.constant 0 : i32
      %dma_start3A_497 = arith.constant 0 : i32
      %dma_start3A_498 = tpu.memref_slice %arg5[%dma_start3A_496, %add3A_495, %dma_start3A_497] : memref<2x25x80xi32, #tpu.memory_space<vmem>> -> memref<1x1x80xi32, #tpu.memory_space<vmem>>
      %dma_start3A_499 = tpu.memref_squeeze %dma_start3A_498 : memref<1x1x80xi32, #tpu.memory_space<vmem>> -> memref<80xi32, #tpu.memory_space<vmem>>
      %dma_start3A_500 = arith.constant 0 : i32
      %dma_start3A_501 = arith.constant 0 : i32
      %dma_start3A_502 = tpu.memref_slice %arg2[%dma_start3A_500, %dma_start3A_501] : memref<10240x128xf32, #tpu.memory_space<hbm>> -> memref<10240x128xf32, #tpu.memory_space<hbm>>
      tpu.enqueue_indirect_dma source(%dma_start3A_502 : memref<10240x128xf32, #tpu.memory_space<hbm>>) target(%arg8 : memref<80x128xf32, #tpu.memory_space<vmem>>) offsets(%dma_start3A_499 : memref<80xi32, #tpu.memory_space<vmem>>) semaphore(%arg11 : memref<!tpu.dma_semaphore, #tpu.memory_space<semaphore_mem>>)
      %dma_wait3A_503 = arith.constant 0 : i32
      %dma_wait3A_504 = arith.constant 0 : i32
      %dma_wait3A_505 = tpu.memref_slice %arg5[%dma_wait3A_503, %mul3A_493, %dma_wait3A_504] : memref<2x25x80xi32, #tpu.memory_space<vmem>> -> memref<1x1x80xi32, #tpu.memory_space<vmem>>
      %dma_wait3A_506 = tpu.memref_squeeze %dma_wait3A_505 : memref<1x1x80xi32, #tpu.memory_space<vmem>> -> memref<80xi32, #tpu.memory_space<vmem>>
      %dma_wait3A_507 = arith.constant 0 : i32
      %dma_wait3A_508 = arith.constant 0 : i32
      %dma_wait3A_509 = tpu.memref_slice %arg2[%dma_wait3A_507, %dma_wait3A_508] : memref<10240x128xf32, #tpu.memory_space<hbm>> -> memref<10240x128xf32, #tpu.memory_space<hbm>>
      tpu.wait_indirect_dma semaphore(%arg10 : memref<!tpu.dma_semaphore, #tpu.memory_space<semaphore_mem>>) src(%dma_wait3A_509 : memref<10240x128xf32, #tpu.memory_space<hbm>>) dst(%arg7 : memref<80x128xf32, #tpu.memory_space<vmem>>)
      %add3A_510 = arith.constant 2 : i32
      %add3A_511 = arith.addi %mul3A_493, %add3A_510 : i32
      %dma_start3A_512 = arith.constant 0 : i32
      %dma_start3A_513 = arith.constant 0 : i32
      %dma_start3A_514 = tpu.memref_slice %arg5[%dma_start3A_512, %add3A_511, %dma_start3A_513] : memref<2x25x80xi32, #tpu.memory_space<vmem>> -> memref<1x1x80xi32, #tpu.memory_space<vmem>>
      %dma_start3A_515 = tpu.memref_squeeze %dma_start3A_514 : memref<1x1x80xi32, #tpu.memory_space<vmem>> -> memref<80xi32, #tpu.memory_space<vmem>>
      %dma_start3A_516 = arith.constant 0 : i32
      %dma_start3A_517 = arith.constant 0 : i32
      %dma_start3A_518 = tpu.memref_slice %arg2[%dma_start3A_516, %dma_start3A_517] : memref<10240x128xf32, #tpu.memory_space<hbm>> -> memref<10240x128xf32, #tpu.memory_space<hbm>>
      tpu.enqueue_indirect_dma source(%dma_start3A_518 : memref<10240x128xf32, #tpu.memory_space<hbm>>) target(%arg7 : memref<80x128xf32, #tpu.memory_space<vmem>>) offsets(%dma_start3A_515 : memref<80xi32, #tpu.memory_space<vmem>>) semaphore(%arg10 : memref<!tpu.dma_semaphore, #tpu.memory_space<semaphore_mem>>)
      %add3A_519 = arith.constant 1 : i32
      %add3A_520 = arith.addi %mul3A_493, %add3A_519 : i32
      %dma_wait3A_521 = arith.constant 0 : i32
      %dma_wait3A_522 = arith.constant 0 : i32
      %dma_wait3A_523 = tpu.memref_slice %arg5[%dma_wait3A_521, %add3A_520, %dma_wait3A_522] : memref<2x25x80xi32, #tpu.memory_space<vmem>> -> memref<1x1x80xi32, #tpu.memory_space<vmem>>
      %dma_wait3A_524 = tpu.memref_squeeze %dma_wait3A_523 : memref<1x1x80xi32, #tpu.memory_space<vmem>> -> memref<80xi32, #tpu.memory_space<vmem>>
      %dma_wait3A_525 = arith.constant 0 : i32
      %dma_wait3A_526 = arith.constant 0 : i32
      %dma_wait3A_527 = tpu.memref_slice %arg2[%dma_wait3A_525, %dma_wait3A_526] : memref<10240x128xf32, #tpu.memory_space<hbm>> -> memref<10240x128xf32, #tpu.memory_space<hbm>>
      tpu.wait_indirect_dma semaphore(%arg11 : memref<!tpu.dma_semaphore, #tpu.memory_space<semaphore_mem>>) src(%dma_wait3A_527 : memref<10240x128xf32, #tpu.memory_space<hbm>>) dst(%arg8 : memref<80x128xf32, #tpu.memory_space<vmem>>)
      %add3A_528 = arith.constant 1 : i32
      %add3A_529 = arith.addi %mul3A_493, %add3A_528 : i32
    }
    %scan3A_127 = arith.constant 12 : i32
    %dma_wait3A_128 = arith.constant 0 : i32
    %dma_wait3A_129 = arith.constant 24 : i32
    %dma_wait3A_130 = arith.constant 0 : i32
    %dma_wait3A_131 = tpu.memref_slice %arg5[%dma_wait3A_128, %dma_wait3A_129, %dma_wait3A_130] : memref<2x25x80xi32, #tpu.memory_space<vmem>> -> memref<1x1x80xi32, #tpu.memory_space<vmem>>
    %dma_wait3A_132 = tpu.memref_squeeze %dma_wait3A_131 : memref<1x1x80xi32, #tpu.memory_space<vmem>> -> memref<80xi32, #tpu.memory_space<vmem>>
    %dma_wait3A_133 = arith.constant 0 : i32
    %dma_wait3A_134 = arith.constant 0 : i32
    %dma_wait3A_135 = tpu.memref_slice %arg2[%dma_wait3A_133, %dma_wait3A_134] : memref<10240x128xf32, #tpu.memory_space<hbm>> -> memref<10240x128xf32, #tpu.memory_space<hbm>>
    tpu.wait_indirect_dma semaphore(%arg10 : memref<!tpu.dma_semaphore, #tpu.memory_space<semaphore_mem>>) src(%dma_wait3A_135 : memref<10240x128xf32, #tpu.memory_space<hbm>>) dst(%arg7 : memref<80x128xf32, #tpu.memory_space<vmem>>)
    %dma_wait3A_136 = arith.constant 0 : i32
    %dma_wait3A_137 = arith.constant 1 : i32
    %dma_wait3A_138 = arith.constant 1 : i32
    %dma_wait3A_139 = arith.constant 0 : i32
    %dma_wait3A_140 = arith.constant 0 : i32
    %dma_wait3A_141 = tpu.memref_slice %arg5[%dma_wait3A_138, %dma_wait3A_139, %dma_wait3A_140] : memref<2x25x80xi32, #tpu.memory_space<vmem>> -> memref<1x25x80xi32, #tpu.memory_space<vmem>>
    %dma_wait3A_142 = tpu.memref_squeeze %dma_wait3A_141 : memref<1x25x80xi32, #tpu.memory_space<vmem>> -> memref<25x80xi32, #tpu.memory_space<vmem>>
    %dma_wait3A_143 = arith.constant 0 : i32
    %dma_wait3A_144 = arith.constant 0 : i32
    %dma_wait3A_145 = tpu.memref_slice %arg3[%dma_wait3A_136, %add3A, %dma_wait3A_137, %dma_wait3A_143, %dma_wait3A_144] : memref<2x32x5x25x80xi32, #tpu.memory_space<hbm>> -> memref<1x1x1x25x80xi32, #tpu.memory_space<hbm>>
    %dma_wait3A_146 = tpu.memref_squeeze %dma_wait3A_145 : memref<1x1x1x25x80xi32, #tpu.memory_space<hbm>> -> memref<25x80xi32, #tpu.memory_space<hbm>>
    %dma_wait3A_147 = arith.constant 0 : i32
    %dma_wait3A_148 = arith.constant 0 : i32
    %dma_wait3A_149 = tpu.memref_slice %arg5[%dma_wait3A_138, %dma_wait3A_147, %dma_wait3A_148] : memref<2x25x80xi32, #tpu.memory_space<vmem>> -> memref<1x25x80xi32, #tpu.memory_space<vmem>>
    %dma_wait3A_150 = tpu.memref_squeeze %dma_wait3A_149 : memref<1x25x80xi32, #tpu.memory_space<vmem>> -> memref<25x80xi32, #tpu.memory_space<vmem>>
    %dma_wait3A_151 = arith.constant 0 : i32
    %dma_wait3A_152 = arith.constant 0 : i32
    %dma_wait3A_153 = tpu.memref_slice %arg3[%dma_wait3A_136, %add3A, %dma_wait3A_137, %dma_wait3A_151, %dma_wait3A_152] : memref<2x32x5x25x80xi32, #tpu.memory_space<hbm>> -> memref<1x1x1x25x80xi32, #tpu.memory_space<hbm>>
    %dma_wait3A_154 = tpu.memref_squeeze %dma_wait3A_153 : memref<1x1x1x25x80xi32, #tpu.memory_space<hbm>> -> memref<25x80xi32, #tpu.memory_space<hbm>>
    tpu.wait_dma2 semaphore(%arg12 : memref<!tpu.dma_semaphore, #tpu.memory_space<semaphore_mem>>) src(%dma_wait3A_154 : memref<25x80xi32, #tpu.memory_space<hbm>>) dst(%dma_wait3A_150 : memref<25x80xi32, #tpu.memory_space<vmem>>)
    %dma_wait3A_155 = arith.constant 1 : i32
    %dma_wait3A_156 = arith.constant 1 : i32
    %dma_wait3A_157 = arith.constant 1 : i32
    %dma_wait3A_158 = arith.constant 0 : i32
    %dma_wait3A_159 = arith.constant 0 : i32
    %dma_wait3A_160 = tpu.memref_slice %arg6[%dma_wait3A_157, %dma_wait3A_158, %dma_wait3A_159] : memref<2x25x80xi32, #tpu.memory_space<vmem>> -> memref<1x25x80xi32, #tpu.memory_space<vmem>>
    %dma_wait3A_161 = tpu.memref_squeeze %dma_wait3A_160 : memref<1x25x80xi32, #tpu.memory_space<vmem>> -> memref<25x80xi32, #tpu.memory_space<vmem>>
    %dma_wait3A_162 = arith.constant 0 : i32
    %dma_wait3A_163 = arith.constant 0 : i32
    %dma_wait3A_164 = tpu.memref_slice %arg3[%dma_wait3A_155, %add3A, %dma_wait3A_156, %dma_wait3A_162, %dma_wait3A_163] : memref<2x32x5x25x80xi32, #tpu.memory_space<hbm>> -> memref<1x1x1x25x80xi32, #tpu.memory_space<hbm>>
    %dma_wait3A_165 = tpu.memref_squeeze %dma_wait3A_164 : memref<1x1x1x25x80xi32, #tpu.memory_space<hbm>> -> memref<25x80xi32, #tpu.memory_space<hbm>>
    %dma_wait3A_166 = arith.constant 0 : i32
    %dma_wait3A_167 = arith.constant 0 : i32
    %dma_wait3A_168 = tpu.memref_slice %arg6[%dma_wait3A_157, %dma_wait3A_166, %dma_wait3A_167] : memref<2x25x80xi32, #tpu.memory_space<vmem>> -> memref<1x25x80xi32, #tpu.memory_space<vmem>>
    %dma_wait3A_169 = tpu.memref_squeeze %dma_wait3A_168 : memref<1x25x80xi32, #tpu.memory_space<vmem>> -> memref<25x80xi32, #tpu.memory_space<vmem>>
    %dma_wait3A_170 = arith.constant 0 : i32
    %dma_wait3A_171 = arith.constant 0 : i32
    %dma_wait3A_172 = tpu.memref_slice %arg3[%dma_wait3A_155, %add3A, %dma_wait3A_156, %dma_wait3A_170, %dma_wait3A_171] : memref<2x32x5x25x80xi32, #tpu.memory_space<hbm>> -> memref<1x1x1x25x80xi32, #tpu.memory_space<hbm>>
    %dma_wait3A_173 = tpu.memref_squeeze %dma_wait3A_172 : memref<1x1x1x25x80xi32, #tpu.memory_space<hbm>> -> memref<25x80xi32, #tpu.memory_space<hbm>>
    tpu.wait_dma2 semaphore(%arg12 : memref<!tpu.dma_semaphore, #tpu.memory_space<semaphore_mem>>) src(%dma_wait3A_173 : memref<25x80xi32, #tpu.memory_space<hbm>>) dst(%dma_wait3A_169 : memref<25x80xi32, #tpu.memory_space<vmem>>)
    %dma_start3A_174 = arith.constant 1 : i32
    %dma_start3A_175 = arith.constant 0 : i32
    %dma_start3A_176 = arith.constant 0 : i32
    %dma_start3A_177 = tpu.memref_slice %arg5[%dma_start3A_174, %dma_start3A_175, %dma_start3A_176] : memref<2x25x80xi32, #tpu.memory_space<vmem>> -> memref<1x1x80xi32, #tpu.memory_space<vmem>>
    %dma_start3A_178 = tpu.memref_squeeze %dma_start3A_177 : memref<1x1x80xi32, #tpu.memory_space<vmem>> -> memref<80xi32, #tpu.memory_space<vmem>>
    %dma_start3A_179 = arith.constant 0 : i32
    %dma_start3A_180 = arith.constant 0 : i32
    %dma_start3A_181 = tpu.memref_slice %arg2[%dma_start3A_179, %dma_start3A_180] : memref<10240x128xf32, #tpu.memory_space<hbm>> -> memref<10240x128xf32, #tpu.memory_space<hbm>>
    tpu.enqueue_indirect_dma source(%dma_start3A_181 : memref<10240x128xf32, #tpu.memory_space<hbm>>) target(%arg7 : memref<80x128xf32, #tpu.memory_space<vmem>>) offsets(%dma_start3A_178 : memref<80xi32, #tpu.memory_space<vmem>>) semaphore(%arg10 : memref<!tpu.dma_semaphore, #tpu.memory_space<semaphore_mem>>)
    %dma_start3A_182 = arith.constant 0 : i32
    %dma_start3A_183 = arith.constant 2 : i32
    %dma_start3A_184 = arith.constant 0 : i32
    %dma_start3A_185 = arith.constant 0 : i32
    %dma_start3A_186 = arith.constant 0 : i32
    %dma_start3A_187 = tpu.memref_slice %arg5[%dma_start3A_184, %dma_start3A_185, %dma_start3A_186] : memref<2x25x80xi32, #tpu.memory_space<vmem>> -> memref<1x25x80xi32, #tpu.memory_space<vmem>>
    %dma_start3A_188 = tpu.memref_squeeze %dma_start3A_187 : memref<1x25x80xi32, #tpu.memory_space<vmem>> -> memref<25x80xi32, #tpu.memory_space<vmem>>
    %dma_start3A_189 = arith.constant 0 : i32
    %dma_start3A_190 = arith.constant 0 : i32
    %dma_start3A_191 = tpu.memref_slice %arg3[%dma_start3A_182, %add3A, %dma_start3A_183, %dma_start3A_189, %dma_start3A_190] : memref<2x32x5x25x80xi32, #tpu.memory_space<hbm>> -> memref<1x1x1x25x80xi32, #tpu.memory_space<hbm>>
    %dma_start3A_192 = tpu.memref_squeeze %dma_start3A_191 : memref<1x1x1x25x80xi32, #tpu.memory_space<hbm>> -> memref<25x80xi32, #tpu.memory_space<hbm>>
    %dma_start3A_193 = arith.constant 0 : i32
    %dma_start3A_194 = arith.constant 0 : i32
    %dma_start3A_195 = tpu.memref_slice %arg5[%dma_start3A_184, %dma_start3A_193, %dma_start3A_194] : memref<2x25x80xi32, #tpu.memory_space<vmem>> -> memref<1x25x80xi32, #tpu.memory_space<vmem>>
    %dma_start3A_196 = tpu.memref_squeeze %dma_start3A_195 : memref<1x25x80xi32, #tpu.memory_space<vmem>> -> memref<25x80xi32, #tpu.memory_space<vmem>>
    %dma_start3A_197 = arith.constant 0 : i32
    %dma_start3A_198 = arith.constant 0 : i32
    %dma_start3A_199 = tpu.memref_slice %arg3[%dma_start3A_182, %add3A, %dma_start3A_183, %dma_start3A_197, %dma_start3A_198] : memref<2x32x5x25x80xi32, #tpu.memory_space<hbm>> -> memref<1x1x1x25x80xi32, #tpu.memory_space<hbm>>
    %dma_start3A_200 = tpu.memref_squeeze %dma_start3A_199 : memref<1x1x1x25x80xi32, #tpu.memory_space<hbm>> -> memref<25x80xi32, #tpu.memory_space<hbm>>
    tpu.enqueue_dma source(%dma_start3A_200 : memref<25x80xi32, #tpu.memory_space<hbm>>) target(%dma_start3A_196 : memref<25x80xi32, #tpu.memory_space<vmem>>) target_semaphore(%arg12 : memref<!tpu.dma_semaphore, #tpu.memory_space<semaphore_mem>>)
    %dma_start3A_201 = arith.constant 1 : i32
    %dma_start3A_202 = arith.constant 2 : i32
    %dma_start3A_203 = arith.constant 0 : i32
    %dma_start3A_204 = arith.constant 0 : i32
    %dma_start3A_205 = arith.constant 0 : i32
    %dma_start3A_206 = tpu.memref_slice %arg6[%dma_start3A_203, %dma_start3A_204, %dma_start3A_205] : memref<2x25x80xi32, #tpu.memory_space<vmem>> -> memref<1x25x80xi32, #tpu.memory_space<vmem>>
    %dma_start3A_207 = tpu.memref_squeeze %dma_start3A_206 : memref<1x25x80xi32, #tpu.memory_space<vmem>> -> memref<25x80xi32, #tpu.memory_space<vmem>>
    %dma_start3A_208 = arith.constant 0 : i32
    %dma_start3A_209 = arith.constant 0 : i32
    %dma_start3A_210 = tpu.memref_slice %arg3[%dma_start3A_201, %add3A, %dma_start3A_202, %dma_start3A_208, %dma_start3A_209] : memref<2x32x5x25x80xi32, #tpu.memory_space<hbm>> -> memref<1x1x1x25x80xi32, #tpu.memory_space<hbm>>
    %dma_start3A_211 = tpu.memref_squeeze %dma_start3A_210 : memref<1x1x1x25x80xi32, #tpu.memory_space<hbm>> -> memref<25x80xi32, #tpu.memory_space<hbm>>
    %dma_start3A_212 = arith.constant 0 : i32
    %dma_start3A_213 = arith.constant 0 : i32
    %dma_start3A_214 = tpu.memref_slice %arg6[%dma_start3A_203, %dma_start3A_212, %dma_start3A_213] : memref<2x25x80xi32, #tpu.memory_space<vmem>> -> memref<1x25x80xi32, #tpu.memory_space<vmem>>
    %dma_start3A_215 = tpu.memref_squeeze %dma_start3A_214 : memref<1x25x80xi32, #tpu.memory_space<vmem>> -> memref<25x80xi32, #tpu.memory_space<vmem>>
    %dma_start3A_216 = arith.constant 0 : i32
    %dma_start3A_217 = arith.constant 0 : i32
    %dma_start3A_218 = tpu.memref_slice %arg3[%dma_start3A_201, %add3A, %dma_start3A_202, %dma_start3A_216, %dma_start3A_217] : memref<2x32x5x25x80xi32, #tpu.memory_space<hbm>> -> memref<1x1x1x25x80xi32, #tpu.memory_space<hbm>>
    %dma_start3A_219 = tpu.memref_squeeze %dma_start3A_218 : memref<1x1x1x25x80xi32, #tpu.memory_space<hbm>> -> memref<25x80xi32, #tpu.memory_space<hbm>>
    tpu.enqueue_dma source(%dma_start3A_219 : memref<25x80xi32, #tpu.memory_space<hbm>>) target(%dma_start3A_215 : memref<25x80xi32, #tpu.memory_space<vmem>>) target_semaphore(%arg12 : memref<!tpu.dma_semaphore, #tpu.memory_space<semaphore_mem>>)
    %scan3A_220 = arith.constant 0 : i32
    %scan3A_221 = arith.constant 0 : i32
    %scan3A_222 = arith.constant 12 : i32
    %scan3A_223 = arith.addi %scan3A_221, %scan3A_222 : i32
    %scan3A_224 = arith.constant 1 : i32
    scf.for %scan3A_491 = %scan3A_221 to %scan3A_223 step %scan3A_224  : i32 {
      %mul3A_492 = arith.constant 2 : i32
      %mul3A_493 = arith.muli %mul3A_492, %scan3A_491 : i32
      %add3A_494 = arith.constant 1 : i32
      %add3A_495 = arith.addi %mul3A_493, %add3A_494 : i32
      %dma_start3A_496 = arith.constant 1 : i32
      %dma_start3A_497 = arith.constant 0 : i32
      %dma_start3A_498 = tpu.memref_slice %arg5[%dma_start3A_496, %add3A_495, %dma_start3A_497] : memref<2x25x80xi32, #tpu.memory_space<vmem>> -> memref<1x1x80xi32, #tpu.memory_space<vmem>>
      %dma_start3A_499 = tpu.memref_squeeze %dma_start3A_498 : memref<1x1x80xi32, #tpu.memory_space<vmem>> -> memref<80xi32, #tpu.memory_space<vmem>>
      %dma_start3A_500 = arith.constant 0 : i32
      %dma_start3A_501 = arith.constant 0 : i32
      %dma_start3A_502 = tpu.memref_slice %arg2[%dma_start3A_500, %dma_start3A_501] : memref<10240x128xf32, #tpu.memory_space<hbm>> -> memref<10240x128xf32, #tpu.memory_space<hbm>>
      tpu.enqueue_indirect_dma source(%dma_start3A_502 : memref<10240x128xf32, #tpu.memory_space<hbm>>) target(%arg8 : memref<80x128xf32, #tpu.memory_space<vmem>>) offsets(%dma_start3A_499 : memref<80xi32, #tpu.memory_space<vmem>>) semaphore(%arg11 : memref<!tpu.dma_semaphore, #tpu.memory_space<semaphore_mem>>)
      %dma_wait3A_503 = arith.constant 1 : i32
      %dma_wait3A_504 = arith.constant 0 : i32
      %dma_wait3A_505 = tpu.memref_slice %arg5[%dma_wait3A_503, %mul3A_493, %dma_wait3A_504] : memref<2x25x80xi32, #tpu.memory_space<vmem>> -> memref<1x1x80xi32, #tpu.memory_space<vmem>>
      %dma_wait3A_506 = tpu.memref_squeeze %dma_wait3A_505 : memref<1x1x80xi32, #tpu.memory_space<vmem>> -> memref<80xi32, #tpu.memory_space<vmem>>
      %dma_wait3A_507 = arith.constant 0 : i32
      %dma_wait3A_508 = arith.constant 0 : i32
      %dma_wait3A_509 = tpu.memref_slice %arg2[%dma_wait3A_507, %dma_wait3A_508] : memref<10240x128xf32, #tpu.memory_space<hbm>> -> memref<10240x128xf32, #tpu.memory_space<hbm>>
      tpu.wait_indirect_dma semaphore(%arg10 : memref<!tpu.dma_semaphore, #tpu.memory_space<semaphore_mem>>) src(%dma_wait3A_509 : memref<10240x128xf32, #tpu.memory_space<hbm>>) dst(%arg7 : memref<80x128xf32, #tpu.memory_space<vmem>>)
      %add3A_510 = arith.constant 2 : i32
      %add3A_511 = arith.addi %mul3A_493, %add3A_510 : i32
      %dma_start3A_512 = arith.constant 1 : i32
      %dma_start3A_513 = arith.constant 0 : i32
      %dma_start3A_514 = tpu.memref_slice %arg5[%dma_start3A_512, %add3A_511, %dma_start3A_513] : memref<2x25x80xi32, #tpu.memory_space<vmem>> -> memref<1x1x80xi32, #tpu.memory_space<vmem>>
      %dma_start3A_515 = tpu.memref_squeeze %dma_start3A_514 : memref<1x1x80xi32, #tpu.memory_space<vmem>> -> memref<80xi32, #tpu.memory_space<vmem>>
      %dma_start3A_516 = arith.constant 0 : i32
      %dma_start3A_517 = arith.constant 0 : i32
      %dma_start3A_518 = tpu.memref_slice %arg2[%dma_start3A_516, %dma_start3A_517] : memref<10240x128xf32, #tpu.memory_space<hbm>> -> memref<10240x128xf32, #tpu.memory_space<hbm>>
      tpu.enqueue_indirect_dma source(%dma_start3A_518 : memref<10240x128xf32, #tpu.memory_space<hbm>>) target(%arg7 : memref<80x128xf32, #tpu.memory_space<vmem>>) offsets(%dma_start3A_515 : memref<80xi32, #tpu.memory_space<vmem>>) semaphore(%arg10 : memref<!tpu.dma_semaphore, #tpu.memory_space<semaphore_mem>>)
      %add3A_519 = arith.constant 1 : i32
      %add3A_520 = arith.addi %mul3A_493, %add3A_519 : i32
      %dma_wait3A_521 = arith.constant 1 : i32
      %dma_wait3A_522 = arith.constant 0 : i32
      %dma_wait3A_523 = tpu.memref_slice %arg5[%dma_wait3A_521, %add3A_520, %dma_wait3A_522] : memref<2x25x80xi32, #tpu.memory_space<vmem>> -> memref<1x1x80xi32, #tpu.memory_space<vmem>>
      %dma_wait3A_524 = tpu.memref_squeeze %dma_wait3A_523 : memref<1x1x80xi32, #tpu.memory_space<vmem>> -> memref<80xi32, #tpu.memory_space<vmem>>
      %dma_wait3A_525 = arith.constant 0 : i32
      %dma_wait3A_526 = arith.constant 0 : i32
      %dma_wait3A_527 = tpu.memref_slice %arg2[%dma_wait3A_525, %dma_wait3A_526] : memref<10240x128xf32, #tpu.memory_space<hbm>> -> memref<10240x128xf32, #tpu.memory_space<hbm>>
      tpu.wait_indirect_dma semaphore(%arg11 : memref<!tpu.dma_semaphore, #tpu.memory_space<semaphore_mem>>) src(%dma_wait3A_527 : memref<10240x128xf32, #tpu.memory_space<hbm>>) dst(%arg8 : memref<80x128xf32, #tpu.memory_space<vmem>>)
      %add3A_528 = arith.constant 1 : i32
      %add3A_529 = arith.addi %mul3A_493, %add3A_528 : i32
    }
    %scan3A_225 = arith.constant 12 : i32
    %dma_wait3A_226 = arith.constant 1 : i32
    %dma_wait3A_227 = arith.constant 24 : i32
    %dma_wait3A_228 = arith.constant 0 : i32
    %dma_wait3A_229 = tpu.memref_slice %arg5[%dma_wait3A_226, %dma_wait3A_227, %dma_wait3A_228] : memref<2x25x80xi32, #tpu.memory_space<vmem>> -> memref<1x1x80xi32, #tpu.memory_space<vmem>>
    %dma_wait3A_230 = tpu.memref_squeeze %dma_wait3A_229 : memref<1x1x80xi32, #tpu.memory_space<vmem>> -> memref<80xi32, #tpu.memory_space<vmem>>
    %dma_wait3A_231 = arith.constant 0 : i32
    %dma_wait3A_232 = arith.constant 0 : i32
    %dma_wait3A_233 = tpu.memref_slice %arg2[%dma_wait3A_231, %dma_wait3A_232] : memref<10240x128xf32, #tpu.memory_space<hbm>> -> memref<10240x128xf32, #tpu.memory_space<hbm>>
    tpu.wait_indirect_dma semaphore(%arg10 : memref<!tpu.dma_semaphore, #tpu.memory_space<semaphore_mem>>) src(%dma_wait3A_233 : memref<10240x128xf32, #tpu.memory_space<hbm>>) dst(%arg7 : memref<80x128xf32, #tpu.memory_space<vmem>>)
    %dma_wait3A_234 = arith.constant 0 : i32
    %dma_wait3A_235 = arith.constant 2 : i32
    %dma_wait3A_236 = arith.constant 0 : i32
    %dma_wait3A_237 = arith.constant 0 : i32
    %dma_wait3A_238 = arith.constant 0 : i32
    %dma_wait3A_239 = tpu.memref_slice %arg5[%dma_wait3A_236, %dma_wait3A_237, %dma_wait3A_238] : memref<2x25x80xi32, #tpu.memory_space<vmem>> -> memref<1x25x80xi32, #tpu.memory_space<vmem>>
    %dma_wait3A_240 = tpu.memref_squeeze %dma_wait3A_239 : memref<1x25x80xi32, #tpu.memory_space<vmem>> -> memref<25x80xi32, #tpu.memory_space<vmem>>
    %dma_wait3A_241 = arith.constant 0 : i32
    %dma_wait3A_242 = arith.constant 0 : i32
    %dma_wait3A_243 = tpu.memref_slice %arg3[%dma_wait3A_234, %add3A, %dma_wait3A_235, %dma_wait3A_241, %dma_wait3A_242] : memref<2x32x5x25x80xi32, #tpu.memory_space<hbm>> -> memref<1x1x1x25x80xi32, #tpu.memory_space<hbm>>
    %dma_wait3A_244 = tpu.memref_squeeze %dma_wait3A_243 : memref<1x1x1x25x80xi32, #tpu.memory_space<hbm>> -> memref<25x80xi32, #tpu.memory_space<hbm>>
    %dma_wait3A_245 = arith.constant 0 : i32
    %dma_wait3A_246 = arith.constant 0 : i32
    %dma_wait3A_247 = tpu.memref_slice %arg5[%dma_wait3A_236, %dma_wait3A_245, %dma_wait3A_246] : memref<2x25x80xi32, #tpu.memory_space<vmem>> -> memref<1x25x80xi32, #tpu.memory_space<vmem>>
    %dma_wait3A_248 = tpu.memref_squeeze %dma_wait3A_247 : memref<1x25x80xi32, #tpu.memory_space<vmem>> -> memref<25x80xi32, #tpu.memory_space<vmem>>
    %dma_wait3A_249 = arith.constant 0 : i32
    %dma_wait3A_250 = arith.constant 0 : i32
    %dma_wait3A_251 = tpu.memref_slice %arg3[%dma_wait3A_234, %add3A, %dma_wait3A_235, %dma_wait3A_249, %dma_wait3A_250] : memref<2x32x5x25x80xi32, #tpu.memory_space<hbm>> -> memref<1x1x1x25x80xi32, #tpu.memory_space<hbm>>
    %dma_wait3A_252 = tpu.memref_squeeze %dma_wait3A_251 : memref<1x1x1x25x80xi32, #tpu.memory_space<hbm>> -> memref<25x80xi32, #tpu.memory_space<hbm>>
    tpu.wait_dma2 semaphore(%arg12 : memref<!tpu.dma_semaphore, #tpu.memory_space<semaphore_mem>>) src(%dma_wait3A_252 : memref<25x80xi32, #tpu.memory_space<hbm>>) dst(%dma_wait3A_248 : memref<25x80xi32, #tpu.memory_space<vmem>>)
    %dma_wait3A_253 = arith.constant 1 : i32
    %dma_wait3A_254 = arith.constant 2 : i32
    %dma_wait3A_255 = arith.constant 0 : i32
    %dma_wait3A_256 = arith.constant 0 : i32
    %dma_wait3A_257 = arith.constant 0 : i32
    %dma_wait3A_258 = tpu.memref_slice %arg6[%dma_wait3A_255, %dma_wait3A_256, %dma_wait3A_257] : memref<2x25x80xi32, #tpu.memory_space<vmem>> -> memref<1x25x80xi32, #tpu.memory_space<vmem>>
    %dma_wait3A_259 = tpu.memref_squeeze %dma_wait3A_258 : memref<1x25x80xi32, #tpu.memory_space<vmem>> -> memref<25x80xi32, #tpu.memory_space<vmem>>
    %dma_wait3A_260 = arith.constant 0 : i32
    %dma_wait3A_261 = arith.constant 0 : i32
    %dma_wait3A_262 = tpu.memref_slice %arg3[%dma_wait3A_253, %add3A, %dma_wait3A_254, %dma_wait3A_260, %dma_wait3A_261] : memref<2x32x5x25x80xi32, #tpu.memory_space<hbm>> -> memref<1x1x1x25x80xi32, #tpu.memory_space<hbm>>
    %dma_wait3A_263 = tpu.memref_squeeze %dma_wait3A_262 : memref<1x1x1x25x80xi32, #tpu.memory_space<hbm>> -> memref<25x80xi32, #tpu.memory_space<hbm>>
    %dma_wait3A_264 = arith.constant 0 : i32
    %dma_wait3A_265 = arith.constant 0 : i32
    %dma_wait3A_266 = tpu.memref_slice %arg6[%dma_wait3A_255, %dma_wait3A_264, %dma_wait3A_265] : memref<2x25x80xi32, #tpu.memory_space<vmem>> -> memref<1x25x80xi32, #tpu.memory_space<vmem>>
    %dma_wait3A_267 = tpu.memref_squeeze %dma_wait3A_266 : memref<1x25x80xi32, #tpu.memory_space<vmem>> -> memref<25x80xi32, #tpu.memory_space<vmem>>
    %dma_wait3A_268 = arith.constant 0 : i32
    %dma_wait3A_269 = arith.constant 0 : i32
    %dma_wait3A_270 = tpu.memref_slice %arg3[%dma_wait3A_253, %add3A, %dma_wait3A_254, %dma_wait3A_268, %dma_wait3A_269] : memref<2x32x5x25x80xi32, #tpu.memory_space<hbm>> -> memref<1x1x1x25x80xi32, #tpu.memory_space<hbm>>
    %dma_wait3A_271 = tpu.memref_squeeze %dma_wait3A_270 : memref<1x1x1x25x80xi32, #tpu.memory_space<hbm>> -> memref<25x80xi32, #tpu.memory_space<hbm>>
    tpu.wait_dma2 semaphore(%arg12 : memref<!tpu.dma_semaphore, #tpu.memory_space<semaphore_mem>>) src(%dma_wait3A_271 : memref<25x80xi32, #tpu.memory_space<hbm>>) dst(%dma_wait3A_267 : memref<25x80xi32, #tpu.memory_space<vmem>>)
    %dma_start3A_272 = arith.constant 0 : i32
    %dma_start3A_273 = arith.constant 0 : i32
    %dma_start3A_274 = arith.constant 0 : i32
    %dma_start3A_275 = tpu.memref_slice %arg5[%dma_start3A_272, %dma_start3A_273, %dma_start3A_274] : memref<2x25x80xi32, #tpu.memory_space<vmem>> -> memref<1x1x80xi32, #tpu.memory_space<vmem>>
    %dma_start3A_276 = tpu.memref_squeeze %dma_start3A_275 : memref<1x1x80xi32, #tpu.memory_space<vmem>> -> memref<80xi32, #tpu.memory_space<vmem>>
    %dma_start3A_277 = arith.constant 0 : i32
    %dma_start3A_278 = arith.constant 0 : i32
    %dma_start3A_279 = tpu.memref_slice %arg2[%dma_start3A_277, %dma_start3A_278] : memref<10240x128xf32, #tpu.memory_space<hbm>> -> memref<10240x128xf32, #tpu.memory_space<hbm>>
    tpu.enqueue_indirect_dma source(%dma_start3A_279 : memref<10240x128xf32, #tpu.memory_space<hbm>>) target(%arg7 : memref<80x128xf32, #tpu.memory_space<vmem>>) offsets(%dma_start3A_276 : memref<80xi32, #tpu.memory_space<vmem>>) semaphore(%arg10 : memref<!tpu.dma_semaphore, #tpu.memory_space<semaphore_mem>>)
    %dma_start3A_280 = arith.constant 0 : i32
    %dma_start3A_281 = arith.constant 3 : i32
    %dma_start3A_282 = arith.constant 1 : i32
    %dma_start3A_283 = arith.constant 0 : i32
    %dma_start3A_284 = arith.constant 0 : i32
    %dma_start3A_285 = tpu.memref_slice %arg5[%dma_start3A_282, %dma_start3A_283, %dma_start3A_284] : memref<2x25x80xi32, #tpu.memory_space<vmem>> -> memref<1x25x80xi32, #tpu.memory_space<vmem>>
    %dma_start3A_286 = tpu.memref_squeeze %dma_start3A_285 : memref<1x25x80xi32, #tpu.memory_space<vmem>> -> memref<25x80xi32, #tpu.memory_space<vmem>>
    %dma_start3A_287 = arith.constant 0 : i32
    %dma_start3A_288 = arith.constant 0 : i32
    %dma_start3A_289 = tpu.memref_slice %arg3[%dma_start3A_280, %add3A, %dma_start3A_281, %dma_start3A_287, %dma_start3A_288] : memref<2x32x5x25x80xi32, #tpu.memory_space<hbm>> -> memref<1x1x1x25x80xi32, #tpu.memory_space<hbm>>
    %dma_start3A_290 = tpu.memref_squeeze %dma_start3A_289 : memref<1x1x1x25x80xi32, #tpu.memory_space<hbm>> -> memref<25x80xi32, #tpu.memory_space<hbm>>
    %dma_start3A_291 = arith.constant 0 : i32
    %dma_start3A_292 = arith.constant 0 : i32
    %dma_start3A_293 = tpu.memref_slice %arg5[%dma_start3A_282, %dma_start3A_291, %dma_start3A_292] : memref<2x25x80xi32, #tpu.memory_space<vmem>> -> memref<1x25x80xi32, #tpu.memory_space<vmem>>
    %dma_start3A_294 = tpu.memref_squeeze %dma_start3A_293 : memref<1x25x80xi32, #tpu.memory_space<vmem>> -> memref<25x80xi32, #tpu.memory_space<vmem>>
    %dma_start3A_295 = arith.constant 0 : i32
    %dma_start3A_296 = arith.constant 0 : i32
    %dma_start3A_297 = tpu.memref_slice %arg3[%dma_start3A_280, %add3A, %dma_start3A_281, %dma_start3A_295, %dma_start3A_296] : memref<2x32x5x25x80xi32, #tpu.memory_space<hbm>> -> memref<1x1x1x25x80xi32, #tpu.memory_space<hbm>>
    %dma_start3A_298 = tpu.memref_squeeze %dma_start3A_297 : memref<1x1x1x25x80xi32, #tpu.memory_space<hbm>> -> memref<25x80xi32, #tpu.memory_space<hbm>>
    tpu.enqueue_dma source(%dma_start3A_298 : memref<25x80xi32, #tpu.memory_space<hbm>>) target(%dma_start3A_294 : memref<25x80xi32, #tpu.memory_space<vmem>>) target_semaphore(%arg12 : memref<!tpu.dma_semaphore, #tpu.memory_space<semaphore_mem>>)
    %dma_start3A_299 = arith.constant 1 : i32
    %dma_start3A_300 = arith.constant 3 : i32
    %dma_start3A_301 = arith.constant 1 : i32
    %dma_start3A_302 = arith.constant 0 : i32
    %dma_start3A_303 = arith.constant 0 : i32
    %dma_start3A_304 = tpu.memref_slice %arg6[%dma_start3A_301, %dma_start3A_302, %dma_start3A_303] : memref<2x25x80xi32, #tpu.memory_space<vmem>> -> memref<1x25x80xi32, #tpu.memory_space<vmem>>
    %dma_start3A_305 = tpu.memref_squeeze %dma_start3A_304 : memref<1x25x80xi32, #tpu.memory_space<vmem>> -> memref<25x80xi32, #tpu.memory_space<vmem>>
    %dma_start3A_306 = arith.constant 0 : i32
    %dma_start3A_307 = arith.constant 0 : i32
    %dma_start3A_308 = tpu.memref_slice %arg3[%dma_start3A_299, %add3A, %dma_start3A_300, %dma_start3A_306, %dma_start3A_307] : memref<2x32x5x25x80xi32, #tpu.memory_space<hbm>> -> memref<1x1x1x25x80xi32, #tpu.memory_space<hbm>>
    %dma_start3A_309 = tpu.memref_squeeze %dma_start3A_308 : memref<1x1x1x25x80xi32, #tpu.memory_space<hbm>> -> memref<25x80xi32, #tpu.memory_space<hbm>>
    %dma_start3A_310 = arith.constant 0 : i32
    %dma_start3A_311 = arith.constant 0 : i32
    %dma_start3A_312 = tpu.memref_slice %arg6[%dma_start3A_301, %dma_start3A_310, %dma_start3A_311] : memref<2x25x80xi32, #tpu.memory_space<vmem>> -> memref<1x25x80xi32, #tpu.memory_space<vmem>>
    %dma_start3A_313 = tpu.memref_squeeze %dma_start3A_312 : memref<1x25x80xi32, #tpu.memory_space<vmem>> -> memref<25x80xi32, #tpu.memory_space<vmem>>
    %dma_start3A_314 = arith.constant 0 : i32
    %dma_start3A_315 = arith.constant 0 : i32
    %dma_start3A_316 = tpu.memref_slice %arg3[%dma_start3A_299, %add3A, %dma_start3A_300, %dma_start3A_314, %dma_start3A_315] : memref<2x32x5x25x80xi32, #tpu.memory_space<hbm>> -> memref<1x1x1x25x80xi32, #tpu.memory_space<hbm>>
    %dma_start3A_317 = tpu.memref_squeeze %dma_start3A_316 : memref<1x1x1x25x80xi32, #tpu.memory_space<hbm>> -> memref<25x80xi32, #tpu.memory_space<hbm>>
    tpu.enqueue_dma source(%dma_start3A_317 : memref<25x80xi32, #tpu.memory_space<hbm>>) target(%dma_start3A_313 : memref<25x80xi32, #tpu.memory_space<vmem>>) target_semaphore(%arg12 : memref<!tpu.dma_semaphore, #tpu.memory_space<semaphore_mem>>)
    %scan3A_318 = arith.constant 0 : i32
    %scan3A_319 = arith.constant 0 : i32
    %scan3A_320 = arith.constant 12 : i32
    %scan3A_321 = arith.addi %scan3A_319, %scan3A_320 : i32
    %scan3A_322 = arith.constant 1 : i32
    scf.for %scan3A_491 = %scan3A_319 to %scan3A_321 step %scan3A_322  : i32 {
      %mul3A_492 = arith.constant 2 : i32
      %mul3A_493 = arith.muli %mul3A_492, %scan3A_491 : i32
      %add3A_494 = arith.constant 1 : i32
      %add3A_495 = arith.addi %mul3A_493, %add3A_494 : i32
      %dma_start3A_496 = arith.constant 0 : i32
      %dma_start3A_497 = arith.constant 0 : i32
      %dma_start3A_498 = tpu.memref_slice %arg5[%dma_start3A_496, %add3A_495, %dma_start3A_497] : memref<2x25x80xi32, #tpu.memory_space<vmem>> -> memref<1x1x80xi32, #tpu.memory_space<vmem>>
      %dma_start3A_499 = tpu.memref_squeeze %dma_start3A_498 : memref<1x1x80xi32, #tpu.memory_space<vmem>> -> memref<80xi32, #tpu.memory_space<vmem>>
      %dma_start3A_500 = arith.constant 0 : i32
      %dma_start3A_501 = arith.constant 0 : i32
      %dma_start3A_502 = tpu.memref_slice %arg2[%dma_start3A_500, %dma_start3A_501] : memref<10240x128xf32, #tpu.memory_space<hbm>> -> memref<10240x128xf32, #tpu.memory_space<hbm>>
      tpu.enqueue_indirect_dma source(%dma_start3A_502 : memref<10240x128xf32, #tpu.memory_space<hbm>>) target(%arg8 : memref<80x128xf32, #tpu.memory_space<vmem>>) offsets(%dma_start3A_499 : memref<80xi32, #tpu.memory_space<vmem>>) semaphore(%arg11 : memref<!tpu.dma_semaphore, #tpu.memory_space<semaphore_mem>>)
      %dma_wait3A_503 = arith.constant 0 : i32
      %dma_wait3A_504 = arith.constant 0 : i32
      %dma_wait3A_505 = tpu.memref_slice %arg5[%dma_wait3A_503, %mul3A_493, %dma_wait3A_504] : memref<2x25x80xi32, #tpu.memory_space<vmem>> -> memref<1x1x80xi32, #tpu.memory_space<vmem>>
      %dma_wait3A_506 = tpu.memref_squeeze %dma_wait3A_505 : memref<1x1x80xi32, #tpu.memory_space<vmem>> -> memref<80xi32, #tpu.memory_space<vmem>>
      %dma_wait3A_507 = arith.constant 0 : i32
      %dma_wait3A_508 = arith.constant 0 : i32
      %dma_wait3A_509 = tpu.memref_slice %arg2[%dma_wait3A_507, %dma_wait3A_508] : memref<10240x128xf32, #tpu.memory_space<hbm>> -> memref<10240x128xf32, #tpu.memory_space<hbm>>
      tpu.wait_indirect_dma semaphore(%arg10 : memref<!tpu.dma_semaphore, #tpu.memory_space<semaphore_mem>>) src(%dma_wait3A_509 : memref<10240x128xf32, #tpu.memory_space<hbm>>) dst(%arg7 : memref<80x128xf32, #tpu.memory_space<vmem>>)
      %add3A_510 = arith.constant 2 : i32
      %add3A_511 = arith.addi %mul3A_493, %add3A_510 : i32
      %dma_start3A_512 = arith.constant 0 : i32
      %dma_start3A_513 = arith.constant 0 : i32
      %dma_start3A_514 = tpu.memref_slice %arg5[%dma_start3A_512, %add3A_511, %dma_start3A_513] : memref<2x25x80xi32, #tpu.memory_space<vmem>> -> memref<1x1x80xi32, #tpu.memory_space<vmem>>
      %dma_start3A_515 = tpu.memref_squeeze %dma_start3A_514 : memref<1x1x80xi32, #tpu.memory_space<vmem>> -> memref<80xi32, #tpu.memory_space<vmem>>
      %dma_start3A_516 = arith.constant 0 : i32
      %dma_start3A_517 = arith.constant 0 : i32
      %dma_start3A_518 = tpu.memref_slice %arg2[%dma_start3A_516, %dma_start3A_517] : memref<10240x128xf32, #tpu.memory_space<hbm>> -> memref<10240x128xf32, #tpu.memory_space<hbm>>
      tpu.enqueue_indirect_dma source(%dma_start3A_518 : memref<10240x128xf32, #tpu.memory_space<hbm>>) target(%arg7 : memref<80x128xf32, #tpu.memory_space<vmem>>) offsets(%dma_start3A_515 : memref<80xi32, #tpu.memory_space<vmem>>) semaphore(%arg10 : memref<!tpu.dma_semaphore, #tpu.memory_space<semaphore_mem>>)
      %add3A_519 = arith.constant 1 : i32
      %add3A_520 = arith.addi %mul3A_493, %add3A_519 : i32
      %dma_wait3A_521 = arith.constant 0 : i32
      %dma_wait3A_522 = arith.constant 0 : i32
      %dma_wait3A_523 = tpu.memref_slice %arg5[%dma_wait3A_521, %add3A_520, %dma_wait3A_522] : memref<2x25x80xi32, #tpu.memory_space<vmem>> -> memref<1x1x80xi32, #tpu.memory_space<vmem>>
      %dma_wait3A_524 = tpu.memref_squeeze %dma_wait3A_523 : memref<1x1x80xi32, #tpu.memory_space<vmem>> -> memref<80xi32, #tpu.memory_space<vmem>>
      %dma_wait3A_525 = arith.constant 0 : i32
      %dma_wait3A_526 = arith.constant 0 : i32
      %dma_wait3A_527 = tpu.memref_slice %arg2[%dma_wait3A_525, %dma_wait3A_526] : memref<10240x128xf32, #tpu.memory_space<hbm>> -> memref<10240x128xf32, #tpu.memory_space<hbm>>
      tpu.wait_indirect_dma semaphore(%arg11 : memref<!tpu.dma_semaphore, #tpu.memory_space<semaphore_mem>>) src(%dma_wait3A_527 : memref<10240x128xf32, #tpu.memory_space<hbm>>) dst(%arg8 : memref<80x128xf32, #tpu.memory_space<vmem>>)
      %add3A_528 = arith.constant 1 : i32
      %add3A_529 = arith.addi %mul3A_493, %add3A_528 : i32
    }
    %scan3A_323 = arith.constant 12 : i32
    %dma_wait3A_324 = arith.constant 0 : i32
    %dma_wait3A_325 = arith.constant 24 : i32
    %dma_wait3A_326 = arith.constant 0 : i32
    %dma_wait3A_327 = tpu.memref_slice %arg5[%dma_wait3A_324, %dma_wait3A_325, %dma_wait3A_326] : memref<2x25x80xi32, #tpu.memory_space<vmem>> -> memref<1x1x80xi32, #tpu.memory_space<vmem>>
    %dma_wait3A_328 = tpu.memref_squeeze %dma_wait3A_327 : memref<1x1x80xi32, #tpu.memory_space<vmem>> -> memref<80xi32, #tpu.memory_space<vmem>>
    %dma_wait3A_329 = arith.constant 0 : i32
    %dma_wait3A_330 = arith.constant 0 : i32
    %dma_wait3A_331 = tpu.memref_slice %arg2[%dma_wait3A_329, %dma_wait3A_330] : memref<10240x128xf32, #tpu.memory_space<hbm>> -> memref<10240x128xf32, #tpu.memory_space<hbm>>
    tpu.wait_indirect_dma semaphore(%arg10 : memref<!tpu.dma_semaphore, #tpu.memory_space<semaphore_mem>>) src(%dma_wait3A_331 : memref<10240x128xf32, #tpu.memory_space<hbm>>) dst(%arg7 : memref<80x128xf32, #tpu.memory_space<vmem>>)
    %dma_wait3A_332 = arith.constant 0 : i32
    %dma_wait3A_333 = arith.constant 3 : i32
    %dma_wait3A_334 = arith.constant 1 : i32
    %dma_wait3A_335 = arith.constant 0 : i32
    %dma_wait3A_336 = arith.constant 0 : i32
    %dma_wait3A_337 = tpu.memref_slice %arg5[%dma_wait3A_334, %dma_wait3A_335, %dma_wait3A_336] : memref<2x25x80xi32, #tpu.memory_space<vmem>> -> memref<1x25x80xi32, #tpu.memory_space<vmem>>
    %dma_wait3A_338 = tpu.memref_squeeze %dma_wait3A_337 : memref<1x25x80xi32, #tpu.memory_space<vmem>> -> memref<25x80xi32, #tpu.memory_space<vmem>>
    %dma_wait3A_339 = arith.constant 0 : i32
    %dma_wait3A_340 = arith.constant 0 : i32
    %dma_wait3A_341 = tpu.memref_slice %arg3[%dma_wait3A_332, %add3A, %dma_wait3A_333, %dma_wait3A_339, %dma_wait3A_340] : memref<2x32x5x25x80xi32, #tpu.memory_space<hbm>> -> memref<1x1x1x25x80xi32, #tpu.memory_space<hbm>>
    %dma_wait3A_342 = tpu.memref_squeeze %dma_wait3A_341 : memref<1x1x1x25x80xi32, #tpu.memory_space<hbm>> -> memref<25x80xi32, #tpu.memory_space<hbm>>
    %dma_wait3A_343 = arith.constant 0 : i32
    %dma_wait3A_344 = arith.constant 0 : i32
    %dma_wait3A_345 = tpu.memref_slice %arg5[%dma_wait3A_334, %dma_wait3A_343, %dma_wait3A_344] : memref<2x25x80xi32, #tpu.memory_space<vmem>> -> memref<1x25x80xi32, #tpu.memory_space<vmem>>
    %dma_wait3A_346 = tpu.memref_squeeze %dma_wait3A_345 : memref<1x25x80xi32, #tpu.memory_space<vmem>> -> memref<25x80xi32, #tpu.memory_space<vmem>>
    %dma_wait3A_347 = arith.constant 0 : i32
    %dma_wait3A_348 = arith.constant 0 : i32
    %dma_wait3A_349 = tpu.memref_slice %arg3[%dma_wait3A_332, %add3A, %dma_wait3A_333, %dma_wait3A_347, %dma_wait3A_348] : memref<2x32x5x25x80xi32, #tpu.memory_space<hbm>> -> memref<1x1x1x25x80xi32, #tpu.memory_space<hbm>>
    %dma_wait3A_350 = tpu.memref_squeeze %dma_wait3A_349 : memref<1x1x1x25x80xi32, #tpu.memory_space<hbm>> -> memref<25x80xi32, #tpu.memory_space<hbm>>
    tpu.wait_dma2 semaphore(%arg12 : memref<!tpu.dma_semaphore, #tpu.memory_space<semaphore_mem>>) src(%dma_wait3A_350 : memref<25x80xi32, #tpu.memory_space<hbm>>) dst(%dma_wait3A_346 : memref<25x80xi32, #tpu.memory_space<vmem>>)
    %dma_wait3A_351 = arith.constant 1 : i32
    %dma_wait3A_352 = arith.constant 3 : i32
    %dma_wait3A_353 = arith.constant 1 : i32
    %dma_wait3A_354 = arith.constant 0 : i32
    %dma_wait3A_355 = arith.constant 0 : i32
    %dma_wait3A_356 = tpu.memref_slice %arg6[%dma_wait3A_353, %dma_wait3A_354, %dma_wait3A_355] : memref<2x25x80xi32, #tpu.memory_space<vmem>> -> memref<1x25x80xi32, #tpu.memory_space<vmem>>
    %dma_wait3A_357 = tpu.memref_squeeze %dma_wait3A_356 : memref<1x25x80xi32, #tpu.memory_space<vmem>> -> memref<25x80xi32, #tpu.memory_space<vmem>>
    %dma_wait3A_358 = arith.constant 0 : i32
    %dma_wait3A_359 = arith.constant 0 : i32
    %dma_wait3A_360 = tpu.memref_slice %arg3[%dma_wait3A_351, %add3A, %dma_wait3A_352, %dma_wait3A_358, %dma_wait3A_359] : memref<2x32x5x25x80xi32, #tpu.memory_space<hbm>> -> memref<1x1x1x25x80xi32, #tpu.memory_space<hbm>>
    %dma_wait3A_361 = tpu.memref_squeeze %dma_wait3A_360 : memref<1x1x1x25x80xi32, #tpu.memory_space<hbm>> -> memref<25x80xi32, #tpu.memory_space<hbm>>
    %dma_wait3A_362 = arith.constant 0 : i32
    %dma_wait3A_363 = arith.constant 0 : i32
    %dma_wait3A_364 = tpu.memref_slice %arg6[%dma_wait3A_353, %dma_wait3A_362, %dma_wait3A_363] : memref<2x25x80xi32, #tpu.memory_space<vmem>> -> memref<1x25x80xi32, #tpu.memory_space<vmem>>
    %dma_wait3A_365 = tpu.memref_squeeze %dma_wait3A_364 : memref<1x25x80xi32, #tpu.memory_space<vmem>> -> memref<25x80xi32, #tpu.memory_space<vmem>>
    %dma_wait3A_366 = arith.constant 0 : i32
    %dma_wait3A_367 = arith.constant 0 : i32
    %dma_wait3A_368 = tpu.memref_slice %arg3[%dma_wait3A_351, %add3A, %dma_wait3A_352, %dma_wait3A_366, %dma_wait3A_367] : memref<2x32x5x25x80xi32, #tpu.memory_space<hbm>> -> memref<1x1x1x25x80xi32, #tpu.memory_space<hbm>>
    %dma_wait3A_369 = tpu.memref_squeeze %dma_wait3A_368 : memref<1x1x1x25x80xi32, #tpu.memory_space<hbm>> -> memref<25x80xi32, #tpu.memory_space<hbm>>
    tpu.wait_dma2 semaphore(%arg12 : memref<!tpu.dma_semaphore, #tpu.memory_space<semaphore_mem>>) src(%dma_wait3A_369 : memref<25x80xi32, #tpu.memory_space<hbm>>) dst(%dma_wait3A_365 : memref<25x80xi32, #tpu.memory_space<vmem>>)
    %dma_start3A_370 = arith.constant 1 : i32
    %dma_start3A_371 = arith.constant 0 : i32
    %dma_start3A_372 = arith.constant 0 : i32
    %dma_start3A_373 = tpu.memref_slice %arg5[%dma_start3A_370, %dma_start3A_371, %dma_start3A_372] : memref<2x25x80xi32, #tpu.memory_space<vmem>> -> memref<1x1x80xi32, #tpu.memory_space<vmem>>
    %dma_start3A_374 = tpu.memref_squeeze %dma_start3A_373 : memref<1x1x80xi32, #tpu.memory_space<vmem>> -> memref<80xi32, #tpu.memory_space<vmem>>
    %dma_start3A_375 = arith.constant 0 : i32
    %dma_start3A_376 = arith.constant 0 : i32
    %dma_start3A_377 = tpu.memref_slice %arg2[%dma_start3A_375, %dma_start3A_376] : memref<10240x128xf32, #tpu.memory_space<hbm>> -> memref<10240x128xf32, #tpu.memory_space<hbm>>
    tpu.enqueue_indirect_dma source(%dma_start3A_377 : memref<10240x128xf32, #tpu.memory_space<hbm>>) target(%arg7 : memref<80x128xf32, #tpu.memory_space<vmem>>) offsets(%dma_start3A_374 : memref<80xi32, #tpu.memory_space<vmem>>) semaphore(%arg10 : memref<!tpu.dma_semaphore, #tpu.memory_space<semaphore_mem>>)
    %dma_start3A_378 = arith.constant 0 : i32
    %dma_start3A_379 = arith.constant 4 : i32
    %dma_start3A_380 = arith.constant 0 : i32
    %dma_start3A_381 = arith.constant 0 : i32
    %dma_start3A_382 = arith.constant 0 : i32
    %dma_start3A_383 = tpu.memref_slice %arg5[%dma_start3A_380, %dma_start3A_381, %dma_start3A_382] : memref<2x25x80xi32, #tpu.memory_space<vmem>> -> memref<1x25x80xi32, #tpu.memory_space<vmem>>
    %dma_start3A_384 = tpu.memref_squeeze %dma_start3A_383 : memref<1x25x80xi32, #tpu.memory_space<vmem>> -> memref<25x80xi32, #tpu.memory_space<vmem>>
    %dma_start3A_385 = arith.constant 0 : i32
    %dma_start3A_386 = arith.constant 0 : i32
    %dma_start3A_387 = tpu.memref_slice %arg3[%dma_start3A_378, %add3A, %dma_start3A_379, %dma_start3A_385, %dma_start3A_386] : memref<2x32x5x25x80xi32, #tpu.memory_space<hbm>> -> memref<1x1x1x25x80xi32, #tpu.memory_space<hbm>>
    %dma_start3A_388 = tpu.memref_squeeze %dma_start3A_387 : memref<1x1x1x25x80xi32, #tpu.memory_space<hbm>> -> memref<25x80xi32, #tpu.memory_space<hbm>>
    %dma_start3A_389 = arith.constant 0 : i32
    %dma_start3A_390 = arith.constant 0 : i32
    %dma_start3A_391 = tpu.memref_slice %arg5[%dma_start3A_380, %dma_start3A_389, %dma_start3A_390] : memref<2x25x80xi32, #tpu.memory_space<vmem>> -> memref<1x25x80xi32, #tpu.memory_space<vmem>>
    %dma_start3A_392 = tpu.memref_squeeze %dma_start3A_391 : memref<1x25x80xi32, #tpu.memory_space<vmem>> -> memref<25x80xi32, #tpu.memory_space<vmem>>
    %dma_start3A_393 = arith.constant 0 : i32
    %dma_start3A_394 = arith.constant 0 : i32
    %dma_start3A_395 = tpu.memref_slice %arg3[%dma_start3A_378, %add3A, %dma_start3A_379, %dma_start3A_393, %dma_start3A_394] : memref<2x32x5x25x80xi32, #tpu.memory_space<hbm>> -> memref<1x1x1x25x80xi32, #tpu.memory_space<hbm>>
    %dma_start3A_396 = tpu.memref_squeeze %dma_start3A_395 : memref<1x1x1x25x80xi32, #tpu.memory_space<hbm>> -> memref<25x80xi32, #tpu.memory_space<hbm>>
    tpu.enqueue_dma source(%dma_start3A_396 : memref<25x80xi32, #tpu.memory_space<hbm>>) target(%dma_start3A_392 : memref<25x80xi32, #tpu.memory_space<vmem>>) target_semaphore(%arg12 : memref<!tpu.dma_semaphore, #tpu.memory_space<semaphore_mem>>)
    %dma_start3A_397 = arith.constant 1 : i32
    %dma_start3A_398 = arith.constant 4 : i32
    %dma_start3A_399 = arith.constant 0 : i32
    %dma_start3A_400 = arith.constant 0 : i32
    %dma_start3A_401 = arith.constant 0 : i32
    %dma_start3A_402 = tpu.memref_slice %arg6[%dma_start3A_399, %dma_start3A_400, %dma_start3A_401] : memref<2x25x80xi32, #tpu.memory_space<vmem>> -> memref<1x25x80xi32, #tpu.memory_space<vmem>>
    %dma_start3A_403 = tpu.memref_squeeze %dma_start3A_402 : memref<1x25x80xi32, #tpu.memory_space<vmem>> -> memref<25x80xi32, #tpu.memory_space<vmem>>
    %dma_start3A_404 = arith.constant 0 : i32
    %dma_start3A_405 = arith.constant 0 : i32
    %dma_start3A_406 = tpu.memref_slice %arg3[%dma_start3A_397, %add3A, %dma_start3A_398, %dma_start3A_404, %dma_start3A_405] : memref<2x32x5x25x80xi32, #tpu.memory_space<hbm>> -> memref<1x1x1x25x80xi32, #tpu.memory_space<hbm>>
    %dma_start3A_407 = tpu.memref_squeeze %dma_start3A_406 : memref<1x1x1x25x80xi32, #tpu.memory_space<hbm>> -> memref<25x80xi32, #tpu.memory_space<hbm>>
    %dma_start3A_408 = arith.constant 0 : i32
    %dma_start3A_409 = arith.constant 0 : i32
    %dma_start3A_410 = tpu.memref_slice %arg6[%dma_start3A_399, %dma_start3A_408, %dma_start3A_409] : memref<2x25x80xi32, #tpu.memory_space<vmem>> -> memref<1x25x80xi32, #tpu.memory_space<vmem>>
    %dma_start3A_411 = tpu.memref_squeeze %dma_start3A_410 : memref<1x25x80xi32, #tpu.memory_space<vmem>> -> memref<25x80xi32, #tpu.memory_space<vmem>>
    %dma_start3A_412 = arith.constant 0 : i32
    %dma_start3A_413 = arith.constant 0 : i32
    %dma_start3A_414 = tpu.memref_slice %arg3[%dma_start3A_397, %add3A, %dma_start3A_398, %dma_start3A_412, %dma_start3A_413] : memref<2x32x5x25x80xi32, #tpu.memory_space<hbm>> -> memref<1x1x1x25x80xi32, #tpu.memory_space<hbm>>
    %dma_start3A_415 = tpu.memref_squeeze %dma_start3A_414 : memref<1x1x1x25x80xi32, #tpu.memory_space<hbm>> -> memref<25x80xi32, #tpu.memory_space<hbm>>
    tpu.enqueue_dma source(%dma_start3A_415 : memref<25x80xi32, #tpu.memory_space<hbm>>) target(%dma_start3A_411 : memref<25x80xi32, #tpu.memory_space<vmem>>) target_semaphore(%arg12 : memref<!tpu.dma_semaphore, #tpu.memory_space<semaphore_mem>>)
    %scan3A_416 = arith.constant 0 : i32
    %scan3A_417 = arith.constant 0 : i32
    %scan3A_418 = arith.constant 12 : i32
    %scan3A_419 = arith.addi %scan3A_417, %scan3A_418 : i32
    %scan3A_420 = arith.constant 1 : i32
    scf.for %scan3A_491 = %scan3A_417 to %scan3A_419 step %scan3A_420  : i32 {
      %mul3A_492 = arith.constant 2 : i32
      %mul3A_493 = arith.muli %mul3A_492, %scan3A_491 : i32
      %add3A_494 = arith.constant 1 : i32
      %add3A_495 = arith.addi %mul3A_493, %add3A_494 : i32
      %dma_start3A_496 = arith.constant 1 : i32
      %dma_start3A_497 = arith.constant 0 : i32
      %dma_start3A_498 = tpu.memref_slice %arg5[%dma_start3A_496, %add3A_495, %dma_start3A_497] : memref<2x25x80xi32, #tpu.memory_space<vmem>> -> memref<1x1x80xi32, #tpu.memory_space<vmem>>
      %dma_start3A_499 = tpu.memref_squeeze %dma_start3A_498 : memref<1x1x80xi32, #tpu.memory_space<vmem>> -> memref<80xi32, #tpu.memory_space<vmem>>
      %dma_start3A_500 = arith.constant 0 : i32
      %dma_start3A_501 = arith.constant 0 : i32
      %dma_start3A_502 = tpu.memref_slice %arg2[%dma_start3A_500, %dma_start3A_501] : memref<10240x128xf32, #tpu.memory_space<hbm>> -> memref<10240x128xf32, #tpu.memory_space<hbm>>
      tpu.enqueue_indirect_dma source(%dma_start3A_502 : memref<10240x128xf32, #tpu.memory_space<hbm>>) target(%arg8 : memref<80x128xf32, #tpu.memory_space<vmem>>) offsets(%dma_start3A_499 : memref<80xi32, #tpu.memory_space<vmem>>) semaphore(%arg11 : memref<!tpu.dma_semaphore, #tpu.memory_space<semaphore_mem>>)
      %dma_wait3A_503 = arith.constant 1 : i32
      %dma_wait3A_504 = arith.constant 0 : i32
      %dma_wait3A_505 = tpu.memref_slice %arg5[%dma_wait3A_503, %mul3A_493, %dma_wait3A_504] : memref<2x25x80xi32, #tpu.memory_space<vmem>> -> memref<1x1x80xi32, #tpu.memory_space<vmem>>
      %dma_wait3A_506 = tpu.memref_squeeze %dma_wait3A_505 : memref<1x1x80xi32, #tpu.memory_space<vmem>> -> memref<80xi32, #tpu.memory_space<vmem>>
      %dma_wait3A_507 = arith.constant 0 : i32
      %dma_wait3A_508 = arith.constant 0 : i32
      %dma_wait3A_509 = tpu.memref_slice %arg2[%dma_wait3A_507, %dma_wait3A_508] : memref<10240x128xf32, #tpu.memory_space<hbm>> -> memref<10240x128xf32, #tpu.memory_space<hbm>>
      tpu.wait_indirect_dma semaphore(%arg10 : memref<!tpu.dma_semaphore, #tpu.memory_space<semaphore_mem>>) src(%dma_wait3A_509 : memref<10240x128xf32, #tpu.memory_space<hbm>>) dst(%arg7 : memref<80x128xf32, #tpu.memory_space<vmem>>)
      %add3A_510 = arith.constant 2 : i32
      %add3A_511 = arith.addi %mul3A_493, %add3A_510 : i32
      %dma_start3A_512 = arith.constant 1 : i32
      %dma_start3A_513 = arith.constant 0 : i32
      %dma_start3A_514 = tpu.memref_slice %arg5[%dma_start3A_512, %add3A_511, %dma_start3A_513] : memref<2x25x80xi32, #tpu.memory_space<vmem>> -> memref<1x1x80xi32, #tpu.memory_space<vmem>>
      %dma_start3A_515 = tpu.memref_squeeze %dma_start3A_514 : memref<1x1x80xi32, #tpu.memory_space<vmem>> -> memref<80xi32, #tpu.memory_space<vmem>>
      %dma_start3A_516 = arith.constant 0 : i32
      %dma_start3A_517 = arith.constant 0 : i32
      %dma_start3A_518 = tpu.memref_slice %arg2[%dma_start3A_516, %dma_start3A_517] : memref<10240x128xf32, #tpu.memory_space<hbm>> -> memref<10240x128xf32, #tpu.memory_space<hbm>>
      tpu.enqueue_indirect_dma source(%dma_start3A_518 : memref<10240x128xf32, #tpu.memory_space<hbm>>) target(%arg7 : memref<80x128xf32, #tpu.memory_space<vmem>>) offsets(%dma_start3A_515 : memref<80xi32, #tpu.memory_space<vmem>>) semaphore(%arg10 : memref<!tpu.dma_semaphore, #tpu.memory_space<semaphore_mem>>)
      %add3A_519 = arith.constant 1 : i32
      %add3A_520 = arith.addi %mul3A_493, %add3A_519 : i32
      %dma_wait3A_521 = arith.constant 1 : i32
      %dma_wait3A_522 = arith.constant 0 : i32
      %dma_wait3A_523 = tpu.memref_slice %arg5[%dma_wait3A_521, %add3A_520, %dma_wait3A_522] : memref<2x25x80xi32, #tpu.memory_space<vmem>> -> memref<1x1x80xi32, #tpu.memory_space<vmem>>
      %dma_wait3A_524 = tpu.memref_squeeze %dma_wait3A_523 : memref<1x1x80xi32, #tpu.memory_space<vmem>> -> memref<80xi32, #tpu.memory_space<vmem>>
      %dma_wait3A_525 = arith.constant 0 : i32
      %dma_wait3A_526 = arith.constant 0 : i32
      %dma_wait3A_527 = tpu.memref_slice %arg2[%dma_wait3A_525, %dma_wait3A_526] : memref<10240x128xf32, #tpu.memory_space<hbm>> -> memref<10240x128xf32, #tpu.memory_space<hbm>>
      tpu.wait_indirect_dma semaphore(%arg11 : memref<!tpu.dma_semaphore, #tpu.memory_space<semaphore_mem>>) src(%dma_wait3A_527 : memref<10240x128xf32, #tpu.memory_space<hbm>>) dst(%arg8 : memref<80x128xf32, #tpu.memory_space<vmem>>)
      %add3A_528 = arith.constant 1 : i32
      %add3A_529 = arith.addi %mul3A_493, %add3A_528 : i32
    }
    %scan3A_421 = arith.constant 12 : i32
    %dma_wait3A_422 = arith.constant 1 : i32
    %dma_wait3A_423 = arith.constant 24 : i32
    %dma_wait3A_424 = arith.constant 0 : i32
    %dma_wait3A_425 = tpu.memref_slice %arg5[%dma_wait3A_422, %dma_wait3A_423, %dma_wait3A_424] : memref<2x25x80xi32, #tpu.memory_space<vmem>> -> memref<1x1x80xi32, #tpu.memory_space<vmem>>
    %dma_wait3A_426 = tpu.memref_squeeze %dma_wait3A_425 : memref<1x1x80xi32, #tpu.memory_space<vmem>> -> memref<80xi32, #tpu.memory_space<vmem>>
    %dma_wait3A_427 = arith.constant 0 : i32
    %dma_wait3A_428 = arith.constant 0 : i32
    %dma_wait3A_429 = tpu.memref_slice %arg2[%dma_wait3A_427, %dma_wait3A_428] : memref<10240x128xf32, #tpu.memory_space<hbm>> -> memref<10240x128xf32, #tpu.memory_space<hbm>>
    tpu.wait_indirect_dma semaphore(%arg10 : memref<!tpu.dma_semaphore, #tpu.memory_space<semaphore_mem>>) src(%dma_wait3A_429 : memref<10240x128xf32, #tpu.memory_space<hbm>>) dst(%arg7 : memref<80x128xf32, #tpu.memory_space<vmem>>)
    %dma_wait3A_430 = arith.constant 0 : i32
    %dma_wait3A_431 = arith.constant 4 : i32
    %dma_wait3A_432 = arith.constant 0 : i32
    %dma_wait3A_433 = arith.constant 0 : i32
    %dma_wait3A_434 = arith.constant 0 : i32
    %dma_wait3A_435 = tpu.memref_slice %arg5[%dma_wait3A_432, %dma_wait3A_433, %dma_wait3A_434] : memref<2x25x80xi32, #tpu.memory_space<vmem>> -> memref<1x25x80xi32, #tpu.memory_space<vmem>>
    %dma_wait3A_436 = tpu.memref_squeeze %dma_wait3A_435 : memref<1x25x80xi32, #tpu.memory_space<vmem>> -> memref<25x80xi32, #tpu.memory_space<vmem>>
    %dma_wait3A_437 = arith.constant 0 : i32
    %dma_wait3A_438 = arith.constant 0 : i32
    %dma_wait3A_439 = tpu.memref_slice %arg3[%dma_wait3A_430, %add3A, %dma_wait3A_431, %dma_wait3A_437, %dma_wait3A_438] : memref<2x32x5x25x80xi32, #tpu.memory_space<hbm>> -> memref<1x1x1x25x80xi32, #tpu.memory_space<hbm>>
    %dma_wait3A_440 = tpu.memref_squeeze %dma_wait3A_439 : memref<1x1x1x25x80xi32, #tpu.memory_space<hbm>> -> memref<25x80xi32, #tpu.memory_space<hbm>>
    %dma_wait3A_441 = arith.constant 0 : i32
    %dma_wait3A_442 = arith.constant 0 : i32
    %dma_wait3A_443 = tpu.memref_slice %arg5[%dma_wait3A_432, %dma_wait3A_441, %dma_wait3A_442] : memref<2x25x80xi32, #tpu.memory_space<vmem>> -> memref<1x25x80xi32, #tpu.memory_space<vmem>>
    %dma_wait3A_444 = tpu.memref_squeeze %dma_wait3A_443 : memref<1x25x80xi32, #tpu.memory_space<vmem>> -> memref<25x80xi32, #tpu.memory_space<vmem>>
    %dma_wait3A_445 = arith.constant 0 : i32
    %dma_wait3A_446 = arith.constant 0 : i32
    %dma_wait3A_447 = tpu.memref_slice %arg3[%dma_wait3A_430, %add3A, %dma_wait3A_431, %dma_wait3A_445, %dma_wait3A_446] : memref<2x32x5x25x80xi32, #tpu.memory_space<hbm>> -> memref<1x1x1x25x80xi32, #tpu.memory_space<hbm>>
    %dma_wait3A_448 = tpu.memref_squeeze %dma_wait3A_447 : memref<1x1x1x25x80xi32, #tpu.memory_space<hbm>> -> memref<25x80xi32, #tpu.memory_space<hbm>>
    tpu.wait_dma2 semaphore(%arg12 : memref<!tpu.dma_semaphore, #tpu.memory_space<semaphore_mem>>) src(%dma_wait3A_448 : memref<25x80xi32, #tpu.memory_space<hbm>>) dst(%dma_wait3A_444 : memref<25x80xi32, #tpu.memory_space<vmem>>)
    %dma_wait3A_449 = arith.constant 1 : i32
    %dma_wait3A_450 = arith.constant 4 : i32
    %dma_wait3A_451 = arith.constant 0 : i32
    %dma_wait3A_452 = arith.constant 0 : i32
    %dma_wait3A_453 = arith.constant 0 : i32
    %dma_wait3A_454 = tpu.memref_slice %arg6[%dma_wait3A_451, %dma_wait3A_452, %dma_wait3A_453] : memref<2x25x80xi32, #tpu.memory_space<vmem>> -> memref<1x25x80xi32, #tpu.memory_space<vmem>>
    %dma_wait3A_455 = tpu.memref_squeeze %dma_wait3A_454 : memref<1x25x80xi32, #tpu.memory_space<vmem>> -> memref<25x80xi32, #tpu.memory_space<vmem>>
    %dma_wait3A_456 = arith.constant 0 : i32
    %dma_wait3A_457 = arith.constant 0 : i32
    %dma_wait3A_458 = tpu.memref_slice %arg3[%dma_wait3A_449, %add3A, %dma_wait3A_450, %dma_wait3A_456, %dma_wait3A_457] : memref<2x32x5x25x80xi32, #tpu.memory_space<hbm>> -> memref<1x1x1x25x80xi32, #tpu.memory_space<hbm>>
    %dma_wait3A_459 = tpu.memref_squeeze %dma_wait3A_458 : memref<1x1x1x25x80xi32, #tpu.memory_space<hbm>> -> memref<25x80xi32, #tpu.memory_space<hbm>>
    %dma_wait3A_460 = arith.constant 0 : i32
    %dma_wait3A_461 = arith.constant 0 : i32
    %dma_wait3A_462 = tpu.memref_slice %arg6[%dma_wait3A_451, %dma_wait3A_460, %dma_wait3A_461] : memref<2x25x80xi32, #tpu.memory_space<vmem>> -> memref<1x25x80xi32, #tpu.memory_space<vmem>>
    %dma_wait3A_463 = tpu.memref_squeeze %dma_wait3A_462 : memref<1x25x80xi32, #tpu.memory_space<vmem>> -> memref<25x80xi32, #tpu.memory_space<vmem>>
    %dma_wait3A_464 = arith.constant 0 : i32
    %dma_wait3A_465 = arith.constant 0 : i32
    %dma_wait3A_466 = tpu.memref_slice %arg3[%dma_wait3A_449, %add3A, %dma_wait3A_450, %dma_wait3A_464, %dma_wait3A_465] : memref<2x32x5x25x80xi32, #tpu.memory_space<hbm>> -> memref<1x1x1x25x80xi32, #tpu.memory_space<hbm>>
    %dma_wait3A_467 = tpu.memref_squeeze %dma_wait3A_466 : memref<1x1x1x25x80xi32, #tpu.memory_space<hbm>> -> memref<25x80xi32, #tpu.memory_space<hbm>>
    tpu.wait_dma2 semaphore(%arg12 : memref<!tpu.dma_semaphore, #tpu.memory_space<semaphore_mem>>) src(%dma_wait3A_467 : memref<25x80xi32, #tpu.memory_space<hbm>>) dst(%dma_wait3A_463 : memref<25x80xi32, #tpu.memory_space<vmem>>)
    %dma_start3A_468 = arith.constant 0 : i32
    %dma_start3A_469 = arith.constant 0 : i32
    %dma_start3A_470 = arith.constant 0 : i32
    %dma_start3A_471 = tpu.memref_slice %arg5[%dma_start3A_468, %dma_start3A_469, %dma_start3A_470] : memref<2x25x80xi32, #tpu.memory_space<vmem>> -> memref<1x1x80xi32, #tpu.memory_space<vmem>>
    %dma_start3A_472 = tpu.memref_squeeze %dma_start3A_471 : memref<1x1x80xi32, #tpu.memory_space<vmem>> -> memref<80xi32, #tpu.memory_space<vmem>>
    %dma_start3A_473 = arith.constant 0 : i32
    %dma_start3A_474 = arith.constant 0 : i32
    %dma_start3A_475 = tpu.memref_slice %arg2[%dma_start3A_473, %dma_start3A_474] : memref<10240x128xf32, #tpu.memory_space<hbm>> -> memref<10240x128xf32, #tpu.memory_space<hbm>>
    tpu.enqueue_indirect_dma source(%dma_start3A_475 : memref<10240x128xf32, #tpu.memory_space<hbm>>) target(%arg7 : memref<80x128xf32, #tpu.memory_space<vmem>>) offsets(%dma_start3A_472 : memref<80xi32, #tpu.memory_space<vmem>>) semaphore(%arg10 : memref<!tpu.dma_semaphore, #tpu.memory_space<semaphore_mem>>)
    %scan3A_476 = arith.constant 0 : i32
    %scan3A_477 = arith.constant 0 : i32
    %scan3A_478 = arith.constant 12 : i32
    %scan3A_479 = arith.addi %scan3A_477, %scan3A_478 : i32
    %scan3A_480 = arith.constant 1 : i32
    scf.for %scan3A_491 = %scan3A_477 to %scan3A_479 step %scan3A_480  : i32 {
      %mul3A_492 = arith.constant 2 : i32
      %mul3A_493 = arith.muli %mul3A_492, %scan3A_491 : i32
      %add3A_494 = arith.constant 1 : i32
      %add3A_495 = arith.addi %mul3A_493, %add3A_494 : i32
      %dma_start3A_496 = arith.constant 0 : i32
      %dma_start3A_497 = arith.constant 0 : i32
      %dma_start3A_498 = tpu.memref_slice %arg5[%dma_start3A_496, %add3A_495, %dma_start3A_497] : memref<2x25x80xi32, #tpu.memory_space<vmem>> -> memref<1x1x80xi32, #tpu.memory_space<vmem>>
      %dma_start3A_499 = tpu.memref_squeeze %dma_start3A_498 : memref<1x1x80xi32, #tpu.memory_space<vmem>> -> memref<80xi32, #tpu.memory_space<vmem>>
      %dma_start3A_500 = arith.constant 0 : i32
      %dma_start3A_501 = arith.constant 0 : i32
      %dma_start3A_502 = tpu.memref_slice %arg2[%dma_start3A_500, %dma_start3A_501] : memref<10240x128xf32, #tpu.memory_space<hbm>> -> memref<10240x128xf32, #tpu.memory_space<hbm>>
      tpu.enqueue_indirect_dma source(%dma_start3A_502 : memref<10240x128xf32, #tpu.memory_space<hbm>>) target(%arg8 : memref<80x128xf32, #tpu.memory_space<vmem>>) offsets(%dma_start3A_499 : memref<80xi32, #tpu.memory_space<vmem>>) semaphore(%arg11 : memref<!tpu.dma_semaphore, #tpu.memory_space<semaphore_mem>>)
      %dma_wait3A_503 = arith.constant 0 : i32
      %dma_wait3A_504 = arith.constant 0 : i32
      %dma_wait3A_505 = tpu.memref_slice %arg5[%dma_wait3A_503, %mul3A_493, %dma_wait3A_504] : memref<2x25x80xi32, #tpu.memory_space<vmem>> -> memref<1x1x80xi32, #tpu.memory_space<vmem>>
      %dma_wait3A_506 = tpu.memref_squeeze %dma_wait3A_505 : memref<1x1x80xi32, #tpu.memory_space<vmem>> -> memref<80xi32, #tpu.memory_space<vmem>>
      %dma_wait3A_507 = arith.constant 0 : i32
      %dma_wait3A_508 = arith.constant 0 : i32
      %dma_wait3A_509 = tpu.memref_slice %arg2[%dma_wait3A_507, %dma_wait3A_508] : memref<10240x128xf32, #tpu.memory_space<hbm>> -> memref<10240x128xf32, #tpu.memory_space<hbm>>
      tpu.wait_indirect_dma semaphore(%arg10 : memref<!tpu.dma_semaphore, #tpu.memory_space<semaphore_mem>>) src(%dma_wait3A_509 : memref<10240x128xf32, #tpu.memory_space<hbm>>) dst(%arg7 : memref<80x128xf32, #tpu.memory_space<vmem>>)
      %add3A_510 = arith.constant 2 : i32
      %add3A_511 = arith.addi %mul3A_493, %add3A_510 : i32
      %dma_start3A_512 = arith.constant 0 : i32
      %dma_start3A_513 = arith.constant 0 : i32
      %dma_start3A_514 = tpu.memref_slice %arg5[%dma_start3A_512, %add3A_511, %dma_start3A_513] : memref<2x25x80xi32, #tpu.memory_space<vmem>> -> memref<1x1x80xi32, #tpu.memory_space<vmem>>
      %dma_start3A_515 = tpu.memref_squeeze %dma_start3A_514 : memref<1x1x80xi32, #tpu.memory_space<vmem>> -> memref<80xi32, #tpu.memory_space<vmem>>
      %dma_start3A_516 = arith.constant 0 : i32
      %dma_start3A_517 = arith.constant 0 : i32
      %dma_start3A_518 = tpu.memref_slice %arg2[%dma_start3A_516, %dma_start3A_517] : memref<10240x128xf32, #tpu.memory_space<hbm>> -> memref<10240x128xf32, #tpu.memory_space<hbm>>
      tpu.enqueue_indirect_dma source(%dma_start3A_518 : memref<10240x128xf32, #tpu.memory_space<hbm>>) target(%arg7 : memref<80x128xf32, #tpu.memory_space<vmem>>) offsets(%dma_start3A_515 : memref<80xi32, #tpu.memory_space<vmem>>) semaphore(%arg10 : memref<!tpu.dma_semaphore, #tpu.memory_space<semaphore_mem>>)
      %add3A_519 = arith.constant 1 : i32
      %add3A_520 = arith.addi %mul3A_493, %add3A_519 : i32
      %dma_wait3A_521 = arith.constant 0 : i32
      %dma_wait3A_522 = arith.constant 0 : i32
      %dma_wait3A_523 = tpu.memref_slice %arg5[%dma_wait3A_521, %add3A_520, %dma_wait3A_522] : memref<2x25x80xi32, #tpu.memory_space<vmem>> -> memref<1x1x80xi32, #tpu.memory_space<vmem>>
      %dma_wait3A_524 = tpu.memref_squeeze %dma_wait3A_523 : memref<1x1x80xi32, #tpu.memory_space<vmem>> -> memref<80xi32, #tpu.memory_space<vmem>>
      %dma_wait3A_525 = arith.constant 0 : i32
      %dma_wait3A_526 = arith.constant 0 : i32
      %dma_wait3A_527 = tpu.memref_slice %arg2[%dma_wait3A_525, %dma_wait3A_526] : memref<10240x128xf32, #tpu.memory_space<hbm>> -> memref<10240x128xf32, #tpu.memory_space<hbm>>
      tpu.wait_indirect_dma semaphore(%arg11 : memref<!tpu.dma_semaphore, #tpu.memory_space<semaphore_mem>>) src(%dma_wait3A_527 : memref<10240x128xf32, #tpu.memory_space<hbm>>) dst(%arg8 : memref<80x128xf32, #tpu.memory_space<vmem>>)
      %add3A_528 = arith.constant 1 : i32
      %add3A_529 = arith.addi %mul3A_493, %add3A_528 : i32
    }
    %scan3A_481 = arith.constant 12 : i32
    %dma_wait3A_482 = arith.constant 0 : i32
    %dma_wait3A_483 = arith.constant 24 : i32
    %dma_wait3A_484 = arith.constant 0 : i32
    %dma_wait3A_485 = tpu.memref_slice %arg5[%dma_wait3A_482, %dma_wait3A_483, %dma_wait3A_484] : memref<2x25x80xi32, #tpu.memory_space<vmem>> -> memref<1x1x80xi32, #tpu.memory_space<vmem>>
    %dma_wait3A_486 = tpu.memref_squeeze %dma_wait3A_485 : memref<1x1x80xi32, #tpu.memory_space<vmem>> -> memref<80xi32, #tpu.memory_space<vmem>>
    %dma_wait3A_487 = arith.constant 0 : i32
    %dma_wait3A_488 = arith.constant 0 : i32
    %dma_wait3A_489 = tpu.memref_slice %arg2[%dma_wait3A_487, %dma_wait3A_488] : memref<10240x128xf32, #tpu.memory_space<hbm>> -> memref<10240x128xf32, #tpu.memory_space<hbm>>
    tpu.wait_indirect_dma semaphore(%arg10 : memref<!tpu.dma_semaphore, #tpu.memory_space<semaphore_mem>>) src(%dma_wait3A_489 : memref<10240x128xf32, #tpu.memory_space<hbm>>) dst(%arg7 : memref<80x128xf32, #tpu.memory_space<vmem>>)
    %barrier3A_490 = arith.constant 0 : index
    tpu.barrier barrier_id(%barrier3A_490)
    "tpu.region"() ({
      %run_scoped3A = tpu.sem_alloc : memref<!tpu.dma_semaphore, #tpu.memory_space<semaphore_mem>>
      %dma_start3A_491 = arith.constant 0 : i32
      %dma_start3A_492 = tpu.memref_slice %arg4[%arg0, %mul3A_2, %dma_start3A_491] : memref<2x10240x128xf32, #tpu.memory_space<hbm>> -> memref<1x640x128xf32, #tpu.memory_space<hbm>>
      %dma_start3A_493 = tpu.memref_squeeze %dma_start3A_492 : memref<1x640x128xf32, #tpu.memory_space<hbm>> -> memref<640x128xf32, #tpu.memory_space<hbm>>
      %dma_start3A_494 = arith.constant 0 : i32
      %dma_start3A_495 = tpu.memref_slice %arg9[%mul3A_2, %dma_start3A_494] : memref<10240x128xf32, #tpu.memory_space<vmem_shared>> -> memref<640x128xf32, #tpu.memory_space<vmem_shared>>
      tpu.enqueue_dma source(%dma_start3A_495 : memref<640x128xf32, #tpu.memory_space<vmem_shared>>) target(%dma_start3A_493 : memref<640x128xf32, #tpu.memory_space<hbm>>) target_semaphore(%run_scoped3A : memref<!tpu.dma_semaphore, #tpu.memory_space<semaphore_mem>>)
      %dma_wait3A_496 = arith.constant 0 : i32
      %dma_wait3A_497 = tpu.memref_slice %arg4[%arg0, %mul3A_2, %dma_wait3A_496] : memref<2x10240x128xf32, #tpu.memory_space<hbm>> -> memref<1x640x128xf32, #tpu.memory_space<hbm>>
      %dma_wait3A_498 = tpu.memref_squeeze %dma_wait3A_497 : memref<1x640x128xf32, #tpu.memory_space<hbm>> -> memref<640x128xf32, #tpu.memory_space<hbm>>
      %dma_wait3A_499 = arith.constant 0 : i32
      %dma_wait3A_500 = tpu.memref_slice %arg9[%mul3A_2, %dma_wait3A_499] : memref<10240x128xf32, #tpu.memory_space<vmem_shared>> -> memref<640x128xf32, #tpu.memory_space<vmem_shared>>
      tpu.wait_dma2 semaphore(%run_scoped3A : memref<!tpu.dma_semaphore, #tpu.memory_space<semaphore_mem>>) src(%dma_wait3A_500 : memref<640x128xf32, #tpu.memory_space<vmem_shared>>) dst(%dma_wait3A_498 : memref<640x128xf32, #tpu.memory_space<hbm>>)
      tpu.yield
    }) : () -> ()
    return
  }
}

module attributes {stable_mosaic.version = 14 : i64} {
  func.func @_prep_body(%arg0: i32, %arg1: memref<2048x128xf32, #tpu.memory_space<vmem>>, %arg2: memref<1x128xf32, #tpu.memory_space<vmem>>, %arg3: memref<128x128xf32, #tpu.memory_space<vmem>>, %arg4: memref<32x2048xf32, #tpu.memory_space<vmem>>, %arg5: memref<2048x128xf32, #tpu.memory_space<vmem>>) attributes {dimension_semantics = [#tpu.dimension_semantics<arbitrary>], iteration_bounds = array<i64: 5>, scalar_prefetch = 0 : i64, scratch_operands = 0 : i64, tpu.core_type = #tpu.core_type<tc>, window_params = [{transform_indices = @transform_0, window_bounds = array<i64: 2048, 128>}, {pipeline_mode = #tpu.pipeline_mode<synchronous>, transform_indices = @transform_1, window_bounds = array<i64: 1, 128>}, {pipeline_mode = #tpu.pipeline_mode<synchronous>, transform_indices = @transform_2, window_bounds = array<i64: 128, 128>}, {transform_indices = @transform_3, window_bounds = array<i64: 32, 2048>}, {transform_indices = @transform_4, window_bounds = array<i64: 2048, 128>}]} {
    %get3A = arith.constant 0 : index
    %get3A_0 = arith.constant 0 : index
    %get3A_1 = vector.load %arg1[%get3A, %get3A_0] : memref<2048x128xf32, #tpu.memory_space<vmem>>, vector<2048x128xf32>
    %get3A_2 = arith.constant 0 : index
    %get3A_3 = arith.constant 0 : index
    %get3A_4 = vector.load %arg2[%get3A_2, %get3A_3] : memref<1x128xf32, #tpu.memory_space<vmem>>, vector<1x128xf32>
    %logistic3A = arith.negf %get3A_4 : vector<1x128xf32>
    %logistic3A_5 = math.exp %logistic3A : vector<1x128xf32>
    %logistic3A_6 = arith.constant 1.000000e+00 : f32
    %logistic3A_7 = vector.broadcast %logistic3A_6 : f32 to vector<1x128xf32>
    %logistic3A_8 = arith.addf %logistic3A_7, %logistic3A_5 : vector<1x128xf32>
    %logistic3A_9 = arith.divf %logistic3A_7, %logistic3A_8 : vector<1x128xf32>
    %squeeze3A = vector.shape_cast %logistic3A_9 : vector<1x128xf32> to vector<128xf32>
    %broadcast_in_dim3A = vector.shape_cast %squeeze3A : vector<128xf32> to vector<1x128xf32>
    %mul3A = vector.broadcast %broadcast_in_dim3A : vector<1x128xf32> to vector<2048x128xf32>
    %mul3A_10 = arith.mulf %get3A_1, %mul3A : vector<2048x128xf32>
    %get3A_11 = arith.constant 0 : index
    %get3A_12 = arith.constant 0 : index
    %get3A_13 = vector.load %arg3[%get3A_11, %get3A_12] : memref<128x128xf32, #tpu.memory_space<vmem>>, vector<128x128xf32>
    %dot_general3A = arith.constant dense<0.000000e+00> : vector<2048x128xf32>
    %dot_general3A_14 = tpu.matmul %mul3A_10, %get3A_13, %dot_general3A {dimension_numbers = #tpu.dot_dimension_numbers<[1], [0], [0], [1], [0, 0, 1, 1], [], []>, transpose_lhs_hint = false} : vector<2048x128xf32>, vector<128x128xf32>, vector<2048x128xf32> -> vector<2048x128xf32>
    %get3A_15 = arith.constant 0 : index
    %get3A_16 = arith.constant 0 : index
    %get3A_17 = vector.load %arg4[%get3A_15, %get3A_16] : memref<32x2048xf32, #tpu.memory_space<vmem>>, vector<32x2048xf32>
    %reduce_sum3A = arith.constant dense<0.000000e+00> : vector<2048xf32>
    %reduce_sum3A_18 = vector.multi_reduction <add>, %get3A_17, %reduce_sum3A [0] : vector<32x2048xf32> to vector<2048xf32>
    %add3A = arith.constant 1.000000e+00 : f32
    %add3A_19 = vector.broadcast %add3A : f32 to vector<2048xf32>
    %add3A_20 = arith.addf %reduce_sum3A_18, %add3A_19 : vector<2048xf32>
    %rsqrt3A = math.rsqrt %add3A_20 : vector<2048xf32>
    %broadcast_in_dim3A_21 = vector.shape_cast %rsqrt3A : vector<2048xf32> to vector<2048x1xf32>
    %mul3A_22 = vector.broadcast %broadcast_in_dim3A_21 : vector<2048x1xf32> to vector<2048x128xf32>
    %mul3A_23 = arith.mulf %dot_general3A_14, %mul3A_22 : vector<2048x128xf32>
    %swap3A = arith.constant 0 : index
    %swap3A_24 = arith.constant 0 : index
    %swap3A_25 = vector.load %arg5[%swap3A, %swap3A_24] : memref<2048x128xf32, #tpu.memory_space<vmem>>, vector<2048x128xf32>
    tpu.vector_store %arg5[%swap3A, %swap3A_24], %mul3A_23 {strides = array<i32>} : memref<2048x128xf32, #tpu.memory_space<vmem>>, vector<2048x128xf32>,
    return
  }
  func.func @transform_0(%arg0: i32) -> (i32, i32) {
    %c0_i32 = arith.constant 0 : i32
    %c0_i32_0 = arith.constant 0 : i32
    return %arg0, %c0_i32 : i32, i32
  }
  func.func @transform_1(%arg0: i32) -> (i32, i32) {
    %c0_i32 = arith.constant 0 : i32
    %c0_i32_0 = arith.constant 0 : i32
    %c0_i32_1 = arith.constant 0 : i32
    return %c0_i32, %c0_i32_0 : i32, i32
  }
  func.func @transform_2(%arg0: i32) -> (i32, i32) {
    %c0_i32 = arith.constant 0 : i32
    %c0_i32_0 = arith.constant 0 : i32
    %c0_i32_1 = arith.constant 0 : i32
    return %c0_i32, %c0_i32_0 : i32, i32
  }
  func.func @transform_3(%arg0: i32) -> (i32, i32) {
    %c0_i32 = arith.constant 0 : i32
    %c0_i32_0 = arith.constant 0 : i32
    return %c0_i32, %arg0 : i32, i32
  }
  func.func @transform_4(%arg0: i32) -> (i32, i32) {
    %c0_i32 = arith.constant 0 : i32
    %c0_i32_0 = arith.constant 0 : i32
    return %arg0, %c0_i32 : i32, i32
  }
}

module attributes {stable_mosaic.version = 14 : i64} {
  func.func @_mid_body(%arg0: i32, %arg1: memref<2x2048x128xf32, #tpu.memory_space<vmem>>, %arg2: memref<2048x128xf32, #tpu.memory_space<vmem>>, %arg3: memref<32x2048xf32, #tpu.memory_space<vmem>>, %arg4: memref<1x128xf32, #tpu.memory_space<vmem>>, %arg5: memref<1x128xf32, #tpu.memory_space<vmem>>, %arg6: memref<1x128xf32, #tpu.memory_space<vmem>>, %arg7: memref<128x16xf32, #tpu.memory_space<vmem>>, %arg8: memref<2048x16xf32, #tpu.memory_space<vmem>>) attributes {dimension_semantics = [#tpu.dimension_semantics<arbitrary>], iteration_bounds = array<i64: 5>, scalar_prefetch = 0 : i64, scratch_operands = 0 : i64, tpu.core_type = #tpu.core_type<tc>, window_params = [{transform_indices = @transform_0, window_bounds = array<i64: 2, 2048, 128>}, {transform_indices = @transform_1, window_bounds = array<i64: 2048, 128>}, {transform_indices = @transform_2, window_bounds = array<i64: 32, 2048>}, {pipeline_mode = #tpu.pipeline_mode<synchronous>, transform_indices = @transform_3, window_bounds = array<i64: 1, 128>}, {pipeline_mode = #tpu.pipeline_mode<synchronous>, transform_indices = @transform_4, window_bounds = array<i64: 1, 128>}, {pipeline_mode = #tpu.pipeline_mode<synchronous>, transform_indices = @transform_5, window_bounds = array<i64: 1, 128>}, {pipeline_mode = #tpu.pipeline_mode<synchronous>, transform_indices = @transform_6, window_bounds = array<i64: 128, 16>}, {transform_indices = @transform_7, window_bounds = array<i64: 2048, 16>}]} {
    %get3A = arith.constant 0 : index
    %get3A_0 = arith.constant 0 : index
    %get3A_1 = vector.load %arg3[%get3A, %get3A_0] : memref<32x2048xf32, #tpu.memory_space<vmem>>, vector<32x2048xf32>
    %reduce_sum3A = arith.constant dense<0.000000e+00> : vector<2048xf32>
    %reduce_sum3A_2 = vector.multi_reduction <add>, %get3A_1, %reduce_sum3A [0] : vector<32x2048xf32> to vector<2048xf32>
    %add3A = arith.constant 1.000000e+00 : f32
    %add3A_3 = vector.broadcast %add3A : f32 to vector<2048xf32>
    %add3A_4 = arith.addf %reduce_sum3A_2, %add3A_3 : vector<2048xf32>
    %rsqrt3A = math.rsqrt %add3A_4 : vector<2048xf32>
    %broadcast_in_dim3A = vector.shape_cast %rsqrt3A : vector<2048xf32> to vector<2048x1xf32>
    %get3A_5 = arith.constant 0 : index
    %get3A_6 = arith.constant 0 : index
    %get3A_7 = arith.constant 0 : index
    %get3A_8 = vector.load %arg1[%get3A_5, %get3A_6, %get3A_7] : memref<2x2048x128xf32, #tpu.memory_space<vmem>>, vector<1x2048x128xf32>
    %get3A_9 = vector.shape_cast %get3A_8 : vector<1x2048x128xf32> to vector<2048x128xf32>
    %get3A_10 = arith.constant 1 : index
    %get3A_11 = arith.constant 0 : index
    %get3A_12 = arith.constant 0 : index
    %get3A_13 = vector.load %arg1[%get3A_10, %get3A_11, %get3A_12] : memref<2x2048x128xf32, #tpu.memory_space<vmem>>, vector<1x2048x128xf32>
    %get3A_14 = vector.shape_cast %get3A_13 : vector<1x2048x128xf32> to vector<2048x128xf32>
    %add3A_15 = arith.addf %get3A_9, %get3A_14 : vector<2048x128xf32>
    %get3A_16 = arith.constant 0 : index
    %get3A_17 = arith.constant 0 : index
    %get3A_18 = vector.load %arg2[%get3A_16, %get3A_17] : memref<2048x128xf32, #tpu.memory_space<vmem>>, vector<2048x128xf32>
    %sub3A = arith.subf %add3A_15, %get3A_18 : vector<2048x128xf32>
    %mul3A = vector.broadcast %broadcast_in_dim3A : vector<2048x1xf32> to vector<2048x128xf32>
    %mul3A_19 = arith.mulf %mul3A, %sub3A : vector<2048x128xf32>
    %get3A_20 = arith.constant 0 : index
    %get3A_21 = arith.constant 0 : index
    %get3A_22 = vector.load %arg4[%get3A_20, %get3A_21] : memref<1x128xf32, #tpu.memory_space<vmem>>, vector<1x128xf32>
    %squeeze3A = vector.shape_cast %get3A_22 : vector<1x128xf32> to vector<128xf32>
    %broadcast_in_dim3A_23 = vector.shape_cast %squeeze3A : vector<128xf32> to vector<1x128xf32>
    %add3A_24 = vector.broadcast %broadcast_in_dim3A_23 : vector<1x128xf32> to vector<2048x128xf32>
    %add3A_25 = arith.addf %mul3A_19, %add3A_24 : vector<2048x128xf32>
    %get3A_26 = arith.constant 0 : index
    %get3A_27 = arith.constant 0 : index
    %get3A_28 = vector.load %arg5[%get3A_26, %get3A_27] : memref<1x128xf32, #tpu.memory_space<vmem>>, vector<1x128xf32>
    %squeeze3A_29 = vector.shape_cast %get3A_28 : vector<1x128xf32> to vector<128xf32>
    %broadcast_in_dim3A_30 = vector.shape_cast %squeeze3A_29 : vector<128xf32> to vector<1x128xf32>
    %mul3A_31 = vector.broadcast %broadcast_in_dim3A_30 : vector<1x128xf32> to vector<2048x128xf32>
    %mul3A_32 = arith.mulf %add3A_25, %mul3A_31 : vector<2048x128xf32>
    %get3A_33 = arith.constant 0 : index
    %get3A_34 = arith.constant 0 : index
    %get3A_35 = vector.load %arg6[%get3A_33, %get3A_34] : memref<1x128xf32, #tpu.memory_space<vmem>>, vector<1x128xf32>
    %squeeze3A_36 = vector.shape_cast %get3A_35 : vector<1x128xf32> to vector<128xf32>
    %broadcast_in_dim3A_37 = vector.shape_cast %squeeze3A_36 : vector<128xf32> to vector<1x128xf32>
    %add3A_38 = vector.broadcast %broadcast_in_dim3A_37 : vector<1x128xf32> to vector<2048x128xf32>
    %add3A_39 = arith.addf %mul3A_32, %add3A_38 : vector<2048x128xf32>
    %max3A = arith.constant 0.000000e+00 : f32
    %max3A_40 = vector.broadcast %max3A : f32 to vector<2048x128xf32>
    %max3A_41 = arith.maximumf %add3A_39, %max3A_40 : vector<2048x128xf32>
    %get3A_42 = arith.constant 0 : index
    %get3A_43 = arith.constant 0 : index
    %get3A_44 = vector.load %arg7[%get3A_42, %get3A_43] : memref<128x16xf32, #tpu.memory_space<vmem>>, vector<128x16xf32>
    %dot_general3A = arith.constant dense<0.000000e+00> : vector<2048x16xf32>
    %dot_general3A_45 = tpu.matmul %max3A_41, %get3A_44, %dot_general3A {dimension_numbers = #tpu.dot_dimension_numbers<[1], [0], [0], [1], [0, 0, 1, 1], [], []>, transpose_lhs_hint = false} : vector<2048x128xf32>, vector<128x16xf32>, vector<2048x16xf32> -> vector<2048x16xf32>
    %mul3A_46 = vector.broadcast %broadcast_in_dim3A : vector<2048x1xf32> to vector<2048x16xf32>
    %mul3A_47 = arith.mulf %dot_general3A_45, %mul3A_46 : vector<2048x16xf32>
    %swap3A = arith.constant 0 : index
    %swap3A_48 = arith.constant 0 : index
    %swap3A_49 = vector.load %arg8[%swap3A, %swap3A_48] : memref<2048x16xf32, #tpu.memory_space<vmem>>, vector<2048x16xf32>
    tpu.vector_store %arg8[%swap3A, %swap3A_48], %mul3A_47 {strides = array<i32>} : memref<2048x16xf32, #tpu.memory_space<vmem>>, vector<2048x16xf32>,
    return
  }
  func.func @transform_0(%arg0: i32) -> (i32, i32, i32) {
    %c0_i32 = arith.constant 0 : i32
    %c0_i32_0 = arith.constant 0 : i32
    %c0_i32_1 = arith.constant 0 : i32
    return %c0_i32, %arg0, %c0_i32_0 : i32, i32, i32
  }
  func.func @transform_1(%arg0: i32) -> (i32, i32) {
    %c0_i32 = arith.constant 0 : i32
    %c0_i32_0 = arith.constant 0 : i32
    return %arg0, %c0_i32 : i32, i32
  }
  func.func @transform_2(%arg0: i32) -> (i32, i32) {
    %c0_i32 = arith.constant 0 : i32
    %c0_i32_0 = arith.constant 0 : i32
    return %c0_i32, %arg0 : i32, i32
  }
  func.func @transform_3(%arg0: i32) -> (i32, i32) {
    %c0_i32 = arith.constant 0 : i32
    %c0_i32_0 = arith.constant 0 : i32
    %c0_i32_1 = arith.constant 0 : i32
    return %c0_i32, %c0_i32_0 : i32, i32
  }
  func.func @transform_4(%arg0: i32) -> (i32, i32) {
    %c0_i32 = arith.constant 0 : i32
    %c0_i32_0 = arith.constant 0 : i32
    %c0_i32_1 = arith.constant 0 : i32
    return %c0_i32, %c0_i32_0 : i32, i32
  }
  func.func @transform_5(%arg0: i32) -> (i32, i32) {
    %c0_i32 = arith.constant 0 : i32
    %c0_i32_0 = arith.constant 0 : i32
    %c0_i32_1 = arith.constant 0 : i32
    return %c0_i32, %c0_i32_0 : i32, i32
  }
  func.func @transform_6(%arg0: i32) -> (i32, i32) {
    %c0_i32 = arith.constant 0 : i32
    %c0_i32_0 = arith.constant 0 : i32
    %c0_i32_1 = arith.constant 0 : i32
    return %c0_i32, %c0_i32_0 : i32, i32
  }
  func.func @transform_7(%arg0: i32) -> (i32, i32) {
    %c0_i32 = arith.constant 0 : i32
    %c0_i32_0 = arith.constant 0 : i32
    return %arg0, %c0_i32 : i32, i32
  }
}

module attributes {stable_mosaic.version = 14 : i64} {
  func.func @_final_body(%arg0: i32, %arg1: memref<2x10000x16xf32, #tpu.memory_space<vmem>>, %arg2: memref<10000x16xf32, #tpu.memory_space<vmem>>, %arg3: memref<32x10240xf32, #tpu.memory_space<vmem>>, %arg4: memref<1x2xf32, #tpu.memory_space<vmem>>, %arg5: memref<10000x2xf32, #tpu.memory_space<vmem>>) attributes {dimension_semantics = [#tpu.dimension_semantics<arbitrary>], iteration_bounds = array<i64: 1>, scalar_prefetch = 0 : i64, scratch_operands = 0 : i64, tpu.core_type = #tpu.core_type<tc>, window_params = [{transform_indices = @transform_0, window_bounds = array<i64: 2, 10000, 16>}, {transform_indices = @transform_1, window_bounds = array<i64: 10000, 16>}, {pipeline_mode = #tpu.pipeline_mode<synchronous>, transform_indices = @transform_2, window_bounds = array<i64: 32, 10240>}, {pipeline_mode = #tpu.pipeline_mode<synchronous>, transform_indices = @transform_3, window_bounds = array<i64: 1, 2>}, {pipeline_mode = #tpu.pipeline_mode<synchronous>, transform_indices = @transform_4, window_bounds = array<i64: 10000, 2>}]} {
    %get3A = arith.constant 0 : index
    %get3A_0 = arith.constant 0 : index
    %get3A_1 = arith.constant 0 : index
    %get3A_2 = vector.load %arg1[%get3A, %get3A_0, %get3A_1] : memref<2x10000x16xf32, #tpu.memory_space<vmem>>, vector<1x10000x2xf32>
    %get3A_3 = vector.shape_cast %get3A_2 : vector<1x10000x2xf32> to vector<10000x2xf32>
    %get3A_4 = arith.constant 1 : index
    %get3A_5 = arith.constant 0 : index
    %get3A_6 = arith.constant 0 : index
    %get3A_7 = vector.load %arg1[%get3A_4, %get3A_5, %get3A_6] : memref<2x10000x16xf32, #tpu.memory_space<vmem>>, vector<1x10000x2xf32>
    %get3A_8 = vector.shape_cast %get3A_7 : vector<1x10000x2xf32> to vector<10000x2xf32>
    %add3A = arith.addf %get3A_3, %get3A_8 : vector<10000x2xf32>
    %get3A_9 = arith.constant 0 : index
    %get3A_10 = arith.constant 0 : index
    %get3A_11 = vector.load %arg2[%get3A_9, %get3A_10] : memref<10000x16xf32, #tpu.memory_space<vmem>>, vector<10000x2xf32>
    %sub3A = arith.subf %add3A, %get3A_11 : vector<10000x2xf32>
    %get3A_12 = arith.constant 0 : index
    %get3A_13 = arith.constant 0 : index
    %get3A_14 = vector.load %arg3[%get3A_12, %get3A_13] : memref<32x10240xf32, #tpu.memory_space<vmem>>, vector<32x10240xf32>
    %reduce_sum3A = arith.constant dense<0.000000e+00> : vector<10240xf32>
    %reduce_sum3A_15 = vector.multi_reduction <add>, %get3A_14, %reduce_sum3A [0] : vector<32x10240xf32> to vector<10240xf32>
    %add3A_16 = arith.constant 1.000000e+00 : f32
    %add3A_17 = vector.broadcast %add3A_16 : f32 to vector<10240xf32>
    %add3A_18 = arith.addf %reduce_sum3A_15, %add3A_17 : vector<10240xf32>
    %rsqrt3A = math.rsqrt %add3A_18 : vector<10240xf32>
    %broadcast_in_dim3A = vector.shape_cast %rsqrt3A : vector<10240xf32> to vector<10240x1xf32>
    %slice3A = vector.extract_strided_slice %broadcast_in_dim3A {offsets = [0, 0], sizes = [10000, 1], strides = [1, 1]} : vector<10240x1xf32> to vector<10000x1xf32>
    %mul3A = vector.broadcast %slice3A : vector<10000x1xf32> to vector<10000x2xf32>
    %mul3A_19 = arith.mulf %mul3A, %sub3A : vector<10000x2xf32>
    %get3A_20 = arith.constant 0 : index
    %get3A_21 = arith.constant 0 : index
    %get3A_22 = vector.load %arg4[%get3A_20, %get3A_21] : memref<1x2xf32, #tpu.memory_space<vmem>>, vector<1x2xf32>
    %squeeze3A = vector.shape_cast %get3A_22 : vector<1x2xf32> to vector<2xf32>
    %broadcast_in_dim3A_23 = vector.shape_cast %squeeze3A : vector<2xf32> to vector<1x2xf32>
    %add3A_24 = vector.broadcast %broadcast_in_dim3A_23 : vector<1x2xf32> to vector<10000x2xf32>
    %add3A_25 = arith.addf %mul3A_19, %add3A_24 : vector<10000x2xf32>
    %swap3A = arith.constant 0 : index
    %swap3A_26 = arith.constant 0 : index
    %swap3A_27 = vector.load %arg5[%swap3A, %swap3A_26] : memref<10000x2xf32, #tpu.memory_space<vmem>>, vector<10000x2xf32>
    tpu.vector_store %arg5[%swap3A, %swap3A_26], %add3A_25 {strides = array<i32>} : memref<10000x2xf32, #tpu.memory_space<vmem>>, vector<10000x2xf32>,
    return
  }
  func.func @transform_0(%arg0: i32) -> (i32, i32, i32) {
    %c0_i32 = arith.constant 0 : i32
    %c0_i32_0 = arith.constant 0 : i32
    %c0_i32_1 = arith.constant 0 : i32
    %c0_i32_2 = arith.constant 0 : i32
    return %c0_i32, %c0_i32_0, %c0_i32_1 : i32, i32, i32
  }
  func.func @transform_1(%arg0: i32) -> (i32, i32) {
    %c0_i32 = arith.constant 0 : i32
    %c0_i32_0 = arith.constant 0 : i32
    %c0_i32_1 = arith.constant 0 : i32
    return %c0_i32, %c0_i32_0 : i32, i32
  }
  func.func @transform_2(%arg0: i32) -> (i32, i32) {
    %c0_i32 = arith.constant 0 : i32
    %c0_i32_0 = arith.constant 0 : i32
    %c0_i32_1 = arith.constant 0 : i32
    return %c0_i32, %c0_i32_0 : i32, i32
  }
  func.func @transform_3(%arg0: i32) -> (i32, i32) {
    %c0_i32 = arith.constant 0 : i32
    %c0_i32_0 = arith.constant 0 : i32
    %c0_i32_1 = arith.constant 0 : i32
    return %c0_i32, %c0_i32_0 : i32, i32
  }
  func.func @transform_4(%arg0: i32) -> (i32, i32) {
    %c0_i32 = arith.constant 0 : i32
    %c0_i32_0 = arith.constant 0 : i32
    %c0_i32_1 = arith.constant 0 : i32
    return %c0_i32, %c0_i32_0 : i32, i32
  }
}

</mosaic_0001>

<sc_bundles>
// kernel: kernel.11.cloned.1.call-start
scs
__scs_entry_jumppad:
0x0: {  	(pc) =	sbr.rel $0x88, $3  }
0x1: {  	(tag) =	ssettag $0x0;
	lr =	simm.s32 $0x1  }
0x2: {  	[smem:$0x3F96] =	sst lr;
	_ =	strace $0xD0000000  }
0x3: {  	_ = 	snop  }
0x4: {  	_ = 	snop  }
0x5: {  	_ = 	snop  }
0x6: {  	_ = 	snop  }
0x7: {  	_ = 	snop  }
__scs_overlays_trampoline_lowered:
0x8: {  	[smem:$0x3FA5] =	sst s0  }
0x9: {  	[smem:$0x3FA6] =	sst s1  }
0xa: {  	[smem:$0x3FA7] =	sst s2  }
0xb: {  	[smem:$0x3FA8] =	sst s3  }
0xc: {  	[smem:$0x3FA9] =	sst s4  }
0xd: {  	[smem:$0x3FAA] =	sst s5  }
0xe: {  	[smem:$0x3FAB] =	sst s6  }
0xf: {  	[smem:$0x3FAC] =	sst s7  }
0x10: {  	[smem:$0x3FAD] =	sst s8  }
0x11: {  	[smem:$0x3FAE] =	sst s9;
	s0 =	simm.s32 @!p0 $0x0  }
0x12: {  	s1 =	sld [smem:$0x3F94];
	s0 =	simm.s32 @p0 $0x1  }
0x13: {  	[smem:$0x3FAF] =	sst s0;
	s0 =	simm.s32 @!p1 $0x0  }
0x14: {  	s2 =	sld [smem:$0x3F93];
	s0 =	simm.s32 @p1 $0x1  }
0x15: {  	[smem:$0x3FB0] =	sst s0;
	s0 =	simm.s32 @!p2 $0x0  }
0x16: {  	s3 =	sld [smem:$0x3FDB];
	s0 =	simm.s32 @p2 $0x1  }
0x17: {  	s4 =	simm.s32 $0x1BF5;
	[smem:$0x3FB2] =	sst s0  }
0x18: {  	s0 =	sld [smem:$0x3F95];
	_ =	swait.ge [sflag:s4], $0x0  }
0x19: {  	s7 =	sld [smem:$0x3F96]  }
0x1a: {  	s8 =	sadd.s32 $0xFFFFE003, lr  }
0x1b: {  	s9 =	sadd.s32 $0xFFFFFEF7, lr;
	s5 =	simm.s32 $0xFFFFFFFF;
	p2 =	slt.u32 s8, $0xFFFFF086  }
0x1c: {  	p1 =	slt.u32 s9, $0xF7A;
	s5 =	simm.s32 @!p2 $0x0  }
0x1d: {  	s5 =	simm.s32 @p1 $0x1;
	p0 =	seq.s32 s7, s2  }
0x1e: {  	s7 =	smul.u32 @!p0 $0xF7A, s2;
	p2 =	seq.s32 @!p0 s5, $0x0  }
0x1f: {  	s9 =	smul.u32 $0xF7A, s1;
	s8 =	simm.s32 @!p0 $0x1BF5;
	p2 =	por !p2, p0  }
0x20: {  	[sflag:s8] =	ssyncset.s32 @!p0 $0xFFFFF086;
	s6 =	sadd.s32 @!p0 s3, s7;
	s7 =	simm.s32 @!p0 $0x108  }
0x21: {  	s3 =	sadd.s32 s3, s9;
	s6 =	sadd.s32 @!p0 $0x88, s6;
	s7 =	simm.s32 @p2 $0x1082  }
0x22: {  	[simem:s7], [sflag:s8] =	dma.local @!p0 [hbm:s6], $0xF7A  }
0x23: {  	s9 =	sor.u32 $0xD0000000, s2;
	s6 =	simm.s32 $0x108;
	_ =	swait.ge @!p0 [sflag:s8], $0x0  }
0x24: {  	s3 =	sadd.s32 $0x88, s3;
	s6 =	simm.s32 @!p1 $0x1082;
	[sflag:s4] =	ssyncset.s32 $0xFFFFF086  }
0x25: {  	[simem:s6], [sflag:s4] =	dma.local [hbm:s3], $0xF7A  }
0x26: {  	[smem:$0x3F96] =	sst s1;
	(tag) =	ssettag s2;
	_ =	strace s9  }
0x27: {  	s1 =	sld [smem:$0x3FA6]  }
0x28: {  	s2 =	sld [smem:$0x3FA7]  }
0x29: {  	s4 =	sld [smem:$0x3FA9]  }
0x2a: {  	p0 =	seq.s32 s5, $0x0;
	s5 =	sld [smem:$0x3FAA]  }
0x2b: {  	s6 =	sld [smem:$0x3FAB]  }
0x2c: {  	s7 =	sld [smem:$0x3FAC]  }
0x2d: {  	s3 =	simm.s32 $0x108;
	s8 =	sld [smem:$0x3FAD]  }
0x2e: {  	s3 =	simm.s32 @!p0 $0x1082;
	s9 =	sld [smem:$0x3FAE]  }
0x2f: {  	lr =	sadd.s32 s0, s3;
	s0 =	sld [smem:$0x3FA5]  }
0x30: {  	s3 =	sld [smem:$0x3FA8]  }
0x31: {  	[smem:$0x3FB1] =	sst s10  }
0x32: {  	s10 =	sld [smem:$0x3FAF];
	_ =	sdelay $0x3  }
0x33: {  	p0 =	seq.s32 s10, $0x1;
	s10 =	sld [smem:$0x3FB1];
	_ =	sdelay $0x3  }
0x34: {  	[smem:$0x3FB1] =	sst s10  }
0x35: {  	s10 =	sld [smem:$0x3FB0];
	_ =	sdelay $0x3  }
0x36: {  	p1 =	seq.s32 s10, $0x1;
	s10 =	sld [smem:$0x3FB1];
	_ =	sdelay $0x3  }
0x37: {  	[smem:$0x3FB1] =	sst s10  }
0x38: {  	s10 =	sld [smem:$0x3FB2]  }
0x39: {  	_ = 	snop;
	(pc) =	sbr.ind lr, $3  }
0x3a: {  	_ = 	snop  }
0x3b: {  	_ = 	snop  }
0x3c: {  	p2 =	seq.s32 s10, $0x1;
	s10 =	sld [smem:$0x3FB1]  }
0x3d: {  	_ =	shalt  }
0x3e: {  	_ =	shalt  }
0x3f: {  	_ =	shalt  }
0x40: {  	_ =	shalt  }
0x41: {  	_ =	shalt  }
0x42: {  	_ =	shalt  }
0x43: {  	_ =	shalt  }
0x44: {  	_ =	shalt  }
0x45: {  	_ =	shalt  }
0x46: {  	_ =	shalt  }
0x47: {  	_ =	shalt  }
0x48: {  	_ =	shalt  }
0x49: {  	_ =	shalt  }
0x4a: {  	_ =	shalt  }
0x4b: {  	_ =	shalt  }
0x4c: {  	_ =	shalt  }
0x4d: {  	_ =	shalt  }
0x4e: {  	_ =	shalt  }
0x4f: {  	_ =	shalt  }
0x50: {  	_ =	shalt  }
0x51: {  	_ =	shalt  }
0x52: {  	_ =	shalt  }
0x53: {  	_ =	shalt  }
0x54: {  	_ =	shalt  }
0x55: {  	_ =	shalt  }
0x56: {  	_ =	shalt  }
0x57: {  	_ =	shalt  }
0x58: {  	_ =	shalt  }
0x59: {  	_ =	shalt  }
0x5a: {  	_ =	shalt  }
0x5b: {  	_ =	shalt  }
0x5c: {  	_ =	shalt  }
0x5d: {  	_ =	shalt  }
0x5e: {  	_ =	shalt  }
0x5f: {  	_ =	shalt  }
0x60: {  	_ =	shalt  }
0x61: {  	_ =	shalt  }
0x62: {  	_ =	shalt  }
0x63: {  	_ =	shalt  }
0x64: {  	_ =	shalt  }
0x65: {  	_ =	shalt  }
0x66: {  	_ =	shalt  }
0x67: {  	_ =	shalt  }
0x68: {  	_ =	shalt  }
0x69: {  	_ =	shalt  }
0x6a: {  	_ =	shalt  }
0x6b: {  	_ =	shalt  }
0x6c: {  	_ =	shalt  }
0x6d: {  	_ =	shalt  }
0x6e: {  	_ =	shalt  }
0x6f: {  	_ =	shalt  }
0x70: {  	_ =	shalt  }
0x71: {  	_ =	shalt  }
0x72: {  	_ =	shalt  }
0x73: {  	_ =	shalt  }
0x74: {  	_ =	shalt  }
0x75: {  	_ =	shalt  }
0x76: {  	_ =	shalt  }
0x77: {  	_ =	shalt  }
0x78: {  	_ =	shalt  }
0x79: {  	_ =	shalt  }
0x7a: {  	_ =	shalt  }
0x7b: {  	_ =	shalt  }
0x7c: {  	_ =	shalt  }
0x7d: {  	_ =	shalt  }
0x7e: {  	_ =	shalt  }
0x7f: {  	_ =	shalt  }
0x80: {  	_ =	shalt  }
0x81: {  	_ =	shalt  }
0x82: {  	_ =	shalt  }
0x83: {  	_ =	shalt  }
0x84: {  	_ =	shalt  }
0x85: {  	_ =	shalt  }
0x86: {  	_ =	shalt  }
0x87: {  	_ =	shalt  }
.Lfunc_end0:
.L_simem_size_0:
called_computation.1_lowered:
.L_overlay_start_0:
0x88: {  	s2 =	sld [smem:$0x3FD9]  }
0x89: {  	s3 =	sld [smem:$0x3FFE];
	_ =	sdelay $0x1  }
0x8a: {  	s1 =	srdreg.scid  }
0x8b: {  	s0 =	sand.u32 $0x1, s1  }
0x8c: {  	s16 =	sshll.u32 s0, $0xA;
	s2 =	sadd.s32 s3, s2  }
0x8d: {  	s2 =	sadd.s32 s2, s16  }
0x8e: {  	[smem:$0x3FBD] =	sst s2  }
0x8f: {  	_ = 	snop  }
0x90: {  	(tm) =	ssettm $0x1  }
0x91: {  	s17 =	sld [smem:$0x3FFB];
	_ =	sdelay $0x3  }
0x92: {  	_ =	strace s17  }
0x93: {  	s2 =	sld [smem:$0x3FFC];
	_ =	sdelay $0x3  }
0x94: {  	_ =	strace s2  }
0x95: {  	s2 =	sld [smem:$0x3FFD];
	_ =	sdelay $0x3  }
0x96: {  	_ =	strace s2  }
0x97: {  	_ =	strace $0x8FFFFFFF  }
0x98: {  	s18 =	sld [smem:$0x3FDB];
	_ =	sdelay $0x1  }
0x99: {  	s19 =	simm.s32 $_scs_section_size  }
0x9a: {  	s4 =	simm.s32 $_size__tile_overlayer_lowered;
	s5 =	simm.s32 $_tile_overlayer_lowered  }
0x9b: {  	s22 =	simm.s32 $0x1BFF;
	s21 =	sshll.u32 s5, $0x1;
	s2 =	sadd.s32 s19, s18  }
0x9c: {  	s6 =	simm.s32 $0x0;
	s20 =	sshll.u32 s4, $0x1;
	s4 =	sadd.s32 s21, s2  }
0x9d: {  	[timem:s6], [sflag:s22] =	dma.local [hbm:s4], s20  }
0x9e: {  	_ =	swait.ge [sflag:s22], s20  }
0x9f: {  	s3 =	ssub.s32 $0x0, s20;
	[sflag:s22] =	ssyncset.done $0x0  }
0xa0: {  	[sflag:s22] =	ssyncadd.s32 s3;
	_ =	sdelay $0x1  }
0xa1: {  	s23 =	simm.s32 $0x1B8B  }
0xa2: {  	_ =	swait.ge [sflag:s23], $0x1  }
0xa3: {  	[sflag:s23] =	ssyncset.done $0x0  }
0xa4: {  	s25 =	simm.s32 $0x1B8E;
	s24 =	sld [smem:$0x3FFE];
	[sflag:s23] =	ssyncadd.s32 $0xFFFFFFFF  }
0xa5: {  	s26 =	simm.s32 $execute0_lowered;
	[smem:$0x3FD2] =	sst s25  }
0xa6: {  	s4 =	sshll.u32 s26, $0x1;
	_ =	strace $0x80000049;
	[dreg:$0x1] =	wrdreg $0xFFFFFFFF  }
0xa7: {  	s28 =	simm.s32 $_size_execute0_lowered;
	s2 =	sadd.s32 s2, s4;
	[dreg:$0x0] =	wrdreg $0x0  }
0xa8: {  	s4 =	sshll.u32 s28, $0x1;
	[dreg:$0x2] =	wrdreg s2  }
0xa9: {  	[dreg:$0x3] =	wrdreg s4  }
0xaa: {  	[dreg:$0x4] =	wrdreg $0xC0  }
0xab: {  	_ =	task [dreg:s6], $0x5FFFF  }
0xac: {  	[dreg:$0x1] =	wrdreg $0xFFFFFFFF  }
0xad: {  	[dreg:$0x0] =	wrdreg $0x60  }
0xae: {  	[dreg:$0x2] =	wrdreg s24  }
0xaf: {  	[dreg:$0x3] =	wrdreg $0x90000  }
0xb0: {  	[dreg:$0x4] =	wrdreg $0x9  }
0xb1: {  	_ =	task.clear_ibuf [dreg:s6], $0x5FFFF;
	_ =	strace $0x90000049  }
0xb2: {  	s29 =	simm.s32 $0x9;
	_ =	strace $0x8000004B  }
0xb3: {  	_ =	swait.ge [sflag:s29], $0x1  }
0xb4: {  	[sflag:s29] =	ssyncadd.s32 $0xFFFFFFFF  }
0xb5: {  	_ =	strace $0x9000004B  }
0xb6: {  	_ =	sfence  }
0xb7: {  	s30 =	sld [smem:$0x0];
	_ =	sdelay $0x2  }
0xb8: {  	s31 =	sshll.u32 s1, $0xD;
	s1 =	sshrl.u32 s1, $0x2  }
0xb9: {  	s3 =	sand.u32 $0x4000, s31;
	s1 =	sadd.s32 s1, s30  }
0xba: {  	s0 =	sor.u32 s3, s0;
	s1 =	sshll.u32 s1, $0x11  }
0xbb: {  	s0 =	sor.u32 s1, s0  }
0xbc: {  	s0 =	sadd.s32 $0x8F2B, s0  }
0xbd: {  	[sflag:s0] =	ssyncadd.remote.s32 $0x1  }
0xbe: {  	_ =	sfence.sel $0xFFFF  }
0xbf: {  	[dreg:$0x0] =	wrdreg $0xFFFFFFFF;
	(pc) =	sbr.abs _section_cstart, $3  }
0xc0: {  	[dreg:$0x1] =	wrdreg $0xFFFFFFFF  }
0xc1: {  	_ =	task.clear_ibuf [dreg:s6], $0x2FFFF;
	_ =	strace $0x9FFFFFFF  }
0xc2: {  	(tm) =	ssettm $0x7FFFFFFF  }
0xc3: {  	_ =	shalt  }
tec
execute0_lowered:
.L_overlay_start_1:
0x0: {  	(tag) =	ssettag $0x1  }
0x1: {  	s0 =	srdreg.scid;
	s8 =	stileid.u32  }
0x2: {  	s9 =	sand.u32 $0x1, s0;
	s23 =	sshll.u32 s8, $0x1  }
0x3: {  	s1 =	rddreg [dreg:$0x0];
	s5 =	smul.u32 $0x14000, s8;
	s0 =	sor.u32 s9, s23  }
0x4: {  	s4 =	rddreg [dreg:$0x1];
	s2 =	simm.s32 $0x0;
	s0 =	smul.u32 $0x5000, s0  }
0x5: {  	[smem:$0x7FF] =	sst s2;
	s3 =	sadd.s32 $0x48800, s1;
	s7 =	sshrl.u32 s5, $0x3  }
0x6: {  	[dreg:$0x11] =	wrdreg s9;
	s25 =	sadd.s32 s3, s7;
	s0 =	sshrl.u32 s0, $0x3  }
0x7: {  	_ =	strace $0x8000004A;
	[dreg:$0x5] =	wrdreg s25;
	s0 =	sadd.s32 s0, s1  }
0x8: {  	s16 =	rddreg [dreg:$0x5];
	s6 =	sadd.s32 $0x20800, s0  }
0x9: {  	s24 =	sadd.s32 $0x34800, s0;
	[dreg:$0x3] =	wrdreg s6  }
0xa: {  	s26 =	sadd.s32 $0x20A00, s0;
	[dreg:$0x4] =	wrdreg s24  }
0xb: {  	s28 =	sadd.s32 $0x34A00, s0;
	[dreg:$0x6] =	wrdreg s26  }
0xc: {  	s29 =	sadd.s32 $0x20C00, s0;
	[dreg:$0x7] =	wrdreg s28  }
0xd: {  	s30 =	smul.u32 $0x140000, s9;
	s31 =	sadd.s32 $0x34C00, s0;
	[dreg:$0x8] =	wrdreg s29  }
0xe: {  	s13 =	smul.u32 $0x50000, s8;
	s9 =	sadd.s32 $0x20E00, s0;
	[dreg:$0x9] =	wrdreg s31  }
0xf: {  	s5 =	sadd.s32 s5, s30;
	s10 =	sadd.s32 $0x34E00, s0;
	[dreg:$0xa] =	wrdreg s9  }
0x10: {  	s5 =	sshrl.u32 s5, $0x3;
	s11 =	sadd.s32 $0x21000, s0;
	[dreg:$0xb] =	wrdreg s10  }
0x11: {  	s1 =	sadd.s32 s5, s1;
	s0 =	sadd.s32 $0x35000, s0;
	[dreg:$0xc] =	wrdreg s11  }
0x12: {  	s18 =	simm.s32 $0x2000;
	s12 =	sadd.s32 $0x70800, s1;
	[dreg:$0xd] =	wrdreg s0  }
0x13: {  	s19 =	simm.s32 $0x4;
	s1 =	sshrl.u32 s13, $0x2;
	[dreg:$0xe] =	wrdreg s12  }
0x14: {  	s15 =	sshll.u32 s8, $0x6;
	s1 =	sadd.s32 s1, s4;
	s14 =	rddreg [dreg:$0x3]  }
0x15: {  	[tilespmem:s2], [sflag:$0x3] =	stream.linear.gather [hbm4b:s14+s2], $0xC80, $0x38;
	[tilespmem:$0x1D000] =	vst v63  }
0x16: {  	s7 =	sor.u32 $0x1C04, s15;
	s17 =	rddreg [dreg:$0x4];
	s11 =	sshrl.u32 s1, $0x3  }
0x17: {  	[tilespmem:s18], [sflag:$0x3] =	stream.linear.gather [hbm4b:s17+s2], $0xC80, $0x38;
	[tilespmem:$0x1D000] =	vst v63  }
0x18: {  	[spmem:s11], [sflag:s7] =	dma.local [hbm:s16], $0x2800  }
0x19: {  	_ =	swait.ge [sflag:s19], $0x2800  }
0x1a: {  	[sflag:s19] =	ssyncset.done $0x0  }
0x1b: {  	[sflag:s19] =	ssyncadd.s32 $0xFFFFD800  }
0x1c: {  	s8 =	simm.s32 $0x3;
	[bflag:$0x0] =	sbarrier.arrive $0xFFFF  }
0x1d: {  	_ =	swait.ge [sflag:s8], $0xC80  }
0x1e: {  	[sflag:s8] =	ssyncset.done $0x0  }
0x1f: {  	[sflag:s8] =	ssyncadd.s32 $0xFFFFF380  }
0x20: {  	_ =	swait.ge [sflag:s8], $0xC80  }
0x21: {  	[sflag:s8] =	ssyncset.done $0x0  }
0x22: {  	s9 =	simm.s32 $0x50;
	s10 =	simm.s32 $0x4000;
	[sflag:s8] =	ssyncadd.s32 $0xFFFFF380  }
0x23: {  	[tilespmem:s10], [sflag:$0x1] =	stream.indirect.gather [hbm4b:s3+s9], $0x80, s2, s9, $0xb8;
	[tilespmem:$0x1D000] =	vst v63  }
0x24: {  	s21 =	simm.s32 $0x1000;
	s20 =	rddreg [dreg:$0x6]  }
0x25: {  	[tilespmem:s21], [sflag:$0x3] =	stream.linear.gather [hbm4b:s20+s2], $0xC80, $0x38;
	[tilespmem:$0x1D000] =	vst v63  }
0x26: {  	s5 =	simm.s32 $0x3000;
	s22 =	rddreg [dreg:$0x7]  }
0x27: {  	[tilespmem:s5], [sflag:$0x3] =	stream.linear.gather [hbm4b:s22+s2], $0xC80, $0x38;
	[tilespmem:$0x1D000] =	vst v63  }
0x28: {  	s23 =	simm.s32 $0x80;
	s15 =	simm.s32 $0x1;
	s14 =	simm.s32 $0x6800  }
0x29: {  	[tilespmem:s14], [sflag:$0x2] =	stream.indirect.gather [hbm4b:s3+s9], $0x80, s23, s9, $0xb8;
	[tilespmem:$0x1D000] =	vst v63  }
0x2a: {  	_ =	swait.ge [sflag:s15], $0x2800  }
0x2b: {  	[sflag:s15] =	ssyncset.done $0x0  }
0x2c: {  	s24 =	simm.s32 $0x100;
	s17 =	simm.s32 $0x2;
	[sflag:s15] =	ssyncadd.s32 $0xFFFFD800  }
0x2d: {  	[tilespmem:s10], [sflag:$0x1] =	stream.indirect.gather [hbm4b:s3+s9], $0x80, s24, s9, $0xb8;
	[tilespmem:$0x1D000] =	vst v63  }
0x2e: {  	_ =	swait.ge [sflag:s17], $0x2800  }
0x2f: {  	[sflag:s17] =	ssyncset.done $0x0  }
0x30: {  	s25 =	simm.s32 $0x180;
	[sflag:s17] =	ssyncadd.s32 $0xFFFFD800  }
0x31: {  	[tilespmem:s14], [sflag:$0x2] =	stream.indirect.gather [hbm4b:s3+s9], $0x80, s25, s9, $0xb8;
	[tilespmem:$0x1D000] =	vst v63  }
0x32: {  	_ =	swait.ge [sflag:s15], $0x2800  }
0x33: {  	[sflag:s15] =	ssyncset.done $0x0  }
0x34: {  	s26 =	simm.s32 $0x200;
	[sflag:s15] =	ssyncadd.s32 $0xFFFFD800  }
0x35: {  	[tilespmem:s10], [sflag:$0x1] =	stream.indirect.gather [hbm4b:s3+s9], $0x80, s26, s9, $0xb8;
	[tilespmem:$0x1D000] =	vst v63  }
0x36: {  	_ =	swait.ge [sflag:s17], $0x2800  }
0x37: {  	[sflag:s17] =	ssyncset.done $0x0  }
0x38: {  	s28 =	simm.s32 $0x280;
	[sflag:s17] =	ssyncadd.s32 $0xFFFFD800  }
0x39: {  	[tilespmem:s14], [sflag:$0x2] =	stream.indirect.gather [hbm4b:s3+s9], $0x80, s28, s9, $0xb8;
	[tilespmem:$0x1D000] =	vst v63  }
0x3a: {  	_ =	swait.ge [sflag:s15], $0x2800  }
0x3b: {  	[sflag:s15] =	ssyncset.done $0x0  }
0x3c: {  	s29 =	simm.s32 $0x300;
	[sflag:s15] =	ssyncadd.s32 $0xFFFFD800  }
0x3d: {  	[tilespmem:s10], [sflag:$0x1] =	stream.indirect.gather [hbm4b:s3+s9], $0x80, s29, s9, $0xb8;
	[tilespmem:$0x1D000] =	vst v63  }
0x3e: {  	_ =	swait.ge [sflag:s17], $0x2800  }
0x3f: {  	[sflag:s17] =	ssyncset.done $0x0  }
0x40: {  	s30 =	simm.s32 $0x380;
	[sflag:s17] =	ssyncadd.s32 $0xFFFFD800  }
0x41: {  	[tilespmem:s14], [sflag:$0x2] =	stream.indirect.gather [hbm4b:s3+s9], $0x80, s30, s9, $0xb8;
	[tilespmem:$0x1D000] =	vst v63  }
0x42: {  	_ =	swait.ge [sflag:s15], $0x2800  }
0x43: {  	[sflag:s15] =	ssyncset.done $0x0  }
0x44: {  	s31 =	simm.s32 $0x400;
	[sflag:s15] =	ssyncadd.s32 $0xFFFFD800  }
0x45: {  	[tilespmem:s10], [sflag:$0x1] =	stream.indirect.gather [hbm4b:s3+s9], $0x80, s31, s9, $0xb8;
	[tilespmem:$0x1D000] =	vst v63  }
0x46: {  	_ =	swait.ge [sflag:s17], $0x2800  }
0x47: {  	[sflag:s17] =	ssyncset.done $0x0  }
0x48: {  	s1 =	simm.s32 $0x480;
	[sflag:s17] =	ssyncadd.s32 $0xFFFFD800  }
0x49: {  	[tilespmem:s14], [sflag:$0x2] =	stream.indirect.gather [hbm4b:s3+s9], $0x80, s1, s9, $0xb8;
	[tilespmem:$0x1D000] =	vst v63  }
0x4a: {  	_ =	swait.ge [sflag:s15], $0x2800  }
0x4b: {  	[sflag:s15] =	ssyncset.done $0x0  }
0x4c: {  	s6 =	simm.s32 $0x500;
	[sflag:s15] =	ssyncadd.s32 $0xFFFFD800  }
0x4d: {  	[tilespmem:s10], [sflag:$0x1] =	stream.indirect.gather [hbm4b:s3+s9], $0x80, s6, s9, $0xb8;
	[tilespmem:$0x1D000] =	vst v63  }
0x4e: {  	_ =	swait.ge [sflag:s17], $0x2800  }
0x4f: {  	[sflag:s17] =	ssyncset.done $0x0  }
0x50: {  	s12 =	simm.s32 $0x580;
	[sflag:s17] =	ssyncadd.s32 $0xFFFFD800  }
0x51: {  	[tilespmem:s14], [sflag:$0x2] =	stream.indirect.gather [hbm4b:s3+s9], $0x80, s12, s9, $0xb8;
	[tilespmem:$0x1D000] =	vst v63  }
0x52: {  	_ =	swait.ge [sflag:s15], $0x2800  }
0x53: {  	[sflag:s15] =	ssyncset.done $0x0  }
0x54: {  	s13 =	simm.s32 $0x600;
	[sflag:s15] =	ssyncadd.s32 $0xFFFFD800  }
0x55: {  	[tilespmem:s10], [sflag:$0x1] =	stream.indirect.gather [hbm4b:s3+s9], $0x80, s13, s9, $0xb8;
	[tilespmem:$0x1D000] =	vst v63  }
0x56: {  	_ =	swait.ge [sflag:s17], $0x2800  }
0x57: {  	[sflag:s17] =	ssyncset.done $0x0  }
0x58: {  	s16 =	simm.s32 $0x680;
	[sflag:s17] =	ssyncadd.s32 $0xFFFFD800  }
0x59: {  	[tilespmem:s14], [sflag:$0x2] =	stream.indirect.gather [hbm4b:s3+s9], $0x80, s16, s9, $0xb8;
	[tilespmem:$0x1D000] =	vst v63  }
0x5a: {  	_ =	swait.ge [sflag:s15], $0x2800  }
0x5b: {  	[sflag:s15] =	ssyncset.done $0x0  }
0x5c: {  	s18 =	simm.s32 $0x700;
	[sflag:s15] =	ssyncadd.s32 $0xFFFFD800  }
0x5d: {  	[tilespmem:s10], [sflag:$0x1] =	stream.indirect.gather [hbm4b:s3+s9], $0x80, s18, s9, $0xb8;
	[tilespmem:$0x1D000] =	vst v63  }
0x5e: {  	_ =	swait.ge [sflag:s17], $0x2800  }
0x5f: {  	[sflag:s17] =	ssyncset.done $0x0  }
0x60: {  	s19 =	simm.s32 $0x780;
	[sflag:s17] =	ssyncadd.s32 $0xFFFFD800  }
0x61: {  	[tilespmem:s14], [sflag:$0x2] =	stream.indirect.gather [hbm4b:s3+s9], $0x80, s19, s9, $0xb8;
	[tilespmem:$0x1D000] =	vst v63  }
0x62: {  	_ =	swait.ge [sflag:s15], $0x2800  }
0x63: {  	[sflag:s15] =	ssyncset.done $0x0  }
0x64: {  	s20 =	simm.s32 $0x800;
	[sflag:s15] =	ssyncadd.s32 $0xFFFFD800  }
0x65: {  	[tilespmem:s10], [sflag:$0x1] =	stream.indirect.gather [hbm4b:s3+s9], $0x80, s20, s9, $0xb8;
	[tilespmem:$0x1D000] =	vst v63  }
0x66: {  	_ =	swait.ge [sflag:s17], $0x2800  }
0x67: {  	[sflag:s17] =	ssyncset.done $0x0  }
0x68: {  	s21 =	simm.s32 $0x880;
	[sflag:s17] =	ssyncadd.s32 $0xFFFFD800  }
0x69: {  	[tilespmem:s14], [sflag:$0x2] =	stream.indirect.gather [hbm4b:s3+s9], $0x80, s21, s9, $0xb8;
	[tilespmem:$0x1D000] =	vst v63  }
0x6a: {  	_ =	swait.ge [sflag:s15], $0x2800  }
0x6b: {  	[sflag:s15] =	ssyncset.done $0x0  }
0x6c: {  	s22 =	simm.s32 $0x900;
	[sflag:s15] =	ssyncadd.s32 $0xFFFFD800  }
0x6d: {  	[tilespmem:s10], [sflag:$0x1] =	stream.indirect.gather [hbm4b:s3+s9], $0x80, s22, s9, $0xb8;
	[tilespmem:$0x1D000] =	vst v63  }
0x6e: {  	_ =	swait.ge [sflag:s17], $0x2800  }
0x6f: {  	[sflag:s17] =	ssyncset.done $0x0  }
0x70: {  	s23 =	simm.s32 $0x980;
	[sflag:s17] =	ssyncadd.s32 $0xFFFFD800  }
0x71: {  	[tilespmem:s14], [sflag:$0x2] =	stream.indirect.gather [hbm4b:s3+s9], $0x80, s23, s9, $0xb8;
	[tilespmem:$0x1D000] =	vst v63  }
0x72: {  	_ =	swait.ge [sflag:s15], $0x2800  }
0x73: {  	[sflag:s15] =	ssyncset.done $0x0  }
0x74: {  	s24 =	simm.s32 $0xA00;
	[sflag:s15] =	ssyncadd.s32 $0xFFFFD800  }
0x75: {  	[tilespmem:s10], [sflag:$0x1] =	stream.indirect.gather [hbm4b:s3+s9], $0x80, s24, s9, $0xb8;
	[tilespmem:$0x1D000] =	vst v63  }
0x76: {  	_ =	swait.ge [sflag:s17], $0x2800  }
0x77: {  	[sflag:s17] =	ssyncset.done $0x0  }
0x78: {  	s25 =	simm.s32 $0xA80;
	[sflag:s17] =	ssyncadd.s32 $0xFFFFD800  }
0x79: {  	[tilespmem:s14], [sflag:$0x2] =	stream.indirect.gather [hbm4b:s3+s9], $0x80, s25, s9, $0xb8;
	[tilespmem:$0x1D000] =	vst v63  }
0x7a: {  	_ =	swait.ge [sflag:s15], $0x2800  }
0x7b: {  	[sflag:s15] =	ssyncset.done $0x0  }
0x7c: {  	s26 =	simm.s32 $0xB00;
	[sflag:s15] =	ssyncadd.s32 $0xFFFFD800  }
0x7d: {  	[tilespmem:s10], [sflag:$0x1] =	stream.indirect.gather [hbm4b:s3+s9], $0x80, s26, s9, $0xb8;
	[tilespmem:$0x1D000] =	vst v63  }
0x7e: {  	_ =	swait.ge [sflag:s17], $0x2800  }
0x7f: {  	[sflag:s17] =	ssyncset.done $0x0  }
0x80: {  	s28 =	simm.s32 $0xB80;
	[sflag:s17] =	ssyncadd.s32 $0xFFFFD800  }
0x81: {  	[tilespmem:s14], [sflag:$0x2] =	stream.indirect.gather [hbm4b:s3+s9], $0x80, s28, s9, $0xb8;
	[tilespmem:$0x1D000] =	vst v63  }
0x82: {  	_ =	swait.ge [sflag:s15], $0x2800  }
0x83: {  	[sflag:s15] =	ssyncset.done $0x0  }
0x84: {  	s29 =	simm.s32 $0xC00;
	[sflag:s15] =	ssyncadd.s32 $0xFFFFD800  }
0x85: {  	[tilespmem:s10], [sflag:$0x1] =	stream.indirect.gather [hbm4b:s3+s9], $0x80, s29, s9, $0xb8;
	[tilespmem:$0x1D000] =	vst v63  }
0x86: {  	_ =	swait.ge [sflag:s17], $0x2800  }
0x87: {  	[sflag:s17] =	ssyncset.done $0x0  }
0x88: {  	[sflag:s17] =	ssyncadd.s32 $0xFFFFD800  }
0x89: {  	_ =	swait.ge [sflag:s15], $0x2800  }
0x8a: {  	[sflag:s15] =	ssyncset.done $0x0  }
0x8b: {  	[sflag:s15] =	ssyncadd.s32 $0xFFFFD800  }
0x8c: {  	_ =	swait.ge [sflag:s8], $0xC80  }
0x8d: {  	[sflag:s8] =	ssyncset.done $0x0  }
0x8e: {  	[sflag:s8] =	ssyncadd.s32 $0xFFFFF380  }
0x8f: {  	_ =	swait.ge [sflag:s8], $0xC80  }
0x90: {  	[sflag:s8] =	ssyncset.done $0x0  }
0x91: {  	s0 =	simm.s32 $0x1000;
	[sflag:s8] =	ssyncadd.s32 $0xFFFFF380  }
0x92: {  	[tilespmem:s10], [sflag:$0x1] =	stream.indirect.gather [hbm4b:s3+s9], $0x80, s0, s9, $0xb8;
	[tilespmem:$0x1D000] =	vst v63  }
0x93: {  	s30 =	rddreg [dreg:$0x8]  }
0x94: {  	[tilespmem:s2], [sflag:$0x3] =	stream.linear.gather [hbm4b:s30+s2], $0xC80, $0x38;
	[tilespmem:$0x1D000] =	vst v63  }
0x95: {  	s4 =	simm.s32 $0x2000;
	s21 =	rddreg [dreg:$0x9]  }
0x96: {  	[tilespmem:s4], [sflag:$0x3] =	stream.linear.gather [hbm4b:s21+s2], $0xC80, $0x38;
	[tilespmem:$0x1D000] =	vst v63  }
0x97: {  	s31 =	simm.s32 $0x1080  }
0x98: {  	[tilespmem:s14], [sflag:$0x2] =	stream.indirect.gather [hbm4b:s3+s9], $0x80, s31, s9, $0xb8;
	[tilespmem:$0x1D000] =	vst v63  }
0x99: {  	_ =	swait.ge [sflag:s15], $0x2800  }
0x9a: {  	[sflag:s15] =	ssyncset.done $0x0  }
0x9b: {  	s4 =	simm.s32 $0x1100;
	[sflag:s15] =	ssyncadd.s32 $0xFFFFD800  }
0x9c: {  	[tilespmem:s10], [sflag:$0x1] =	stream.indirect.gather [hbm4b:s3+s9], $0x80, s4, s9, $0xb8;
	[tilespmem:$0x1D000] =	vst v63  }
0x9d: {  	_ =	swait.ge [sflag:s17], $0x2800  }
0x9e: {  	[sflag:s17] =	ssyncset.done $0x0  }
0x9f: {  	s6 =	simm.s32 $0x1180;
	[sflag:s17] =	ssyncadd.s32 $0xFFFFD800  }
0xa0: {  	[tilespmem:s14], [sflag:$0x2] =	stream.indirect.gather [hbm4b:s3+s9], $0x80, s6, s9, $0xb8;
	[tilespmem:$0x1D000] =	vst v63  }
0xa1: {  	_ =	swait.ge [sflag:s15], $0x2800  }
0xa2: {  	[sflag:s15] =	ssyncset.done $0x0  }
0xa3: {  	s12 =	simm.s32 $0x1200;
	[sflag:s15] =	ssyncadd.s32 $0xFFFFD800  }
0xa4: {  	[tilespmem:s10], [sflag:$0x1] =	stream.indirect.gather [hbm4b:s3+s9], $0x80, s12, s9, $0xb8;
	[tilespmem:$0x1D000] =	vst v63  }
0xa5: {  	_ =	swait.ge [sflag:s17], $0x2800  }
0xa6: {  	[sflag:s17] =	ssyncset.done $0x0  }
0xa7: {  	s13 =	simm.s32 $0x1280;
	[sflag:s17] =	ssyncadd.s32 $0xFFFFD800  }
0xa8: {  	[tilespmem:s14], [sflag:$0x2] =	stream.indirect.gather [hbm4b:s3+s9], $0x80, s13, s9, $0xb8;
	[tilespmem:$0x1D000] =	vst v63  }
0xa9: {  	_ =	swait.ge [sflag:s15], $0x2800  }
0xaa: {  	[sflag:s15] =	ssyncset.done $0x0  }
0xab: {  	s16 =	simm.s32 $0x1300;
	[sflag:s15] =	ssyncadd.s32 $0xFFFFD800  }
0xac: {  	[tilespmem:s10], [sflag:$0x1] =	stream.indirect.gather [hbm4b:s3+s9], $0x80, s16, s9, $0xb8;
	[tilespmem:$0x1D000] =	vst v63  }
0xad: {  	_ =	swait.ge [sflag:s17], $0x2800  }
0xae: {  	[sflag:s17] =	ssyncset.done $0x0  }
0xaf: {  	s18 =	simm.s32 $0x1380;
	[sflag:s17] =	ssyncadd.s32 $0xFFFFD800  }
0xb0: {  	[tilespmem:s14], [sflag:$0x2] =	stream.indirect.gather [hbm4b:s3+s9], $0x80, s18, s9, $0xb8;
	[tilespmem:$0x1D000] =	vst v63  }
0xb1: {  	_ =	swait.ge [sflag:s15], $0x2800  }
0xb2: {  	[sflag:s15] =	ssyncset.done $0x0  }
0xb3: {  	s19 =	simm.s32 $0x1400;
	[sflag:s15] =	ssyncadd.s32 $0xFFFFD800  }
0xb4: {  	[tilespmem:s10], [sflag:$0x1] =	stream.indirect.gather [hbm4b:s3+s9], $0x80, s19, s9, $0xb8;
	[tilespmem:$0x1D000] =	vst v63  }
0xb5: {  	_ =	swait.ge [sflag:s17], $0x2800  }
0xb6: {  	[sflag:s17] =	ssyncset.done $0x0  }
0xb7: {  	s20 =	simm.s32 $0x1480;
	[sflag:s17] =	ssyncadd.s32 $0xFFFFD800  }
0xb8: {  	[tilespmem:s14], [sflag:$0x2] =	stream.indirect.gather [hbm4b:s3+s9], $0x80, s20, s9, $0xb8;
	[tilespmem:$0x1D000] =	vst v63  }
0xb9: {  	_ =	swait.ge [sflag:s15], $0x2800  }
0xba: {  	[sflag:s15] =	ssyncset.done $0x0  }
0xbb: {  	s21 =	simm.s32 $0x1500;
	[sflag:s15] =	ssyncadd.s32 $0xFFFFD800  }
0xbc: {  	[tilespmem:s10], [sflag:$0x1] =	stream.indirect.gather [hbm4b:s3+s9], $0x80, s21, s9, $0xb8;
	[tilespmem:$0x1D000] =	vst v63  }
0xbd: {  	_ =	swait.ge [sflag:s17], $0x2800  }
0xbe: {  	[sflag:s17] =	ssyncset.done $0x0  }
0xbf: {  	s22 =	simm.s32 $0x1580;
	[sflag:s17] =	ssyncadd.s32 $0xFFFFD800  }
0xc0: {  	[tilespmem:s14], [sflag:$0x2] =	stream.indirect.gather [hbm4b:s3+s9], $0x80, s22, s9, $0xb8;
	[tilespmem:$0x1D000] =	vst v63  }
0xc1: {  	_ =	swait.ge [sflag:s15], $0x2800  }
0xc2: {  	[sflag:s15] =	ssyncset.done $0x0  }
0xc3: {  	s23 =	simm.s32 $0x1600;
	[sflag:s15] =	ssyncadd.s32 $0xFFFFD800  }
0xc4: {  	[tilespmem:s10], [sflag:$0x1] =	stream.indirect.gather [hbm4b:s3+s9], $0x80, s23, s9, $0xb8;
	[tilespmem:$0x1D000] =	vst v63  }
0xc5: {  	_ =	swait.ge [sflag:s17], $0x2800  }
0xc6: {  	[sflag:s17] =	ssyncset.done $0x0  }
0xc7: {  	s24 =	simm.s32 $0x1680;
	[sflag:s17] =	ssyncadd.s32 $0xFFFFD800  }
0xc8: {  	[tilespmem:s14], [sflag:$0x2] =	stream.indirect.gather [hbm4b:s3+s9], $0x80, s24, s9, $0xb8;
	[tilespmem:$0x1D000] =	vst v63  }
0xc9: {  	_ =	swait.ge [sflag:s15], $0x2800  }
0xca: {  	[sflag:s15] =	ssyncset.done $0x0  }
0xcb: {  	s25 =	simm.s32 $0x1700;
	[sflag:s15] =	ssyncadd.s32 $0xFFFFD800  }
0xcc: {  	[tilespmem:s10], [sflag:$0x1] =	stream.indirect.gather [hbm4b:s3+s9], $0x80, s25, s9, $0xb8;
	[tilespmem:$0x1D000] =	vst v63  }
0xcd: {  	_ =	swait.ge [sflag:s17], $0x2800  }
0xce: {  	[sflag:s17] =	ssyncset.done $0x0  }
0xcf: {  	s26 =	simm.s32 $0x1780;
	[sflag:s17] =	ssyncadd.s32 $0xFFFFD800  }
0xd0: {  	[tilespmem:s14], [sflag:$0x2] =	stream.indirect.gather [hbm4b:s3+s9], $0x80, s26, s9, $0xb8;
	[tilespmem:$0x1D000] =	vst v63  }
0xd1: {  	_ =	swait.ge [sflag:s15], $0x2800  }
0xd2: {  	[sflag:s15] =	ssyncset.done $0x0  }
0xd3: {  	s28 =	simm.s32 $0x1800;
	[sflag:s15] =	ssyncadd.s32 $0xFFFFD800  }
0xd4: {  	[tilespmem:s10], [sflag:$0x1] =	stream.indirect.gather [hbm4b:s3+s9], $0x80, s28, s9, $0xb8;
	[tilespmem:$0x1D000] =	vst v63  }
0xd5: {  	_ =	swait.ge [sflag:s17], $0x2800  }
0xd6: {  	[sflag:s17] =	ssyncset.done $0x0  }
0xd7: {  	s29 =	simm.s32 $0x1880;
	[sflag:s17] =	ssyncadd.s32 $0xFFFFD800  }
0xd8: {  	[tilespmem:s14], [sflag:$0x2] =	stream.indirect.gather [hbm4b:s3+s9], $0x80, s29, s9, $0xb8;
	[tilespmem:$0x1D000] =	vst v63  }
0xd9: {  	_ =	swait.ge [sflag:s15], $0x2800  }
0xda: {  	[sflag:s15] =	ssyncset.done $0x0  }
0xdb: {  	s30 =	simm.s32 $0x1900;
	[sflag:s15] =	ssyncadd.s32 $0xFFFFD800  }
0xdc: {  	[tilespmem:s10], [sflag:$0x1] =	stream.indirect.gather [hbm4b:s3+s9], $0x80, s30, s9, $0xb8;
	[tilespmem:$0x1D000] =	vst v63  }
0xdd: {  	_ =	swait.ge [sflag:s17], $0x2800  }
0xde: {  	[sflag:s17] =	ssyncset.done $0x0  }
0xdf: {  	s31 =	simm.s32 $0x1980;
	[sflag:s17] =	ssyncadd.s32 $0xFFFFD800  }
0xe0: {  	[tilespmem:s14], [sflag:$0x2] =	stream.indirect.gather [hbm4b:s3+s9], $0x80, s31, s9, $0xb8;
	[tilespmem:$0x1D000] =	vst v63  }
0xe1: {  	_ =	swait.ge [sflag:s15], $0x2800  }
0xe2: {  	[sflag:s15] =	ssyncset.done $0x0  }
0xe3: {  	s4 =	simm.s32 $0x1A00;
	[sflag:s15] =	ssyncadd.s32 $0xFFFFD800  }
0xe4: {  	[tilespmem:s10], [sflag:$0x1] =	stream.indirect.gather [hbm4b:s3+s9], $0x80, s4, s9, $0xb8;
	[tilespmem:$0x1D000] =	vst v63  }
0xe5: {  	_ =	swait.ge [sflag:s17], $0x2800  }
0xe6: {  	[sflag:s17] =	ssyncset.done $0x0  }
0xe7: {  	s6 =	simm.s32 $0x1A80;
	[sflag:s17] =	ssyncadd.s32 $0xFFFFD800  }
0xe8: {  	[tilespmem:s14], [sflag:$0x2] =	stream.indirect.gather [hbm4b:s3+s9], $0x80, s6, s9, $0xb8;
	[tilespmem:$0x1D000] =	vst v63  }
0xe9: {  	_ =	swait.ge [sflag:s15], $0x2800  }
0xea: {  	[sflag:s15] =	ssyncset.done $0x0  }
0xeb: {  	s12 =	simm.s32 $0x1B00;
	[sflag:s15] =	ssyncadd.s32 $0xFFFFD800  }
0xec: {  	[tilespmem:s10], [sflag:$0x1] =	stream.indirect.gather [hbm4b:s3+s9], $0x80, s12, s9, $0xb8;
	[tilespmem:$0x1D000] =	vst v63  }
0xed: {  	_ =	swait.ge [sflag:s17], $0x2800  }
0xee: {  	[sflag:s17] =	ssyncset.done $0x0  }
0xef: {  	s13 =	simm.s32 $0x1B80;
	[sflag:s17] =	ssyncadd.s32 $0xFFFFD800  }
0xf0: {  	[tilespmem:s14], [sflag:$0x2] =	stream.indirect.gather [hbm4b:s3+s9], $0x80, s13, s9, $0xb8;
	[tilespmem:$0x1D000] =	vst v63  }
0xf1: {  	_ =	swait.ge [sflag:s15], $0x2800  }
0xf2: {  	[sflag:s15] =	ssyncset.done $0x0  }
0xf3: {  	s16 =	simm.s32 $0x1C00;
	[sflag:s15] =	ssyncadd.s32 $0xFFFFD800  }
0xf4: {  	[tilespmem:s10], [sflag:$0x1] =	stream.indirect.gather [hbm4b:s3+s9], $0x80, s16, s9, $0xb8;
	[tilespmem:$0x1D000] =	vst v63  }
0xf5: {  	_ =	swait.ge [sflag:s17], $0x2800  }
0xf6: {  	[sflag:s17] =	ssyncset.done $0x0  }
0xf7: {  	[sflag:s17] =	ssyncadd.s32 $0xFFFFD800  }
0xf8: {  	_ =	swait.ge [sflag:s15], $0x2800  }
0xf9: {  	[sflag:s15] =	ssyncset.done $0x0  }
0xfa: {  	[sflag:s15] =	ssyncadd.s32 $0xFFFFD800  }
0xfb: {  	_ =	swait.ge [sflag:s8], $0xC80  }
0xfc: {  	[sflag:s8] =	ssyncset.done $0x0  }
0xfd: {  	[sflag:s8] =	ssyncadd.s32 $0xFFFFF380  }
0xfe: {  	_ =	swait.ge [sflag:s8], $0xC80  }
0xff: {  	[sflag:s8] =	ssyncset.done $0x0  }
0x100: {  	[sflag:s8] =	ssyncadd.s32 $0xFFFFF380  }
0x101: {  	[tilespmem:s10], [sflag:$0x1] =	stream.indirect.gather [hbm4b:s3+s9], $0x80, s2, s9, $0xb8;
	[tilespmem:$0x1D000] =	vst v63  }
0x102: {  	s18 =	rddreg [dreg:$0xa]  }
0x103: {  	[tilespmem:s0], [sflag:$0x3] =	stream.linear.gather [hbm4b:s18+s2], $0xC80, $0x38;
	[tilespmem:$0x1D000] =	vst v63  }
0x104: {  	s19 =	rddreg [dreg:$0xb]  }
0x105: {  	[tilespmem:s5], [sflag:$0x3] =	stream.linear.gather [hbm4b:s19+s2], $0xC80, $0x38;
	[tilespmem:$0x1D000] =	vst v63  }
0x106: {  	s20 =	simm.s32 $0x80  }
0x107: {  	[tilespmem:s14], [sflag:$0x2] =	stream.indirect.gather [hbm4b:s3+s9], $0x80, s20, s9, $0xb8;
	[tilespmem:$0x1D000] =	vst v63  }
0x108: {  	_ =	swait.ge [sflag:s15], $0x2800  }
0x109: {  	[sflag:s15] =	ssyncset.done $0x0  }
0x10a: {  	s1 =	simm.s32 $0x100;
	[sflag:s15] =	ssyncadd.s32 $0xFFFFD800  }
0x10b: {  	[tilespmem:s10], [sflag:$0x1] =	stream.indirect.gather [hbm4b:s3+s9], $0x80, s1, s9, $0xb8;
	[tilespmem:$0x1D000] =	vst v63  }
0x10c: {  	_ =	swait.ge [sflag:s17], $0x2800  }
0x10d: {  	[sflag:s17] =	ssyncset.done $0x0  }
0x10e: {  	s4 =	simm.s32 $0x180;
	[sflag:s17] =	ssyncadd.s32 $0xFFFFD800  }
0x10f: {  	[tilespmem:s14], [sflag:$0x2] =	stream.indirect.gather [hbm4b:s3+s9], $0x80, s4, s9, $0xb8;
	[tilespmem:$0x1D000] =	vst v63  }
0x110: {  	_ =	swait.ge [sflag:s15], $0x2800  }
0x111: {  	[sflag:s15] =	ssyncset.done $0x0  }
0x112: {  	s5 =	simm.s32 $0x200;
	[sflag:s15] =	ssyncadd.s32 $0xFFFFD800  }
0x113: {  	[tilespmem:s10], [sflag:$0x1] =	stream.indirect.gather [hbm4b:s3+s9], $0x80, s5, s9, $0xb8;
	[tilespmem:$0x1D000] =	vst v63  }
0x114: {  	_ =	swait.ge [sflag:s17], $0x2800  }
0x115: {  	[sflag:s17] =	ssyncset.done $0x0  }
0x116: {  	s6 =	simm.s32 $0x280;
	[sflag:s17] =	ssyncadd.s32 $0xFFFFD800  }
0x117: {  	[tilespmem:s14], [sflag:$0x2] =	stream.indirect.gather [hbm4b:s3+s9], $0x80, s6, s9, $0xb8;
	[tilespmem:$0x1D000] =	vst v63  }
0x118: {  	_ =	swait.ge [sflag:s15], $0x2800  }
0x119: {  	[sflag:s15] =	ssyncset.done $0x0  }
0x11a: {  	s12 =	simm.s32 $0x300;
	[sflag:s15] =	ssyncadd.s32 $0xFFFFD800  }
0x11b: {  	[tilespmem:s10], [sflag:$0x1] =	stream.indirect.gather [hbm4b:s3+s9], $0x80, s12, s9, $0xb8;
	[tilespmem:$0x1D000] =	vst v63  }
0x11c: {  	_ =	swait.ge [sflag:s17], $0x2800  }
0x11d: {  	[sflag:s17] =	ssyncset.done $0x0  }
0x11e: {  	s13 =	simm.s32 $0x380;
	[sflag:s17] =	ssyncadd.s32 $0xFFFFD800  }
0x11f: {  	[tilespmem:s14], [sflag:$0x2] =	stream.indirect.gather [hbm4b:s3+s9], $0x80, s13, s9, $0xb8;
	[tilespmem:$0x1D000] =	vst v63  }
0x120: {  	_ =	swait.ge [sflag:s15], $0x2800  }
0x121: {  	[sflag:s15] =	ssyncset.done $0x0  }
0x122: {  	s16 =	simm.s32 $0x400;
	[sflag:s15] =	ssyncadd.s32 $0xFFFFD800  }
0x123: {  	[tilespmem:s10], [sflag:$0x1] =	stream.indirect.gather [hbm4b:s3+s9], $0x80, s16, s9, $0xb8;
	[tilespmem:$0x1D000] =	vst v63  }
0x124: {  	_ =	swait.ge [sflag:s17], $0x2800  }
0x125: {  	[sflag:s17] =	ssyncset.done $0x0  }
0x126: {  	s18 =	simm.s32 $0x480;
	[sflag:s17] =	ssyncadd.s32 $0xFFFFD800  }
0x127: {  	[tilespmem:s14], [sflag:$0x2] =	stream.indirect.gather [hbm4b:s3+s9], $0x80, s18, s9, $0xb8;
	[tilespmem:$0x1D000] =	vst v63  }
0x128: {  	_ =	swait.ge [sflag:s15], $0x2800  }
0x129: {  	[sflag:s15] =	ssyncset.done $0x0  }
0x12a: {  	s19 =	simm.s32 $0x500;
	[sflag:s15] =	ssyncadd.s32 $0xFFFFD800  }
0x12b: {  	[tilespmem:s10], [sflag:$0x1] =	stream.indirect.gather [hbm4b:s3+s9], $0x80, s19, s9, $0xb8;
	[tilespmem:$0x1D000] =	vst v63  }
0x12c: {  	_ =	swait.ge [sflag:s17], $0x2800  }
0x12d: {  	[sflag:s17] =	ssyncset.done $0x0  }
0x12e: {  	s20 =	simm.s32 $0x580;
	[sflag:s17] =	ssyncadd.s32 $0xFFFFD800  }
0x12f: {  	[tilespmem:s14], [sflag:$0x2] =	stream.indirect.gather [hbm4b:s3+s9], $0x80, s20, s9, $0xb8;
	[tilespmem:$0x1D000] =	vst v63  }
0x130: {  	_ =	swait.ge [sflag:s15], $0x2800  }
0x131: {  	[sflag:s15] =	ssyncset.done $0x0  }
0x132: {  	s22 =	simm.s32 $0x600;
	[sflag:s15] =	ssyncadd.s32 $0xFFFFD800  }
0x133: {  	[tilespmem:s10], [sflag:$0x1] =	stream.indirect.gather [hbm4b:s3+s9], $0x80, s22, s9, $0xb8;
	[tilespmem:$0x1D000] =	vst v63  }
0x134: {  	_ =	swait.ge [sflag:s17], $0x2800  }
0x135: {  	[sflag:s17] =	ssyncset.done $0x0  }
0x136: {  	s23 =	simm.s32 $0x680;
	[sflag:s17] =	ssyncadd.s32 $0xFFFFD800  }
0x137: {  	[tilespmem:s14], [sflag:$0x2] =	stream.indirect.gather [hbm4b:s3+s9], $0x80, s23, s9, $0xb8;
	[tilespmem:$0x1D000] =	vst v63  }
0x138: {  	_ =	swait.ge [sflag:s15], $0x2800  }
0x139: {  	[sflag:s15] =	ssyncset.done $0x0  }
0x13a: {  	s24 =	simm.s32 $0x700;
	[sflag:s15] =	ssyncadd.s32 $0xFFFFD800  }
0x13b: {  	[tilespmem:s10], [sflag:$0x1] =	stream.indirect.gather [hbm4b:s3+s9], $0x80, s24, s9, $0xb8;
	[tilespmem:$0x1D000] =	vst v63  }
0x13c: {  	_ =	swait.ge [sflag:s17], $0x2800  }
0x13d: {  	[sflag:s17] =	ssyncset.done $0x0  }
0x13e: {  	s25 =	simm.s32 $0x780;
	[sflag:s17] =	ssyncadd.s32 $0xFFFFD800  }
0x13f: {  	[tilespmem:s14], [sflag:$0x2] =	stream.indirect.gather [hbm4b:s3+s9], $0x80, s25, s9, $0xb8;
	[tilespmem:$0x1D000] =	vst v63  }
0x140: {  	_ =	swait.ge [sflag:s15], $0x2800  }
0x141: {  	[sflag:s15] =	ssyncset.done $0x0  }
0x142: {  	s26 =	simm.s32 $0x800;
	[sflag:s15] =	ssyncadd.s32 $0xFFFFD800  }
0x143: {  	[tilespmem:s10], [sflag:$0x1] =	stream.indirect.gather [hbm4b:s3+s9], $0x80, s26, s9, $0xb8;
	[tilespmem:$0x1D000] =	vst v63  }
0x144: {  	_ =	swait.ge [sflag:s17], $0x2800  }
0x145: {  	[sflag:s17] =	ssyncset.done $0x0  }
0x146: {  	s28 =	simm.s32 $0x880;
	[sflag:s17] =	ssyncadd.s32 $0xFFFFD800  }
0x147: {  	[tilespmem:s14], [sflag:$0x2] =	stream.indirect.gather [hbm4b:s3+s9], $0x80, s28, s9, $0xb8;
	[tilespmem:$0x1D000] =	vst v63  }
0x148: {  	_ =	swait.ge [sflag:s15], $0x2800  }
0x149: {  	[sflag:s15] =	ssyncset.done $0x0  }
0x14a: {  	s29 =	simm.s32 $0x900;
	[sflag:s15] =	ssyncadd.s32 $0xFFFFD800  }
0x14b: {  	[tilespmem:s10], [sflag:$0x1] =	stream.indirect.gather [hbm4b:s3+s9], $0x80, s29, s9, $0xb8;
	[tilespmem:$0x1D000] =	vst v63  }
0x14c: {  	_ =	swait.ge [sflag:s17], $0x2800  }
0x14d: {  	[sflag:s17] =	ssyncset.done $0x0  }
0x14e: {  	s30 =	simm.s32 $0x980;
	[sflag:s17] =	ssyncadd.s32 $0xFFFFD800  }
0x14f: {  	[tilespmem:s14], [sflag:$0x2] =	stream.indirect.gather [hbm4b:s3+s9], $0x80, s30, s9, $0xb8;
	[tilespmem:$0x1D000] =	vst v63  }
0x150: {  	_ =	swait.ge [sflag:s15], $0x2800  }
0x151: {  	[sflag:s15] =	ssyncset.done $0x0  }
0x152: {  	s31 =	simm.s32 $0xA00;
	[sflag:s15] =	ssyncadd.s32 $0xFFFFD800  }
0x153: {  	[tilespmem:s10], [sflag:$0x1] =	stream.indirect.gather [hbm4b:s3+s9], $0x80, s31, s9, $0xb8;
	[tilespmem:$0x1D000] =	vst v63  }
0x154: {  	_ =	swait.ge [sflag:s17], $0x2800  }
0x155: {  	[sflag:s17] =	ssyncset.done $0x0  }
0x156: {  	s21 =	simm.s32 $0xA80;
	[sflag:s17] =	ssyncadd.s32 $0xFFFFD800  }
0x157: {  	[tilespmem:s14], [sflag:$0x2] =	stream.indirect.gather [hbm4b:s3+s9], $0x80, s21, s9, $0xb8;
	[tilespmem:$0x1D000] =	vst v63  }
0x158: {  	_ =	swait.ge [sflag:s15], $0x2800  }
0x159: {  	[sflag:s15] =	ssyncset.done $0x0  }
0x15a: {  	s21 =	simm.s32 $0xB00;
	[sflag:s15] =	ssyncadd.s32 $0xFFFFD800  }
0x15b: {  	[tilespmem:s10], [sflag:$0x1] =	stream.indirect.gather [hbm4b:s3+s9], $0x80, s21, s9, $0xb8;
	[tilespmem:$0x1D000] =	vst v63  }
0x15c: {  	_ =	swait.ge [sflag:s17], $0x2800  }
0x15d: {  	[sflag:s17] =	ssyncset.done $0x0  }
0x15e: {  	s21 =	simm.s32 $0xB80;
	[sflag:s17] =	ssyncadd.s32 $0xFFFFD800  }
0x15f: {  	[tilespmem:s14], [sflag:$0x2] =	stream.indirect.gather [hbm4b:s3+s9], $0x80, s21, s9, $0xb8;
	[tilespmem:$0x1D000] =	vst v63  }
0x160: {  	_ =	swait.ge [sflag:s15], $0x2800  }
0x161: {  	[sflag:s15] =	ssyncset.done $0x0  }
0x162: {  	s21 =	simm.s32 $0xC00;
	[sflag:s15] =	ssyncadd.s32 $0xFFFFD800  }
0x163: {  	[tilespmem:s10], [sflag:$0x1] =	stream.indirect.gather [hbm4b:s3+s9], $0x80, s21, s9, $0xb8;
	[tilespmem:$0x1D000] =	vst v63  }
0x164: {  	_ =	swait.ge [sflag:s17], $0x2800  }
0x165: {  	[sflag:s17] =	ssyncset.done $0x0  }
0x166: {  	[sflag:s17] =	ssyncadd.s32 $0xFFFFD800  }
0x167: {  	_ =	swait.ge [sflag:s15], $0x2800  }
0x168: {  	[sflag:s15] =	ssyncset.done $0x0  }
0x169: {  	[sflag:s15] =	ssyncadd.s32 $0xFFFFD800  }
0x16a: {  	_ =	swait.ge [sflag:s8], $0xC80  }
0x16b: {  	[sflag:s8] =	ssyncset.done $0x0  }
0x16c: {  	[sflag:s8] =	ssyncadd.s32 $0xFFFFF380  }
0x16d: {  	_ =	swait.ge [sflag:s8], $0xC80  }
0x16e: {  	[sflag:s8] =	ssyncset.done $0x0;
	s21 =	rddreg [dreg:$0xc]  }
0x16f: {  	s0 =	simm.s32 $0x1000;
	[sflag:s8] =	ssyncadd.s32 $0xFFFFF380;
	[dreg:$0x12] =	wrdreg s21  }
0x170: {  	[tilespmem:s10], [sflag:$0x1] =	stream.indirect.gather [hbm4b:s3+s9], $0x80, s0, s9, $0xb8;
	[tilespmem:$0x1D000] =	vst v63  }
0x171: {  	s0 =	rddreg [dreg:$0x12]  }
0x172: {  	[tilespmem:s2], [sflag:$0x3] =	stream.linear.gather [hbm4b:s0+s2], $0xC80, $0x38;
	[tilespmem:$0x1D000] =	vst v63  }
0x173: {  	s21 =	rddreg [dreg:$0xd];
	s0 =	simm.s32 $0x2000  }
0x174: {  	[tilespmem:s0], [sflag:$0x3] =	stream.linear.gather [hbm4b:s21+s2], $0xC80, $0x38;
	[tilespmem:$0x1D000] =	vst v63  }
0x175: {  	s21 =	simm.s32 $0x1080  }
0x176: {  	[tilespmem:s14], [sflag:$0x2] =	stream.indirect.gather [hbm4b:s3+s9], $0x80, s21, s9, $0xb8;
	[tilespmem:$0x1D000] =	vst v63  }
0x177: {  	_ =	swait.ge [sflag:s15], $0x2800  }
0x178: {  	[sflag:s15] =	ssyncset.done $0x0  }
0x179: {  	s21 =	simm.s32 $0x1100;
	[sflag:s15] =	ssyncadd.s32 $0xFFFFD800  }
0x17a: {  	[tilespmem:s10], [sflag:$0x1] =	stream.indirect.gather [hbm4b:s3+s9], $0x80, s21, s9, $0xb8;
	[tilespmem:$0x1D000] =	vst v63  }
0x17b: {  	_ =	swait.ge [sflag:s17], $0x2800  }
0x17c: {  	[sflag:s17] =	ssyncset.done $0x0  }
0x17d: {  	s21 =	simm.s32 $0x1180;
	[sflag:s17] =	ssyncadd.s32 $0xFFFFD800  }
0x17e: {  	[tilespmem:s14], [sflag:$0x2] =	stream.indirect.gather [hbm4b:s3+s9], $0x80, s21, s9, $0xb8;
	[tilespmem:$0x1D000] =	vst v63  }
0x17f: {  	_ =	swait.ge [sflag:s15], $0x2800  }
0x180: {  	[sflag:s15] =	ssyncset.done $0x0  }
0x181: {  	s21 =	simm.s32 $0x1200;
	[sflag:s15] =	ssyncadd.s32 $0xFFFFD800  }
0x182: {  	[tilespmem:s10], [sflag:$0x1] =	stream.indirect.gather [hbm4b:s3+s9], $0x80, s21, s9, $0xb8;
	[tilespmem:$0x1D000] =	vst v63  }
0x183: {  	_ =	swait.ge [sflag:s17], $0x2800  }
0x184: {  	[sflag:s17] =	ssyncset.done $0x0  }
0x185: {  	s21 =	simm.s32 $0x1280;
	[sflag:s17] =	ssyncadd.s32 $0xFFFFD800  }
0x186: {  	[tilespmem:s14], [sflag:$0x2] =	stream.indirect.gather [hbm4b:s3+s9], $0x80, s21, s9, $0xb8;
	[tilespmem:$0x1D000] =	vst v63  }
0x187: {  	_ =	swait.ge [sflag:s15], $0x2800  }
0x188: {  	[sflag:s15] =	ssyncset.done $0x0  }
0x189: {  	s21 =	simm.s32 $0x1300;
	[sflag:s15] =	ssyncadd.s32 $0xFFFFD800  }
0x18a: {  	[tilespmem:s10], [sflag:$0x1] =	stream.indirect.gather [hbm4b:s3+s9], $0x80, s21, s9, $0xb8;
	[tilespmem:$0x1D000] =	vst v63  }
0x18b: {  	_ =	swait.ge [sflag:s17], $0x2800  }
0x18c: {  	[sflag:s17] =	ssyncset.done $0x0  }
0x18d: {  	s21 =	simm.s32 $0x1380;
	[sflag:s17] =	ssyncadd.s32 $0xFFFFD800  }
0x18e: {  	[tilespmem:s14], [sflag:$0x2] =	stream.indirect.gather [hbm4b:s3+s9], $0x80, s21, s9, $0xb8;
	[tilespmem:$0x1D000] =	vst v63  }
0x18f: {  	_ =	swait.ge [sflag:s15], $0x2800  }
0x190: {  	[sflag:s15] =	ssyncset.done $0x0  }
0x191: {  	s21 =	simm.s32 $0x1400;
	[sflag:s15] =	ssyncadd.s32 $0xFFFFD800  }
0x192: {  	[tilespmem:s10], [sflag:$0x1] =	stream.indirect.gather [hbm4b:s3+s9], $0x80, s21, s9, $0xb8;
	[tilespmem:$0x1D000] =	vst v63  }
0x193: {  	_ =	swait.ge [sflag:s17], $0x2800  }
0x194: {  	[sflag:s17] =	ssyncset.done $0x0  }
0x195: {  	s21 =	simm.s32 $0x1480;
	[sflag:s17] =	ssyncadd.s32 $0xFFFFD800  }
0x196: {  	[tilespmem:s14], [sflag:$0x2] =	stream.indirect.gather [hbm4b:s3+s9], $0x80, s21, s9, $0xb8;
	[tilespmem:$0x1D000] =	vst v63  }
0x197: {  	_ =	swait.ge [sflag:s15], $0x2800  }
0x198: {  	[sflag:s15] =	ssyncset.done $0x0  }
0x199: {  	s21 =	simm.s32 $0x1500;
	[sflag:s15] =	ssyncadd.s32 $0xFFFFD800  }
0x19a: {  	[tilespmem:s10], [sflag:$0x1] =	stream.indirect.gather [hbm4b:s3+s9], $0x80, s21, s9, $0xb8;
	[tilespmem:$0x1D000] =	vst v63  }
0x19b: {  	_ =	swait.ge [sflag:s17], $0x2800  }
0x19c: {  	[sflag:s17] =	ssyncset.done $0x0  }
0x19d: {  	s21 =	simm.s32 $0x1580;
	[sflag:s17] =	ssyncadd.s32 $0xFFFFD800  }
0x19e: {  	[tilespmem:s14], [sflag:$0x2] =	stream.indirect.gather [hbm4b:s3+s9], $0x80, s21, s9, $0xb8;
	[tilespmem:$0x1D000] =	vst v63  }
0x19f: {  	_ =	swait.ge [sflag:s15], $0x2800  }
0x1a0: {  	[sflag:s15] =	ssyncset.done $0x0  }
0x1a1: {  	s21 =	simm.s32 $0x1600;
	[sflag:s15] =	ssyncadd.s32 $0xFFFFD800  }
0x1a2: {  	[tilespmem:s10], [sflag:$0x1] =	stream.indirect.gather [hbm4b:s3+s9], $0x80, s21, s9, $0xb8;
	[tilespmem:$0x1D000] =	vst v63  }
0x1a3: {  	_ =	swait.ge [sflag:s17], $0x2800  }
0x1a4: {  	[sflag:s17] =	ssyncset.done $0x0  }
0x1a5: {  	s21 =	simm.s32 $0x1680;
	[sflag:s17] =	ssyncadd.s32 $0xFFFFD800  }
0x1a6: {  	[tilespmem:s14], [sflag:$0x2] =	stream.indirect.gather [hbm4b:s3+s9], $0x80, s21, s9, $0xb8;
	[tilespmem:$0x1D000] =	vst v63  }
0x1a7: {  	_ =	swait.ge [sflag:s15], $0x2800  }
0x1a8: {  	[sflag:s15] =	ssyncset.done $0x0  }
0x1a9: {  	s21 =	simm.s32 $0x1700;
	[sflag:s15] =	ssyncadd.s32 $0xFFFFD800  }
0x1aa: {  	[tilespmem:s10], [sflag:$0x1] =	stream.indirect.gather [hbm4b:s3+s9], $0x80, s21, s9, $0xb8;
	[tilespmem:$0x1D000] =	vst v63  }
0x1ab: {  	_ =	swait.ge [sflag:s17], $0x2800  }
0x1ac: {  	[sflag:s17] =	ssyncset.done $0x0  }
0x1ad: {  	s21 =	simm.s32 $0x1780;
	[sflag:s17] =	ssyncadd.s32 $0xFFFFD800  }
0x1ae: {  	[tilespmem:s14], [sflag:$0x2] =	stream.indirect.gather [hbm4b:s3+s9], $0x80, s21, s9, $0xb8;
	[tilespmem:$0x1D000] =	vst v63  }
0x1af: {  	_ =	swait.ge [sflag:s15], $0x2800  }
0x1b0: {  	[sflag:s15] =	ssyncset.done $0x0  }
0x1b1: {  	s21 =	simm.s32 $0x1800;
	[sflag:s15] =	ssyncadd.s32 $0xFFFFD800  }
0x1b2: {  	[tilespmem:s10], [sflag:$0x1] =	stream.indirect.gather [hbm4b:s3+s9], $0x80, s21, s9, $0xb8;
	[tilespmem:$0x1D000] =	vst v63  }
0x1b3: {  	_ =	swait.ge [sflag:s17], $0x2800  }
0x1b4: {  	[sflag:s17] =	ssyncset.done $0x0  }
0x1b5: {  	s21 =	simm.s32 $0x1880;
	[sflag:s17] =	ssyncadd.s32 $0xFFFFD800  }
0x1b6: {  	[tilespmem:s14], [sflag:$0x2] =	stream.indirect.gather [hbm4b:s3+s9], $0x80, s21, s9, $0xb8;
	[tilespmem:$0x1D000] =	vst v63  }
0x1b7: {  	_ =	swait.ge [sflag:s15], $0x2800  }
0x1b8: {  	[sflag:s15] =	ssyncset.done $0x0  }
0x1b9: {  	s21 =	simm.s32 $0x1900;
	[sflag:s15] =	ssyncadd.s32 $0xFFFFD800  }
0x1ba: {  	[tilespmem:s10], [sflag:$0x1] =	stream.indirect.gather [hbm4b:s3+s9], $0x80, s21, s9, $0xb8;
	[tilespmem:$0x1D000] =	vst v63  }
0x1bb: {  	_ =	swait.ge [sflag:s17], $0x2800  }
0x1bc: {  	[sflag:s17] =	ssyncset.done $0x0  }
0x1bd: {  	s21 =	simm.s32 $0x1980;
	[sflag:s17] =	ssyncadd.s32 $0xFFFFD800  }
0x1be: {  	[tilespmem:s14], [sflag:$0x2] =	stream.indirect.gather [hbm4b:s3+s9], $0x80, s21, s9, $0xb8;
	[tilespmem:$0x1D000] =	vst v63  }
0x1bf: {  	_ =	swait.ge [sflag:s15], $0x2800  }
0x1c0: {  	[sflag:s15] =	ssyncset.done $0x0  }
0x1c1: {  	s21 =	simm.s32 $0x1A00;
	[sflag:s15] =	ssyncadd.s32 $0xFFFFD800  }
0x1c2: {  	[tilespmem:s10], [sflag:$0x1] =	stream.indirect.gather [hbm4b:s3+s9], $0x80, s21, s9, $0xb8;
	[tilespmem:$0x1D000] =	vst v63  }
0x1c3: {  	_ =	swait.ge [sflag:s17], $0x2800  }
0x1c4: {  	[sflag:s17] =	ssyncset.done $0x0  }
0x1c5: {  	s21 =	simm.s32 $0x1A80;
	[sflag:s17] =	ssyncadd.s32 $0xFFFFD800  }
0x1c6: {  	[tilespmem:s14], [sflag:$0x2] =	stream.indirect.gather [hbm4b:s3+s9], $0x80, s21, s9, $0xb8;
	[tilespmem:$0x1D000] =	vst v63  }
0x1c7: {  	_ =	swait.ge [sflag:s15], $0x2800  }
0x1c8: {  	[sflag:s15] =	ssyncset.done $0x0  }
0x1c9: {  	s21 =	simm.s32 $0x1B00;
	[sflag:s15] =	ssyncadd.s32 $0xFFFFD800  }
0x1ca: {  	[tilespmem:s10], [sflag:$0x1] =	stream.indirect.gather [hbm4b:s3+s9], $0x80, s21, s9, $0xb8;
	[tilespmem:$0x1D000] =	vst v63  }
0x1cb: {  	_ =	swait.ge [sflag:s17], $0x2800  }
0x1cc: {  	[sflag:s17] =	ssyncset.done $0x0  }
0x1cd: {  	s21 =	simm.s32 $0x1B80;
	[sflag:s17] =	ssyncadd.s32 $0xFFFFD800  }
0x1ce: {  	[tilespmem:s14], [sflag:$0x2] =	stream.indirect.gather [hbm4b:s3+s9], $0x80, s21, s9, $0xb8;
	[tilespmem:$0x1D000] =	vst v63  }
0x1cf: {  	_ =	swait.ge [sflag:s15], $0x2800  }
0x1d0: {  	[sflag:s15] =	ssyncset.done $0x0  }
0x1d1: {  	s21 =	simm.s32 $0x1C00;
	[sflag:s15] =	ssyncadd.s32 $0xFFFFD800  }
0x1d2: {  	[tilespmem:s10], [sflag:$0x1] =	stream.indirect.gather [hbm4b:s3+s9], $0x80, s21, s9, $0xb8;
	[tilespmem:$0x1D000] =	vst v63  }
0x1d3: {  	_ =	swait.ge [sflag:s17], $0x2800  }
0x1d4: {  	[sflag:s17] =	ssyncset.done $0x0  }
0x1d5: {  	[sflag:s17] =	ssyncadd.s32 $0xFFFFD800  }
0x1d6: {  	_ =	swait.ge [sflag:s15], $0x2800  }
0x1d7: {  	[sflag:s15] =	ssyncset.done $0x0  }
0x1d8: {  	[sflag:s15] =	ssyncadd.s32 $0xFFFFD800  }
0x1d9: {  	_ =	swait.ge [sflag:s8], $0xC80  }
0x1da: {  	[sflag:s8] =	ssyncset.done $0x0  }
0x1db: {  	[sflag:s8] =	ssyncadd.s32 $0xFFFFF380  }
0x1dc: {  	_ =	swait.ge [sflag:s8], $0xC80  }
0x1dd: {  	[sflag:s8] =	ssyncset.done $0x0  }
0x1de: {  	[sflag:s8] =	ssyncadd.s32 $0xFFFFF380  }
0x1df: {  	[tilespmem:s10], [sflag:$0x1] =	stream.indirect.gather [hbm4b:s3+s9], $0x80, s2, s9, $0xb8;
	[tilespmem:$0x1D000] =	vst v63  }
0x1e0: {  	s21 =	simm.s32 $0x80  }
0x1e1: {  	[tilespmem:s14], [sflag:$0x2] =	stream.indirect.gather [hbm4b:s3+s9], $0x80, s21, s9, $0xb8;
	[tilespmem:$0x1D000] =	vst v63  }
0x1e2: {  	_ =	swait.ge [sflag:s15], $0x2800  }
0x1e3: {  	[sflag:s15] =	ssyncset.done $0x0  }
0x1e4: {  	[sflag:s15] =	ssyncadd.s32 $0xFFFFD800  }
0x1e5: {  	[tilespmem:s10], [sflag:$0x1] =	stream.indirect.gather [hbm4b:s3+s9], $0x80, s1, s9, $0xb8;
	[tilespmem:$0x1D000] =	vst v63  }
0x1e6: {  	_ =	swait.ge [sflag:s17], $0x2800  }
0x1e7: {  	[sflag:s17] =	ssyncset.done $0x0  }
0x1e8: {  	[sflag:s17] =	ssyncadd.s32 $0xFFFFD800  }
0x1e9: {  	[tilespmem:s14], [sflag:$0x2] =	stream.indirect.gather [hbm4b:s3+s9], $0x80, s4, s9, $0xb8;
	[tilespmem:$0x1D000] =	vst v63  }
0x1ea: {  	_ =	swait.ge [sflag:s15], $0x2800  }
0x1eb: {  	[sflag:s15] =	ssyncset.done $0x0  }
0x1ec: {  	[sflag:s15] =	ssyncadd.s32 $0xFFFFD800  }
0x1ed: {  	[tilespmem:s10], [sflag:$0x1] =	stream.indirect.gather [hbm4b:s3+s9], $0x80, s5, s9, $0xb8;
	[tilespmem:$0x1D000] =	vst v63  }
0x1ee: {  	_ =	swait.ge [sflag:s17], $0x2800  }
0x1ef: {  	[sflag:s17] =	ssyncset.done $0x0  }
0x1f0: {  	[sflag:s17] =	ssyncadd.s32 $0xFFFFD800  }
0x1f1: {  	[tilespmem:s14], [sflag:$0x2] =	stream.indirect.gather [hbm4b:s3+s9], $0x80, s6, s9, $0xb8;
	[tilespmem:$0x1D000] =	vst v63  }
0x1f2: {  	_ =	swait.ge [sflag:s15], $0x2800  }
0x1f3: {  	[sflag:s15] =	ssyncset.done $0x0  }
0x1f4: {  	[sflag:s15] =	ssyncadd.s32 $0xFFFFD800  }
0x1f5: {  	[tilespmem:s10], [sflag:$0x1] =	stream.indirect.gather [hbm4b:s3+s9], $0x80, s12, s9, $0xb8;
	[tilespmem:$0x1D000] =	vst v63  }
0x1f6: {  	_ =	swait.ge [sflag:s17], $0x2800  }
0x1f7: {  	[sflag:s17] =	ssyncset.done $0x0  }
0x1f8: {  	[sflag:s17] =	ssyncadd.s32 $0xFFFFD800  }
0x1f9: {  	[tilespmem:s14], [sflag:$0x2] =	stream.indirect.gather [hbm4b:s3+s9], $0x80, s13, s9, $0xb8;
	[tilespmem:$0x1D000] =	vst v63  }
0x1fa: {  	_ =	swait.ge [sflag:s15], $0x2800  }
0x1fb: {  	[sflag:s15] =	ssyncset.done $0x0  }
0x1fc: {  	[sflag:s15] =	ssyncadd.s32 $0xFFFFD800  }
0x1fd: {  	[tilespmem:s10], [sflag:$0x1] =	stream.indirect.gather [hbm4b:s3+s9], $0x80, s16, s9, $0xb8;
	[tilespmem:$0x1D000] =	vst v63  }
0x1fe: {  	_ =	swait.ge [sflag:s17], $0x2800  }
0x1ff: {  	[sflag:s17] =	ssyncset.done $0x0  }
0x200: {  	[sflag:s17] =	ssyncadd.s32 $0xFFFFD800  }
0x201: {  	[tilespmem:s14], [sflag:$0x2] =	stream.indirect.gather [hbm4b:s3+s9], $0x80, s18, s9, $0xb8;
	[tilespmem:$0x1D000] =	vst v63  }
0x202: {  	_ =	swait.ge [sflag:s15], $0x2800  }
0x203: {  	[sflag:s15] =	ssyncset.done $0x0  }
0x204: {  	[sflag:s15] =	ssyncadd.s32 $0xFFFFD800  }
0x205: {  	[tilespmem:s10], [sflag:$0x1] =	stream.indirect.gather [hbm4b:s3+s9], $0x80, s19, s9, $0xb8;
	[tilespmem:$0x1D000] =	vst v63  }
0x206: {  	_ =	swait.ge [sflag:s17], $0x2800  }
0x207: {  	[sflag:s17] =	ssyncset.done $0x0  }
0x208: {  	[sflag:s17] =	ssyncadd.s32 $0xFFFFD800  }
0x209: {  	[tilespmem:s14], [sflag:$0x2] =	stream.indirect.gather [hbm4b:s3+s9], $0x80, s20, s9, $0xb8;
	[tilespmem:$0x1D000] =	vst v63  }
0x20a: {  	_ =	swait.ge [sflag:s15], $0x2800  }
0x20b: {  	[sflag:s15] =	ssyncset.done $0x0  }
0x20c: {  	[sflag:s15] =	ssyncadd.s32 $0xFFFFD800  }
0x20d: {  	[tilespmem:s10], [sflag:$0x1] =	stream.indirect.gather [hbm4b:s3+s9], $0x80, s22, s9, $0xb8;
	[tilespmem:$0x1D000] =	vst v63  }
0x20e: {  	_ =	swait.ge [sflag:s17], $0x2800  }
0x20f: {  	[sflag:s17] =	ssyncset.done $0x0  }
0x210: {  	[sflag:s17] =	ssyncadd.s32 $0xFFFFD800  }
0x211: {  	[tilespmem:s14], [sflag:$0x2] =	stream.indirect.gather [hbm4b:s3+s9], $0x80, s23, s9, $0xb8;
	[tilespmem:$0x1D000] =	vst v63  }
0x212: {  	_ =	swait.ge [sflag:s15], $0x2800  }
0x213: {  	[sflag:s15] =	ssyncset.done $0x0  }
0x214: {  	[sflag:s15] =	ssyncadd.s32 $0xFFFFD800  }
0x215: {  	[tilespmem:s10], [sflag:$0x1] =	stream.indirect.gather [hbm4b:s3+s9], $0x80, s24, s9, $0xb8;
	[tilespmem:$0x1D000] =	vst v63  }
0x216: {  	_ =	swait.ge [sflag:s17], $0x2800  }
0x217: {  	[sflag:s17] =	ssyncset.done $0x0  }
0x218: {  	[sflag:s17] =	ssyncadd.s32 $0xFFFFD800  }
0x219: {  	[tilespmem:s14], [sflag:$0x2] =	stream.indirect.gather [hbm4b:s3+s9], $0x80, s25, s9, $0xb8;
	[tilespmem:$0x1D000] =	vst v63  }
0x21a: {  	_ =	swait.ge [sflag:s15], $0x2800  }
0x21b: {  	[sflag:s15] =	ssyncset.done $0x0  }
0x21c: {  	[sflag:s15] =	ssyncadd.s32 $0xFFFFD800  }
0x21d: {  	[tilespmem:s10], [sflag:$0x1] =	stream.indirect.gather [hbm4b:s3+s9], $0x80, s26, s9, $0xb8;
	[tilespmem:$0x1D000] =	vst v63  }
0x21e: {  	_ =	swait.ge [sflag:s17], $0x2800  }
0x21f: {  	[sflag:s17] =	ssyncset.done $0x0  }
0x220: {  	[sflag:s17] =	ssyncadd.s32 $0xFFFFD800  }
0x221: {  	[tilespmem:s14], [sflag:$0x2] =	stream.indirect.gather [hbm4b:s3+s9], $0x80, s28, s9, $0xb8;
	[tilespmem:$0x1D000] =	vst v63  }
0x222: {  	_ =	swait.ge [sflag:s15], $0x2800  }
0x223: {  	[sflag:s15] =	ssyncset.done $0x0  }
0x224: {  	[sflag:s15] =	ssyncadd.s32 $0xFFFFD800  }
0x225: {  	[tilespmem:s10], [sflag:$0x1] =	stream.indirect.gather [hbm4b:s3+s9], $0x80, s29, s9, $0xb8;
	[tilespmem:$0x1D000] =	vst v63  }
0x226: {  	_ =	swait.ge [sflag:s17], $0x2800  }
0x227: {  	[sflag:s17] =	ssyncset.done $0x0  }
0x228: {  	[sflag:s17] =	ssyncadd.s32 $0xFFFFD800  }
0x229: {  	[tilespmem:s14], [sflag:$0x2] =	stream.indirect.gather [hbm4b:s3+s9], $0x80, s30, s9, $0xb8;
	[tilespmem:$0x1D000] =	vst v63  }
0x22a: {  	_ =	swait.ge [sflag:s15], $0x2800  }
0x22b: {  	[sflag:s15] =	ssyncset.done $0x0  }
0x22c: {  	[sflag:s15] =	ssyncadd.s32 $0xFFFFD800  }
0x22d: {  	[tilespmem:s10], [sflag:$0x1] =	stream.indirect.gather [hbm4b:s3+s9], $0x80, s31, s9, $0xb8;
	[tilespmem:$0x1D000] =	vst v63  }
0x22e: {  	_ =	swait.ge [sflag:s17], $0x2800  }
0x22f: {  	[sflag:s17] =	ssyncset.done $0x0  }
0x230: {  	s23 =	simm.s32 $0xA80;
	[sflag:s17] =	ssyncadd.s32 $0xFFFFD800  }
0x231: {  	[tilespmem:s14], [sflag:$0x2] =	stream.indirect.gather [hbm4b:s3+s9], $0x80, s23, s9, $0xb8;
	[tilespmem:$0x1D000] =	vst v63  }
0x232: {  	_ =	swait.ge [sflag:s15], $0x2800  }
0x233: {  	[sflag:s15] =	ssyncset.done $0x0  }
0x234: {  	s24 =	simm.s32 $0xB00;
	[sflag:s15] =	ssyncadd.s32 $0xFFFFD800  }
0x235: {  	[tilespmem:s10], [sflag:$0x1] =	stream.indirect.gather [hbm4b:s3+s9], $0x80, s24, s9, $0xb8;
	[tilespmem:$0x1D000] =	vst v63  }
0x236: {  	_ =	swait.ge [sflag:s17], $0x2800  }
0x237: {  	[sflag:s17] =	ssyncset.done $0x0  }
0x238: {  	s25 =	simm.s32 $0xB80;
	[sflag:s17] =	ssyncadd.s32 $0xFFFFD800  }
0x239: {  	[tilespmem:s14], [sflag:$0x2] =	stream.indirect.gather [hbm4b:s3+s9], $0x80, s25, s9, $0xb8;
	[tilespmem:$0x1D000] =	vst v63  }
0x23a: {  	_ =	swait.ge [sflag:s15], $0x2800  }
0x23b: {  	[sflag:s15] =	ssyncset.done $0x0  }
0x23c: {  	s26 =	simm.s32 $0xC00;
	[sflag:s15] =	ssyncadd.s32 $0xFFFFD800  }
0x23d: {  	[tilespmem:s10], [sflag:$0x1] =	stream.indirect.gather [hbm4b:s3+s9], $0x80, s26, s9, $0xb8;
	[tilespmem:$0x1D000] =	vst v63  }
0x23e: {  	_ =	swait.ge [sflag:s17], $0x2800  }
0x23f: {  	[sflag:s17] =	ssyncset.done $0x0  }
0x240: {  	[sflag:s17] =	ssyncadd.s32 $0xFFFFD800  }
0x241: {  	_ =	swait.ge [sflag:s15], $0x2800  }
0x242: {  	[sflag:s15] =	ssyncset.done $0x0  }
0x243: {  	[sflag:s15] =	ssyncadd.s32 $0xFFFFD800  }
0x244: {  	[bflag:$0x0] =	sbarrier.arrive $0xFFFF  }
0x245: {  	s28 =	rddreg [dreg:$0x11]  }
0x246: {  	s0 =	ssub.s32 $0x2, s28  }
0x247: {  	s30 =	sshrl.u32 s0, $0x1  }
0x248: {  	s21 =	ssub.s32 s0, s30  }
0x249: {  	s21 =	smax.u32 s21, $0x1  }
0x24a: {  	p0 =	sne.s32 s21, $0x1  }
.Ltmp0:
0x24b: {  	s29 =	rddreg [dreg:$0xe];
	(pc) =	sbr.rel @!p0 .LBB2_3-.Ltmp0, $4  }
0x24c: {  	[dreg:$0xf] =	wrdreg s7  }
0x24d: {  	s31 =	simm.s32 $0x4;
	[dreg:$0x10] =	wrdreg s11  }
0x24e: {  	[hbm:s29], [sflag:s7] =	dma.local [spmem:s11], $0x2800  }
0x24f: {  	_ =	swait.ge [sflag:s31], $0x2800;
	s21 =	sadd.s32 $0xFFFFFFFF, s21  }
0x250: {  	s7 =	simm.s32 $0x1280;
	s11 =	simm.s32 $0x1300  }
0x251: {  	s12 =	simm.s32 $0x1380;
	s13 =	simm.s32 $0x1400;
	s16 =	simm.s32 $0x1480  }
0x252: {  	s18 =	simm.s32 $0x1500;
	s19 =	simm.s32 $0x1580;
	s20 =	simm.s32 $0x1600  }
0x253: {  	s25 =	simm.s32 $0x1680;
	s26 =	simm.s32 $0x1700;
	s28 =	simm.s32 $0x1780  }
0x254: {  	s29 =	simm.s32 $0x1800;
	s30 =	simm.s32 $0x1880;
	s31 =	simm.s32 $0x1900  }
.LBB2_2:
0x255: {  	s22 =	rddreg [dreg:$0x3]  }
0x256: {  	s23 =	rddreg [dreg:$0x5];
	s0 =	simm.s32 $0x4  }
0x257: {  	s24 =	rddreg [dreg:$0x4];
	[sflag:s0] =	ssyncset.done $0x0  }
0x258: {  	s4 =	rddreg [dreg:$0x10];
	[sflag:s0] =	ssyncadd.s32 $0xFFFFD800  }
0x259: {  	[tilespmem:s2], [sflag:$0x3] =	stream.linear.gather [hbm4b:s22+s2], $0xC80, $0x38;
	[tilespmem:$0x1D000] =	vst v63  }
0x25a: {  	s1 =	simm.s32 $0x2000;
	s22 =	rddreg [dreg:$0xf]  }
0x25b: {  	[tilespmem:s1], [sflag:$0x3] =	stream.linear.gather [hbm4b:s24+s2], $0xC80, $0x38;
	[tilespmem:$0x1D000] =	vst v63  }
0x25c: {  	[spmem:s4], [sflag:s22] =	dma.local [hbm:s23], $0x2800  }
0x25d: {  	_ =	swait.ge [sflag:s0], $0x2800  }
0x25e: {  	[sflag:s0] =	ssyncset.done $0x0  }
0x25f: {  	[sflag:s0] =	ssyncadd.s32 $0xFFFFD800  }
0x260: {  	[bflag:$0x0] =	sbarrier.arrive $0xFFFF  }
0x261: {  	_ =	swait.ge [sflag:s8], $0xC80  }
0x262: {  	[sflag:s8] =	ssyncset.done $0x0  }
0x263: {  	[sflag:s8] =	ssyncadd.s32 $0xFFFFF380  }
0x264: {  	_ =	swait.ge [sflag:s8], $0xC80  }
0x265: {  	[sflag:s8] =	ssyncset.done $0x0  }
0x266: {  	[sflag:s8] =	ssyncadd.s32 $0xFFFFF380  }
0x267: {  	[tilespmem:s10], [sflag:$0x1] =	stream.indirect.gather [hbm4b:s3+s9], $0x80, s2, s9, $0xb8;
	[tilespmem:$0x1D000] =	vst v63  }
0x268: {  	s5 =	simm.s32 $0x1000;
	s24 =	rddreg [dreg:$0x6]  }
0x269: {  	[tilespmem:s5], [sflag:$0x3] =	stream.linear.gather [hbm4b:s24+s2], $0xC80, $0x38;
	[tilespmem:$0x1D000] =	vst v63  }
0x26a: {  	s0 =	rddreg [dreg:$0x7];
	s24 =	simm.s32 $0x3000  }
0x26b: {  	[tilespmem:s24], [sflag:$0x3] =	stream.linear.gather [hbm4b:s0+s2], $0xC80, $0x38;
	[tilespmem:$0x1D000] =	vst v63  }
0x26c: {  	s1 =	simm.s32 $0x80  }
0x26d: {  	[tilespmem:s14], [sflag:$0x2] =	stream.indirect.gather [hbm4b:s3+s9], $0x80, s1, s9, $0xb8;
	[tilespmem:$0x1D000] =	vst v63  }
0x26e: {  	_ =	swait.ge [sflag:s15], $0x2800  }
0x26f: {  	[sflag:s15] =	ssyncset.done $0x0  }
0x270: {  	s4 =	simm.s32 $0x100;
	[sflag:s15] =	ssyncadd.s32 $0xFFFFD800  }
0x271: {  	[tilespmem:s10], [sflag:$0x1] =	stream.indirect.gather [hbm4b:s3+s9], $0x80, s4, s9, $0xb8;
	[tilespmem:$0x1D000] =	vst v63  }
0x272: {  	_ =	swait.ge [sflag:s17], $0x2800  }
0x273: {  	[sflag:s17] =	ssyncset.done $0x0  }
0x274: {  	s22 =	simm.s32 $0x180;
	[sflag:s17] =	ssyncadd.s32 $0xFFFFD800  }
0x275: {  	[tilespmem:s14], [sflag:$0x2] =	stream.indirect.gather [hbm4b:s3+s9], $0x80, s22, s9, $0xb8;
	[tilespmem:$0x1D000] =	vst v63  }
0x276: {  	_ =	swait.ge [sflag:s15], $0x2800  }
0x277: {  	[sflag:s15] =	ssyncset.done $0x0  }
0x278: {  	s23 =	simm.s32 $0x200;
	[sflag:s15] =	ssyncadd.s32 $0xFFFFD800  }
0x279: {  	[tilespmem:s10], [sflag:$0x1] =	stream.indirect.gather [hbm4b:s3+s9], $0x80, s23, s9, $0xb8;
	[tilespmem:$0x1D000] =	vst v63  }
0x27a: {  	_ =	swait.ge [sflag:s17], $0x2800  }
0x27b: {  	[sflag:s17] =	ssyncset.done $0x0  }
0x27c: {  	s1 =	simm.s32 $0x280;
	[sflag:s17] =	ssyncadd.s32 $0xFFFFD800  }
0x27d: {  	[tilespmem:s14], [sflag:$0x2] =	stream.indirect.gather [hbm4b:s3+s9], $0x80, s1, s9, $0xb8;
	[tilespmem:$0x1D000] =	vst v63  }
0x27e: {  	_ =	swait.ge [sflag:s15], $0x2800  }
0x27f: {  	[sflag:s15] =	ssyncset.done $0x0  }
0x280: {  	s4 =	simm.s32 $0x300;
	[sflag:s15] =	ssyncadd.s32 $0xFFFFD800  }
0x281: {  	[tilespmem:s10], [sflag:$0x1] =	stream.indirect.gather [hbm4b:s3+s9], $0x80, s4, s9, $0xb8;
	[tilespmem:$0x1D000] =	vst v63  }
0x282: {  	_ =	swait.ge [sflag:s17], $0x2800  }
0x283: {  	[sflag:s17] =	ssyncset.done $0x0  }
0x284: {  	s22 =	simm.s32 $0x380;
	[sflag:s17] =	ssyncadd.s32 $0xFFFFD800  }
0x285: {  	[tilespmem:s14], [sflag:$0x2] =	stream.indirect.gather [hbm4b:s3+s9], $0x80, s22, s9, $0xb8;
	[tilespmem:$0x1D000] =	vst v63  }
0x286: {  	_ =	swait.ge [sflag:s15], $0x2800  }
0x287: {  	[sflag:s15] =	ssyncset.done $0x0  }
0x288: {  	s23 =	simm.s32 $0x400;
	[sflag:s15] =	ssyncadd.s32 $0xFFFFD800  }
0x289: {  	[tilespmem:s10], [sflag:$0x1] =	stream.indirect.gather [hbm4b:s3+s9], $0x80, s23, s9, $0xb8;
	[tilespmem:$0x1D000] =	vst v63  }
0x28a: {  	_ =	swait.ge [sflag:s17], $0x2800  }
0x28b: {  	[sflag:s17] =	ssyncset.done $0x0  }
0x28c: {  	s1 =	simm.s32 $0x480;
	[sflag:s17] =	ssyncadd.s32 $0xFFFFD800  }
0x28d: {  	[tilespmem:s14], [sflag:$0x2] =	stream.indirect.gather [hbm4b:s3+s9], $0x80, s1, s9, $0xb8;
	[tilespmem:$0x1D000] =	vst v63  }
0x28e: {  	_ =	swait.ge [sflag:s15], $0x2800  }
0x28f: {  	[sflag:s15] =	ssyncset.done $0x0  }
0x290: {  	s4 =	simm.s32 $0x500;
	[sflag:s15] =	ssyncadd.s32 $0xFFFFD800  }
0x291: {  	[tilespmem:s10], [sflag:$0x1] =	stream.indirect.gather [hbm4b:s3+s9], $0x80, s4, s9, $0xb8;
	[tilespmem:$0x1D000] =	vst v63  }
0x292: {  	_ =	swait.ge [sflag:s17], $0x2800  }
0x293: {  	[sflag:s17] =	ssyncset.done $0x0  }
0x294: {  	s22 =	simm.s32 $0x580;
	[sflag:s17] =	ssyncadd.s32 $0xFFFFD800  }
0x295: {  	[tilespmem:s14], [sflag:$0x2] =	stream.indirect.gather [hbm4b:s3+s9], $0x80, s22, s9, $0xb8;
	[tilespmem:$0x1D000] =	vst v63  }
0x296: {  	_ =	swait.ge [sflag:s15], $0x2800  }
0x297: {  	[sflag:s15] =	ssyncset.done $0x0  }
0x298: {  	s23 =	simm.s32 $0x600;
	[sflag:s15] =	ssyncadd.s32 $0xFFFFD800  }
0x299: {  	[tilespmem:s10], [sflag:$0x1] =	stream.indirect.gather [hbm4b:s3+s9], $0x80, s23, s9, $0xb8;
	[tilespmem:$0x1D000] =	vst v63  }
0x29a: {  	_ =	swait.ge [sflag:s17], $0x2800  }
0x29b: {  	[sflag:s17] =	ssyncset.done $0x0  }
0x29c: {  	s1 =	simm.s32 $0x680;
	[sflag:s17] =	ssyncadd.s32 $0xFFFFD800  }
0x29d: {  	[tilespmem:s14], [sflag:$0x2] =	stream.indirect.gather [hbm4b:s3+s9], $0x80, s1, s9, $0xb8;
	[tilespmem:$0x1D000] =	vst v63  }
0x29e: {  	_ =	swait.ge [sflag:s15], $0x2800  }
0x29f: {  	[sflag:s15] =	ssyncset.done $0x0  }
0x2a0: {  	s4 =	simm.s32 $0x700;
	[sflag:s15] =	ssyncadd.s32 $0xFFFFD800  }
0x2a1: {  	[tilespmem:s10], [sflag:$0x1] =	stream.indirect.gather [hbm4b:s3+s9], $0x80, s4, s9, $0xb8;
	[tilespmem:$0x1D000] =	vst v63  }
0x2a2: {  	_ =	swait.ge [sflag:s17], $0x2800  }
0x2a3: {  	[sflag:s17] =	ssyncset.done $0x0  }
0x2a4: {  	s22 =	simm.s32 $0x780;
	[sflag:s17] =	ssyncadd.s32 $0xFFFFD800  }
0x2a5: {  	[tilespmem:s14], [sflag:$0x2] =	stream.indirect.gather [hbm4b:s3+s9], $0x80, s22, s9, $0xb8;
	[tilespmem:$0x1D000] =	vst v63  }
0x2a6: {  	_ =	swait.ge [sflag:s15], $0x2800  }
0x2a7: {  	[sflag:s15] =	ssyncset.done $0x0  }
0x2a8: {  	s23 =	simm.s32 $0x800;
	[sflag:s15] =	ssyncadd.s32 $0xFFFFD800  }
0x2a9: {  	[tilespmem:s10], [sflag:$0x1] =	stream.indirect.gather [hbm4b:s3+s9], $0x80, s23, s9, $0xb8;
	[tilespmem:$0x1D000] =	vst v63  }
0x2aa: {  	_ =	swait.ge [sflag:s17], $0x2800  }
0x2ab: {  	[sflag:s17] =	ssyncset.done $0x0  }
0x2ac: {  	s1 =	simm.s32 $0x880;
	[sflag:s17] =	ssyncadd.s32 $0xFFFFD800  }
0x2ad: {  	[tilespmem:s14], [sflag:$0x2] =	stream.indirect.gather [hbm4b:s3+s9], $0x80, s1, s9, $0xb8;
	[tilespmem:$0x1D000] =	vst v63  }
0x2ae: {  	_ =	swait.ge [sflag:s15], $0x2800  }
0x2af: {  	[sflag:s15] =	ssyncset.done $0x0  }
0x2b0: {  	s4 =	simm.s32 $0x900;
	[sflag:s15] =	ssyncadd.s32 $0xFFFFD800  }
0x2b1: {  	[tilespmem:s10], [sflag:$0x1] =	stream.indirect.gather [hbm4b:s3+s9], $0x80, s4, s9, $0xb8;
	[tilespmem:$0x1D000] =	vst v63  }
0x2b2: {  	_ =	swait.ge [sflag:s17], $0x2800  }
0x2b3: {  	[sflag:s17] =	ssyncset.done $0x0  }
0x2b4: {  	s22 =	simm.s32 $0x980;
	[sflag:s17] =	ssyncadd.s32 $0xFFFFD800  }
0x2b5: {  	[tilespmem:s14], [sflag:$0x2] =	stream.indirect.gather [hbm4b:s3+s9], $0x80, s22, s9, $0xb8;
	[tilespmem:$0x1D000] =	vst v63  }
0x2b6: {  	_ =	swait.ge [sflag:s15], $0x2800  }
0x2b7: {  	[sflag:s15] =	ssyncset.done $0x0  }
0x2b8: {  	s23 =	simm.s32 $0xA00;
	[sflag:s15] =	ssyncadd.s32 $0xFFFFD800  }
0x2b9: {  	[tilespmem:s10], [sflag:$0x1] =	stream.indirect.gather [hbm4b:s3+s9], $0x80, s23, s9, $0xb8;
	[tilespmem:$0x1D000] =	vst v63  }
0x2ba: {  	_ =	swait.ge [sflag:s17], $0x2800  }
0x2bb: {  	[sflag:s17] =	ssyncset.done $0x0  }
0x2bc: {  	s1 =	simm.s32 $0xA80;
	[sflag:s17] =	ssyncadd.s32 $0xFFFFD800  }
0x2bd: {  	[tilespmem:s14], [sflag:$0x2] =	stream.indirect.gather [hbm4b:s3+s9], $0x80, s1, s9, $0xb8;
	[tilespmem:$0x1D000] =	vst v63  }
0x2be: {  	_ =	swait.ge [sflag:s15], $0x2800  }
0x2bf: {  	[sflag:s15] =	ssyncset.done $0x0  }
0x2c0: {  	s4 =	simm.s32 $0xB00;
	[sflag:s15] =	ssyncadd.s32 $0xFFFFD800  }
0x2c1: {  	[tilespmem:s10], [sflag:$0x1] =	stream.indirect.gather [hbm4b:s3+s9], $0x80, s4, s9, $0xb8;
	[tilespmem:$0x1D000] =	vst v63  }
0x2c2: {  	_ =	swait.ge [sflag:s17], $0x2800  }
0x2c3: {  	[sflag:s17] =	ssyncset.done $0x0  }
0x2c4: {  	s22 =	simm.s32 $0xB80;
	[sflag:s17] =	ssyncadd.s32 $0xFFFFD800  }
0x2c5: {  	[tilespmem:s14], [sflag:$0x2] =	stream.indirect.gather [hbm4b:s3+s9], $0x80, s22, s9, $0xb8;
	[tilespmem:$0x1D000] =	vst v63  }
0x2c6: {  	_ =	swait.ge [sflag:s15], $0x2800  }
0x2c7: {  	[sflag:s15] =	ssyncset.done $0x0  }
0x2c8: {  	s23 =	simm.s32 $0xC00;
	[sflag:s15] =	ssyncadd.s32 $0xFFFFD800  }
0x2c9: {  	[tilespmem:s10], [sflag:$0x1] =	stream.indirect.gather [hbm4b:s3+s9], $0x80, s23, s9, $0xb8;
	[tilespmem:$0x1D000] =	vst v63  }
0x2ca: {  	_ =	swait.ge [sflag:s17], $0x2800  }
0x2cb: {  	[sflag:s17] =	ssyncset.done $0x0  }
0x2cc: {  	[sflag:s17] =	ssyncadd.s32 $0xFFFFD800  }
0x2cd: {  	_ =	swait.ge [sflag:s15], $0x2800  }
0x2ce: {  	[sflag:s15] =	ssyncset.done $0x0  }
0x2cf: {  	[sflag:s15] =	ssyncadd.s32 $0xFFFFD800  }
0x2d0: {  	_ =	swait.ge [sflag:s8], $0xC80  }
0x2d1: {  	[sflag:s8] =	ssyncset.done $0x0  }
0x2d2: {  	[sflag:s8] =	ssyncadd.s32 $0xFFFFF380  }
0x2d3: {  	_ =	swait.ge [sflag:s8], $0xC80  }
0x2d4: {  	[sflag:s8] =	ssyncset.done $0x0  }
0x2d5: {  	[sflag:s8] =	ssyncadd.s32 $0xFFFFF380  }
0x2d6: {  	[tilespmem:s10], [sflag:$0x1] =	stream.indirect.gather [hbm4b:s3+s9], $0x80, s5, s9, $0xb8;
	[tilespmem:$0x1D000] =	vst v63  }
0x2d7: {  	s1 =	rddreg [dreg:$0x8]  }
0x2d8: {  	[tilespmem:s2], [sflag:$0x3] =	stream.linear.gather [hbm4b:s1+s2], $0xC80, $0x38;
	[tilespmem:$0x1D000] =	vst v63  }
0x2d9: {  	s6 =	simm.s32 $0x2000;
	s4 =	rddreg [dreg:$0x9]  }
0x2da: {  	[tilespmem:s6], [sflag:$0x3] =	stream.linear.gather [hbm4b:s4+s2], $0xC80, $0x38;
	[tilespmem:$0x1D000] =	vst v63  }
0x2db: {  	s22 =	simm.s32 $0x1080  }
0x2dc: {  	[tilespmem:s14], [sflag:$0x2] =	stream.indirect.gather [hbm4b:s3+s9], $0x80, s22, s9, $0xb8;
	[tilespmem:$0x1D000] =	vst v63  }
0x2dd: {  	_ =	swait.ge [sflag:s15], $0x2800  }
0x2de: {  	[sflag:s15] =	ssyncset.done $0x0  }
0x2df: {  	s1 =	simm.s32 $0x1100;
	[sflag:s15] =	ssyncadd.s32 $0xFFFFD800  }
0x2e0: {  	[tilespmem:s10], [sflag:$0x1] =	stream.indirect.gather [hbm4b:s3+s9], $0x80, s1, s9, $0xb8;
	[tilespmem:$0x1D000] =	vst v63  }
0x2e1: {  	_ =	swait.ge [sflag:s17], $0x2800  }
0x2e2: {  	[sflag:s17] =	ssyncset.done $0x0  }
0x2e3: {  	s4 =	simm.s32 $0x1180;
	[sflag:s17] =	ssyncadd.s32 $0xFFFFD800  }
0x2e4: {  	[tilespmem:s14], [sflag:$0x2] =	stream.indirect.gather [hbm4b:s3+s9], $0x80, s4, s9, $0xb8;
	[tilespmem:$0x1D000] =	vst v63  }
0x2e5: {  	_ =	swait.ge [sflag:s15], $0x2800  }
0x2e6: {  	[sflag:s15] =	ssyncset.done $0x0  }
0x2e7: {  	s6 =	simm.s32 $0x1200;
	[sflag:s15] =	ssyncadd.s32 $0xFFFFD800  }
0x2e8: {  	[tilespmem:s10], [sflag:$0x1] =	stream.indirect.gather [hbm4b:s3+s9], $0x80, s6, s9, $0xb8;
	[tilespmem:$0x1D000] =	vst v63  }
0x2e9: {  	_ =	swait.ge [sflag:s17], $0x2800  }
0x2ea: {  	[sflag:s17] =	ssyncset.done $0x0  }
0x2eb: {  	[sflag:s17] =	ssyncadd.s32 $0xFFFFD800  }
0x2ec: {  	[tilespmem:s14], [sflag:$0x2] =	stream.indirect.gather [hbm4b:s3+s9], $0x80, s7, s9, $0xb8;
	[tilespmem:$0x1D000] =	vst v63  }
0x2ed: {  	_ =	swait.ge [sflag:s15], $0x2800  }
0x2ee: {  	[sflag:s15] =	ssyncset.done $0x0  }
0x2ef: {  	[sflag:s15] =	ssyncadd.s32 $0xFFFFD800  }
0x2f0: {  	[tilespmem:s10], [sflag:$0x1] =	stream.indirect.gather [hbm4b:s3+s9], $0x80, s11, s9, $0xb8;
	[tilespmem:$0x1D000] =	vst v63  }
0x2f1: {  	_ =	swait.ge [sflag:s17], $0x2800  }
0x2f2: {  	[sflag:s17] =	ssyncset.done $0x0  }
0x2f3: {  	[sflag:s17] =	ssyncadd.s32 $0xFFFFD800  }
0x2f4: {  	[tilespmem:s14], [sflag:$0x2] =	stream.indirect.gather [hbm4b:s3+s9], $0x80, s12, s9, $0xb8;
	[tilespmem:$0x1D000] =	vst v63  }
0x2f5: {  	_ =	swait.ge [sflag:s15], $0x2800  }
0x2f6: {  	[sflag:s15] =	ssyncset.done $0x0  }
0x2f7: {  	[sflag:s15] =	ssyncadd.s32 $0xFFFFD800  }
0x2f8: {  	[tilespmem:s10], [sflag:$0x1] =	stream.indirect.gather [hbm4b:s3+s9], $0x80, s13, s9, $0xb8;
	[tilespmem:$0x1D000] =	vst v63  }
0x2f9: {  	_ =	swait.ge [sflag:s17], $0x2800  }
0x2fa: {  	[sflag:s17] =	ssyncset.done $0x0  }
0x2fb: {  	[sflag:s17] =	ssyncadd.s32 $0xFFFFD800  }
0x2fc: {  	[tilespmem:s14], [sflag:$0x2] =	stream.indirect.gather [hbm4b:s3+s9], $0x80, s16, s9, $0xb8;
	[tilespmem:$0x1D000] =	vst v63  }
0x2fd: {  	_ =	swait.ge [sflag:s15], $0x2800  }
0x2fe: {  	[sflag:s15] =	ssyncset.done $0x0  }
0x2ff: {  	[sflag:s15] =	ssyncadd.s32 $0xFFFFD800  }
0x300: {  	[tilespmem:s10], [sflag:$0x1] =	stream.indirect.gather [hbm4b:s3+s9], $0x80, s18, s9, $0xb8;
	[tilespmem:$0x1D000] =	vst v63  }
0x301: {  	_ =	swait.ge [sflag:s17], $0x2800  }
0x302: {  	[sflag:s17] =	ssyncset.done $0x0  }
0x303: {  	[sflag:s17] =	ssyncadd.s32 $0xFFFFD800  }
0x304: {  	[tilespmem:s14], [sflag:$0x2] =	stream.indirect.gather [hbm4b:s3+s9], $0x80, s19, s9, $0xb8;
	[tilespmem:$0x1D000] =	vst v63  }
0x305: {  	_ =	swait.ge [sflag:s15], $0x2800  }
0x306: {  	[sflag:s15] =	ssyncset.done $0x0  }
0x307: {  	[sflag:s15] =	ssyncadd.s32 $0xFFFFD800  }
0x308: {  	[tilespmem:s10], [sflag:$0x1] =	stream.indirect.gather [hbm4b:s3+s9], $0x80, s20, s9, $0xb8;
	[tilespmem:$0x1D000] =	vst v63  }
0x309: {  	_ =	swait.ge [sflag:s17], $0x2800  }
0x30a: {  	[sflag:s17] =	ssyncset.done $0x0  }
0x30b: {  	[sflag:s17] =	ssyncadd.s32 $0xFFFFD800  }
0x30c: {  	[tilespmem:s14], [sflag:$0x2] =	stream.indirect.gather [hbm4b:s3+s9], $0x80, s25, s9, $0xb8;
	[tilespmem:$0x1D000] =	vst v63  }
0x30d: {  	_ =	swait.ge [sflag:s15], $0x2800  }
0x30e: {  	[sflag:s15] =	ssyncset.done $0x0  }
0x30f: {  	[sflag:s15] =	ssyncadd.s32 $0xFFFFD800  }
0x310: {  	[tilespmem:s10], [sflag:$0x1] =	stream.indirect.gather [hbm4b:s3+s9], $0x80, s26, s9, $0xb8;
	[tilespmem:$0x1D000] =	vst v63  }
0x311: {  	_ =	swait.ge [sflag:s17], $0x2800  }
0x312: {  	[sflag:s17] =	ssyncset.done $0x0  }
0x313: {  	[sflag:s17] =	ssyncadd.s32 $0xFFFFD800  }
0x314: {  	[tilespmem:s14], [sflag:$0x2] =	stream.indirect.gather [hbm4b:s3+s9], $0x80, s28, s9, $0xb8;
	[tilespmem:$0x1D000] =	vst v63  }
0x315: {  	_ =	swait.ge [sflag:s15], $0x2800  }
0x316: {  	[sflag:s15] =	ssyncset.done $0x0  }
0x317: {  	[sflag:s15] =	ssyncadd.s32 $0xFFFFD800  }
0x318: {  	[tilespmem:s10], [sflag:$0x1] =	stream.indirect.gather [hbm4b:s3+s9], $0x80, s29, s9, $0xb8;
	[tilespmem:$0x1D000] =	vst v63  }
0x319: {  	_ =	swait.ge [sflag:s17], $0x2800  }
0x31a: {  	[sflag:s17] =	ssyncset.done $0x0  }
0x31b: {  	[sflag:s17] =	ssyncadd.s32 $0xFFFFD800  }
0x31c: {  	[tilespmem:s14], [sflag:$0x2] =	stream.indirect.gather [hbm4b:s3+s9], $0x80, s30, s9, $0xb8;
	[tilespmem:$0x1D000] =	vst v63  }
0x31d: {  	_ =	swait.ge [sflag:s15], $0x2800  }
0x31e: {  	[sflag:s15] =	ssyncset.done $0x0  }
0x31f: {  	[sflag:s15] =	ssyncadd.s32 $0xFFFFD800  }
0x320: {  	[tilespmem:s10], [sflag:$0x1] =	stream.indirect.gather [hbm4b:s3+s9], $0x80, s31, s9, $0xb8;
	[tilespmem:$0x1D000] =	vst v63  }
0x321: {  	_ =	swait.ge [sflag:s17], $0x2800  }
0x322: {  	[sflag:s17] =	ssyncset.done $0x0  }
0x323: {  	s23 =	simm.s32 $0x1980;
	[sflag:s17] =	ssyncadd.s32 $0xFFFFD800  }
0x324: {  	[tilespmem:s14], [sflag:$0x2] =	stream.indirect.gather [hbm4b:s3+s9], $0x80, s23, s9, $0xb8;
	[tilespmem:$0x1D000] =	vst v63  }
0x325: {  	_ =	swait.ge [sflag:s15], $0x2800  }
0x326: {  	[sflag:s15] =	ssyncset.done $0x0  }
0x327: {  	s22 =	simm.s32 $0x1A00;
	[sflag:s15] =	ssyncadd.s32 $0xFFFFD800  }
0x328: {  	[tilespmem:s10], [sflag:$0x1] =	stream.indirect.gather [hbm4b:s3+s9], $0x80, s22, s9, $0xb8;
	[tilespmem:$0x1D000] =	vst v63  }
0x329: {  	_ =	swait.ge [sflag:s17], $0x2800  }
0x32a: {  	[sflag:s17] =	ssyncset.done $0x0  }
0x32b: {  	s23 =	simm.s32 $0x1A80;
	[sflag:s17] =	ssyncadd.s32 $0xFFFFD800  }
0x32c: {  	[tilespmem:s14], [sflag:$0x2] =	stream.indirect.gather [hbm4b:s3+s9], $0x80, s23, s9, $0xb8;
	[tilespmem:$0x1D000] =	vst v63  }
0x32d: {  	_ =	swait.ge [sflag:s15], $0x2800  }
0x32e: {  	[sflag:s15] =	ssyncset.done $0x0  }
0x32f: {  	s22 =	simm.s32 $0x1B00;
	[sflag:s15] =	ssyncadd.s32 $0xFFFFD800  }
0x330: {  	[tilespmem:s10], [sflag:$0x1] =	stream.indirect.gather [hbm4b:s3+s9], $0x80, s22, s9, $0xb8;
	[tilespmem:$0x1D000] =	vst v63  }
0x331: {  	_ =	swait.ge [sflag:s17], $0x2800  }
0x332: {  	[sflag:s17] =	ssyncset.done $0x0  }
0x333: {  	s23 =	simm.s32 $0x1B80;
	[sflag:s17] =	ssyncadd.s32 $0xFFFFD800  }
0x334: {  	[tilespmem:s14], [sflag:$0x2] =	stream.indirect.gather [hbm4b:s3+s9], $0x80, s23, s9, $0xb8;
	[tilespmem:$0x1D000] =	vst v63  }
0x335: {  	_ =	swait.ge [sflag:s15], $0x2800  }
0x336: {  	[sflag:s15] =	ssyncset.done $0x0  }
0x337: {  	s22 =	simm.s32 $0x1C00;
	[sflag:s15] =	ssyncadd.s32 $0xFFFFD800  }
0x338: {  	[tilespmem:s10], [sflag:$0x1] =	stream.indirect.gather [hbm4b:s3+s9], $0x80, s22, s9, $0xb8;
	[tilespmem:$0x1D000] =	vst v63  }
0x339: {  	_ =	swait.ge [sflag:s17], $0x2800  }
0x33a: {  	[sflag:s17] =	ssyncset.done $0x0  }
0x33b: {  	[sflag:s17] =	ssyncadd.s32 $0xFFFFD800  }
0x33c: {  	_ =	swait.ge [sflag:s15], $0x2800  }
0x33d: {  	[sflag:s15] =	ssyncset.done $0x0  }
0x33e: {  	[sflag:s15] =	ssyncadd.s32 $0xFFFFD800  }
0x33f: {  	_ =	swait.ge [sflag:s8], $0xC80  }
0x340: {  	[sflag:s8] =	ssyncset.done $0x0  }
0x341: {  	[sflag:s8] =	ssyncadd.s32 $0xFFFFF380  }
0x342: {  	_ =	swait.ge [sflag:s8], $0xC80  }
0x343: {  	[sflag:s8] =	ssyncset.done $0x0  }
0x344: {  	[sflag:s8] =	ssyncadd.s32 $0xFFFFF380  }
0x345: {  	[tilespmem:s10], [sflag:$0x1] =	stream.indirect.gather [hbm4b:s3+s9], $0x80, s2, s9, $0xb8;
	[tilespmem:$0x1D000] =	vst v63  }
0x346: {  	s23 =	rddreg [dreg:$0xa]  }
0x347: {  	[tilespmem:s5], [sflag:$0x3] =	stream.linear.gather [hbm4b:s23+s2], $0xC80, $0x38;
	[tilespmem:$0x1D000] =	vst v63  }
0x348: {  	s0 =	rddreg [dreg:$0xb]  }
0x349: {  	[tilespmem:s24], [sflag:$0x3] =	stream.linear.gather [hbm4b:s0+s2], $0xC80, $0x38;
	[tilespmem:$0x1D000] =	vst v63  }
0x34a: {  	s24 =	simm.s32 $0x80  }
0x34b: {  	[tilespmem:s14], [sflag:$0x2] =	stream.indirect.gather [hbm4b:s3+s9], $0x80, s24, s9, $0xb8;
	[tilespmem:$0x1D000] =	vst v63  }
0x34c: {  	_ =	swait.ge [sflag:s15], $0x2800  }
0x34d: {  	[sflag:s15] =	ssyncset.done $0x0  }
0x34e: {  	s0 =	simm.s32 $0x100;
	[sflag:s15] =	ssyncadd.s32 $0xFFFFD800  }
0x34f: {  	[tilespmem:s10], [sflag:$0x1] =	stream.indirect.gather [hbm4b:s3+s9], $0x80, s0, s9, $0xb8;
	[tilespmem:$0x1D000] =	vst v63  }
0x350: {  	_ =	swait.ge [sflag:s17], $0x2800  }
0x351: {  	[sflag:s17] =	ssyncset.done $0x0  }
0x352: {  	s23 =	simm.s32 $0x180;
	[sflag:s17] =	ssyncadd.s32 $0xFFFFD800  }
0x353: {  	[tilespmem:s14], [sflag:$0x2] =	stream.indirect.gather [hbm4b:s3+s9], $0x80, s23, s9, $0xb8;
	[tilespmem:$0x1D000] =	vst v63  }
0x354: {  	_ =	swait.ge [sflag:s15], $0x2800  }
0x355: {  	[sflag:s15] =	ssyncset.done $0x0  }
0x356: {  	s23 =	simm.s32 $0x200;
	[sflag:s15] =	ssyncadd.s32 $0xFFFFD800  }
0x357: {  	[tilespmem:s10], [sflag:$0x1] =	stream.indirect.gather [hbm4b:s3+s9], $0x80, s23, s9, $0xb8;
	[tilespmem:$0x1D000] =	vst v63  }
0x358: {  	_ =	swait.ge [sflag:s17], $0x2800  }
0x359: {  	[sflag:s17] =	ssyncset.done $0x0  }
0x35a: {  	s23 =	simm.s32 $0x280;
	[sflag:s17] =	ssyncadd.s32 $0xFFFFD800  }
0x35b: {  	[tilespmem:s14], [sflag:$0x2] =	stream.indirect.gather [hbm4b:s3+s9], $0x80, s23, s9, $0xb8;
	[tilespmem:$0x1D000] =	vst v63  }
0x35c: {  	_ =	swait.ge [sflag:s15], $0x2800  }
0x35d: {  	[sflag:s15] =	ssyncset.done $0x0  }
0x35e: {  	s23 =	simm.s32 $0x300;
	[sflag:s15] =	ssyncadd.s32 $0xFFFFD800  }
0x35f: {  	[tilespmem:s10], [sflag:$0x1] =	stream.indirect.gather [hbm4b:s3+s9], $0x80, s23, s9, $0xb8;
	[tilespmem:$0x1D000] =	vst v63  }
0x360: {  	_ =	swait.ge [sflag:s17], $0x2800  }
0x361: {  	[sflag:s17] =	ssyncset.done $0x0  }
0x362: {  	s23 =	simm.s32 $0x380;
	[sflag:s17] =	ssyncadd.s32 $0xFFFFD800  }
0x363: {  	[tilespmem:s14], [sflag:$0x2] =	stream.indirect.gather [hbm4b:s3+s9], $0x80, s23, s9, $0xb8;
	[tilespmem:$0x1D000] =	vst v63  }
0x364: {  	_ =	swait.ge [sflag:s15], $0x2800  }
0x365: {  	[sflag:s15] =	ssyncset.done $0x0  }
0x366: {  	s23 =	simm.s32 $0x400;
	[sflag:s15] =	ssyncadd.s32 $0xFFFFD800  }
0x367: {  	[tilespmem:s10], [sflag:$0x1] =	stream.indirect.gather [hbm4b:s3+s9], $0x80, s23, s9, $0xb8;
	[tilespmem:$0x1D000] =	vst v63  }
0x368: {  	_ =	swait.ge [sflag:s17], $0x2800  }
0x369: {  	[sflag:s17] =	ssyncset.done $0x0  }
0x36a: {  	s23 =	simm.s32 $0x480;
	[sflag:s17] =	ssyncadd.s32 $0xFFFFD800  }
0x36b: {  	[tilespmem:s14], [sflag:$0x2] =	stream.indirect.gather [hbm4b:s3+s9], $0x80, s23, s9, $0xb8;
	[tilespmem:$0x1D000] =	vst v63  }
0x36c: {  	_ =	swait.ge [sflag:s15], $0x2800  }
0x36d: {  	[sflag:s15] =	ssyncset.done $0x0  }
0x36e: {  	s23 =	simm.s32 $0x500;
	[sflag:s15] =	ssyncadd.s32 $0xFFFFD800  }
0x36f: {  	[tilespmem:s10], [sflag:$0x1] =	stream.indirect.gather [hbm4b:s3+s9], $0x80, s23, s9, $0xb8;
	[tilespmem:$0x1D000] =	vst v63  }
0x370: {  	_ =	swait.ge [sflag:s17], $0x2800  }
0x371: {  	[sflag:s17] =	ssyncset.done $0x0  }
0x372: {  	s23 =	simm.s32 $0x580;
	[sflag:s17] =	ssyncadd.s32 $0xFFFFD800  }
0x373: {  	[tilespmem:s14], [sflag:$0x2] =	stream.indirect.gather [hbm4b:s3+s9], $0x80, s23, s9, $0xb8;
	[tilespmem:$0x1D000] =	vst v63  }
0x374: {  	_ =	swait.ge [sflag:s15], $0x2800  }
0x375: {  	[sflag:s15] =	ssyncset.done $0x0  }
0x376: {  	s23 =	simm.s32 $0x600;
	[sflag:s15] =	ssyncadd.s32 $0xFFFFD800  }
0x377: {  	[tilespmem:s10], [sflag:$0x1] =	stream.indirect.gather [hbm4b:s3+s9], $0x80, s23, s9, $0xb8;
	[tilespmem:$0x1D000] =	vst v63  }
0x378: {  	_ =	swait.ge [sflag:s17], $0x2800  }
0x379: {  	[sflag:s17] =	ssyncset.done $0x0  }
0x37a: {  	s23 =	simm.s32 $0x680;
	[sflag:s17] =	ssyncadd.s32 $0xFFFFD800  }
0x37b: {  	[tilespmem:s14], [sflag:$0x2] =	stream.indirect.gather [hbm4b:s3+s9], $0x80, s23, s9, $0xb8;
	[tilespmem:$0x1D000] =	vst v63  }
0x37c: {  	_ =	swait.ge [sflag:s15], $0x2800  }
0x37d: {  	[sflag:s15] =	ssyncset.done $0x0  }
0x37e: {  	s23 =	simm.s32 $0x700;
	[sflag:s15] =	ssyncadd.s32 $0xFFFFD800  }
0x37f: {  	[tilespmem:s10], [sflag:$0x1] =	stream.indirect.gather [hbm4b:s3+s9], $0x80, s23, s9, $0xb8;
	[tilespmem:$0x1D000] =	vst v63  }
0x380: {  	_ =	swait.ge [sflag:s17], $0x2800  }
0x381: {  	[sflag:s17] =	ssyncset.done $0x0  }
0x382: {  	s23 =	simm.s32 $0x780;
	[sflag:s17] =	ssyncadd.s32 $0xFFFFD800  }
0x383: {  	[tilespmem:s14], [sflag:$0x2] =	stream.indirect.gather [hbm4b:s3+s9], $0x80, s23, s9, $0xb8;
	[tilespmem:$0x1D000] =	vst v63  }
0x384: {  	_ =	swait.ge [sflag:s15], $0x2800  }
0x385: {  	[sflag:s15] =	ssyncset.done $0x0  }
0x386: {  	s23 =	simm.s32 $0x800;
	[sflag:s15] =	ssyncadd.s32 $0xFFFFD800  }
0x387: {  	[tilespmem:s10], [sflag:$0x1] =	stream.indirect.gather [hbm4b:s3+s9], $0x80, s23, s9, $0xb8;
	[tilespmem:$0x1D000] =	vst v63  }
0x388: {  	_ =	swait.ge [sflag:s17], $0x2800  }
0x389: {  	[sflag:s17] =	ssyncset.done $0x0  }
0x38a: {  	s23 =	simm.s32 $0x880;
	[sflag:s17] =	ssyncadd.s32 $0xFFFFD800  }
0x38b: {  	[tilespmem:s14], [sflag:$0x2] =	stream.indirect.gather [hbm4b:s3+s9], $0x80, s23, s9, $0xb8;
	[tilespmem:$0x1D000] =	vst v63  }
0x38c: {  	_ =	swait.ge [sflag:s15], $0x2800  }
0x38d: {  	[sflag:s15] =	ssyncset.done $0x0  }
0x38e: {  	s23 =	simm.s32 $0x900;
	[sflag:s15] =	ssyncadd.s32 $0xFFFFD800  }
0x38f: {  	[tilespmem:s10], [sflag:$0x1] =	stream.indirect.gather [hbm4b:s3+s9], $0x80, s23, s9, $0xb8;
	[tilespmem:$0x1D000] =	vst v63  }
0x390: {  	_ =	swait.ge [sflag:s17], $0x2800  }
0x391: {  	[sflag:s17] =	ssyncset.done $0x0  }
0x392: {  	s23 =	simm.s32 $0x980;
	[sflag:s17] =	ssyncadd.s32 $0xFFFFD800  }
0x393: {  	[tilespmem:s14], [sflag:$0x2] =	stream.indirect.gather [hbm4b:s3+s9], $0x80, s23, s9, $0xb8;
	[tilespmem:$0x1D000] =	vst v63  }
0x394: {  	_ =	swait.ge [sflag:s15], $0x2800  }
0x395: {  	[sflag:s15] =	ssyncset.done $0x0  }
0x396: {  	s23 =	simm.s32 $0xA00;
	[sflag:s15] =	ssyncadd.s32 $0xFFFFD800  }
0x397: {  	[tilespmem:s10], [sflag:$0x1] =	stream.indirect.gather [hbm4b:s3+s9], $0x80, s23, s9, $0xb8;
	[tilespmem:$0x1D000] =	vst v63  }
0x398: {  	_ =	swait.ge [sflag:s17], $0x2800  }
0x399: {  	[sflag:s17] =	ssyncset.done $0x0  }
0x39a: {  	s23 =	simm.s32 $0xA80;
	[sflag:s17] =	ssyncadd.s32 $0xFFFFD800  }
0x39b: {  	[tilespmem:s14], [sflag:$0x2] =	stream.indirect.gather [hbm4b:s3+s9], $0x80, s23, s9, $0xb8;
	[tilespmem:$0x1D000] =	vst v63  }
0x39c: {  	_ =	swait.ge [sflag:s15], $0x2800  }
0x39d: {  	[sflag:s15] =	ssyncset.done $0x0  }
0x39e: {  	s23 =	simm.s32 $0xB00;
	[sflag:s15] =	ssyncadd.s32 $0xFFFFD800  }
0x39f: {  	[tilespmem:s10], [sflag:$0x1] =	stream.indirect.gather [hbm4b:s3+s9], $0x80, s23, s9, $0xb8;
	[tilespmem:$0x1D000] =	vst v63  }
0x3a0: {  	_ =	swait.ge [sflag:s17], $0x2800  }
0x3a1: {  	[sflag:s17] =	ssyncset.done $0x0  }
0x3a2: {  	s23 =	simm.s32 $0xB80;
	[sflag:s17] =	ssyncadd.s32 $0xFFFFD800  }
0x3a3: {  	[tilespmem:s14], [sflag:$0x2] =	stream.indirect.gather [hbm4b:s3+s9], $0x80, s23, s9, $0xb8;
	[tilespmem:$0x1D000] =	vst v63  }
0x3a4: {  	_ =	swait.ge [sflag:s15], $0x2800  }
0x3a5: {  	[sflag:s15] =	ssyncset.done $0x0  }
0x3a6: {  	s23 =	simm.s32 $0xC00;
	[sflag:s15] =	ssyncadd.s32 $0xFFFFD800  }
0x3a7: {  	[tilespmem:s10], [sflag:$0x1] =	stream.indirect.gather [hbm4b:s3+s9], $0x80, s23, s9, $0xb8;
	[tilespmem:$0x1D000] =	vst v63  }
0x3a8: {  	_ =	swait.ge [sflag:s17], $0x2800  }
0x3a9: {  	[sflag:s17] =	ssyncset.done $0x0  }
0x3aa: {  	[sflag:s17] =	ssyncadd.s32 $0xFFFFD800  }
0x3ab: {  	_ =	swait.ge [sflag:s15], $0x2800  }
0x3ac: {  	[sflag:s15] =	ssyncset.done $0x0  }
0x3ad: {  	[sflag:s15] =	ssyncadd.s32 $0xFFFFD800  }
0x3ae: {  	_ =	swait.ge [sflag:s8], $0xC80  }
0x3af: {  	[sflag:s8] =	ssyncset.done $0x0  }
0x3b0: {  	[sflag:s8] =	ssyncadd.s32 $0xFFFFF380  }
0x3b1: {  	_ =	swait.ge [sflag:s8], $0xC80  }
0x3b2: {  	[sflag:s8] =	ssyncset.done $0x0  }
0x3b3: {  	[sflag:s8] =	ssyncadd.s32 $0xFFFFF380  }
0x3b4: {  	[tilespmem:s10], [sflag:$0x1] =	stream.indirect.gather [hbm4b:s3+s9], $0x80, s5, s9, $0xb8;
	[tilespmem:$0x1D000] =	vst v63  }
0x3b5: {  	s23 =	rddreg [dreg:$0xc]  }
0x3b6: {  	[tilespmem:s2], [sflag:$0x3] =	stream.linear.gather [hbm4b:s23+s2], $0xC80, $0x38;
	[tilespmem:$0x1D000] =	vst v63  }
0x3b7: {  	s22 =	simm.s32 $0x2000;
	s5 =	rddreg [dreg:$0xd]  }
0x3b8: {  	[tilespmem:s22], [sflag:$0x3] =	stream.linear.gather [hbm4b:s5+s2], $0xC80, $0x38;
	[tilespmem:$0x1D000] =	vst v63  }
0x3b9: {  	s22 =	simm.s32 $0x1080  }
0x3ba: {  	[tilespmem:s14], [sflag:$0x2] =	stream.indirect.gather [hbm4b:s3+s9], $0x80, s22, s9, $0xb8;
	[tilespmem:$0x1D000] =	vst v63  }
0x3bb: {  	_ =	swait.ge [sflag:s15], $0x2800  }
0x3bc: {  	[sflag:s15] =	ssyncset.done $0x0  }
0x3bd: {  	[sflag:s15] =	ssyncadd.s32 $0xFFFFD800  }
0x3be: {  	[tilespmem:s10], [sflag:$0x1] =	stream.indirect.gather [hbm4b:s3+s9], $0x80, s1, s9, $0xb8;
	[tilespmem:$0x1D000] =	vst v63  }
0x3bf: {  	_ =	swait.ge [sflag:s17], $0x2800  }
0x3c0: {  	[sflag:s17] =	ssyncset.done $0x0  }
0x3c1: {  	[sflag:s17] =	ssyncadd.s32 $0xFFFFD800  }
0x3c2: {  	[tilespmem:s14], [sflag:$0x2] =	stream.indirect.gather [hbm4b:s3+s9], $0x80, s4, s9, $0xb8;
	[tilespmem:$0x1D000] =	vst v63  }
0x3c3: {  	_ =	swait.ge [sflag:s15], $0x2800  }
0x3c4: {  	[sflag:s15] =	ssyncset.done $0x0  }
0x3c5: {  	[sflag:s15] =	ssyncadd.s32 $0xFFFFD800  }
0x3c6: {  	[tilespmem:s10], [sflag:$0x1] =	stream.indirect.gather [hbm4b:s3+s9], $0x80, s6, s9, $0xb8;
	[tilespmem:$0x1D000] =	vst v63  }
0x3c7: {  	_ =	swait.ge [sflag:s17], $0x2800  }
0x3c8: {  	[sflag:s17] =	ssyncset.done $0x0  }
0x3c9: {  	[sflag:s17] =	ssyncadd.s32 $0xFFFFD800  }
0x3ca: {  	[tilespmem:s14], [sflag:$0x2] =	stream.indirect.gather [hbm4b:s3+s9], $0x80, s7, s9, $0xb8;
	[tilespmem:$0x1D000] =	vst v63  }
0x3cb: {  	_ =	swait.ge [sflag:s15], $0x2800  }
0x3cc: {  	[sflag:s15] =	ssyncset.done $0x0  }
0x3cd: {  	[sflag:s15] =	ssyncadd.s32 $0xFFFFD800  }
0x3ce: {  	[tilespmem:s10], [sflag:$0x1] =	stream.indirect.gather [hbm4b:s3+s9], $0x80, s11, s9, $0xb8;
	[tilespmem:$0x1D000] =	vst v63  }
0x3cf: {  	_ =	swait.ge [sflag:s17], $0x2800  }
0x3d0: {  	[sflag:s17] =	ssyncset.done $0x0  }
0x3d1: {  	[sflag:s17] =	ssyncadd.s32 $0xFFFFD800  }
0x3d2: {  	[tilespmem:s14], [sflag:$0x2] =	stream.indirect.gather [hbm4b:s3+s9], $0x80, s12, s9, $0xb8;
	[tilespmem:$0x1D000] =	vst v63  }
0x3d3: {  	_ =	swait.ge [sflag:s15], $0x2800  }
0x3d4: {  	[sflag:s15] =	ssyncset.done $0x0  }
0x3d5: {  	[sflag:s15] =	ssyncadd.s32 $0xFFFFD800  }
0x3d6: {  	[tilespmem:s10], [sflag:$0x1] =	stream.indirect.gather [hbm4b:s3+s9], $0x80, s13, s9, $0xb8;
	[tilespmem:$0x1D000] =	vst v63  }
0x3d7: {  	_ =	swait.ge [sflag:s17], $0x2800  }
0x3d8: {  	[sflag:s17] =	ssyncset.done $0x0  }
0x3d9: {  	[sflag:s17] =	ssyncadd.s32 $0xFFFFD800  }
0x3da: {  	[tilespmem:s14], [sflag:$0x2] =	stream.indirect.gather [hbm4b:s3+s9], $0x80, s16, s9, $0xb8;
	[tilespmem:$0x1D000] =	vst v63  }
0x3db: {  	_ =	swait.ge [sflag:s15], $0x2800  }
0x3dc: {  	[sflag:s15] =	ssyncset.done $0x0  }
0x3dd: {  	[sflag:s15] =	ssyncadd.s32 $0xFFFFD800  }
0x3de: {  	[tilespmem:s10], [sflag:$0x1] =	stream.indirect.gather [hbm4b:s3+s9], $0x80, s18, s9, $0xb8;
	[tilespmem:$0x1D000] =	vst v63  }
0x3df: {  	_ =	swait.ge [sflag:s17], $0x2800  }
0x3e0: {  	[sflag:s17] =	ssyncset.done $0x0  }
0x3e1: {  	[sflag:s17] =	ssyncadd.s32 $0xFFFFD800  }
0x3e2: {  	[tilespmem:s14], [sflag:$0x2] =	stream.indirect.gather [hbm4b:s3+s9], $0x80, s19, s9, $0xb8;
	[tilespmem:$0x1D000] =	vst v63  }
0x3e3: {  	_ =	swait.ge [sflag:s15], $0x2800  }
0x3e4: {  	[sflag:s15] =	ssyncset.done $0x0  }
0x3e5: {  	[sflag:s15] =	ssyncadd.s32 $0xFFFFD800  }
0x3e6: {  	[tilespmem:s10], [sflag:$0x1] =	stream.indirect.gather [hbm4b:s3+s9], $0x80, s20, s9, $0xb8;
	[tilespmem:$0x1D000] =	vst v63  }
0x3e7: {  	_ =	swait.ge [sflag:s17], $0x2800  }
0x3e8: {  	[sflag:s17] =	ssyncset.done $0x0  }
0x3e9: {  	[sflag:s17] =	ssyncadd.s32 $0xFFFFD800  }
0x3ea: {  	[tilespmem:s14], [sflag:$0x2] =	stream.indirect.gather [hbm4b:s3+s9], $0x80, s25, s9, $0xb8;
	[tilespmem:$0x1D000] =	vst v63  }
0x3eb: {  	_ =	swait.ge [sflag:s15], $0x2800  }
0x3ec: {  	[sflag:s15] =	ssyncset.done $0x0  }
0x3ed: {  	[sflag:s15] =	ssyncadd.s32 $0xFFFFD800  }
0x3ee: {  	[tilespmem:s10], [sflag:$0x1] =	stream.indirect.gather [hbm4b:s3+s9], $0x80, s26, s9, $0xb8;
	[tilespmem:$0x1D000] =	vst v63  }
0x3ef: {  	_ =	swait.ge [sflag:s17], $0x2800  }
0x3f0: {  	[sflag:s17] =	ssyncset.done $0x0  }
0x3f1: {  	[sflag:s17] =	ssyncadd.s32 $0xFFFFD800  }
0x3f2: {  	[tilespmem:s14], [sflag:$0x2] =	stream.indirect.gather [hbm4b:s3+s9], $0x80, s28, s9, $0xb8;
	[tilespmem:$0x1D000] =	vst v63  }
0x3f3: {  	_ =	swait.ge [sflag:s15], $0x2800  }
0x3f4: {  	[sflag:s15] =	ssyncset.done $0x0  }
0x3f5: {  	[sflag:s15] =	ssyncadd.s32 $0xFFFFD800  }
0x3f6: {  	[tilespmem:s10], [sflag:$0x1] =	stream.indirect.gather [hbm4b:s3+s9], $0x80, s29, s9, $0xb8;
	[tilespmem:$0x1D000] =	vst v63  }
0x3f7: {  	_ =	swait.ge [sflag:s17], $0x2800  }
0x3f8: {  	[sflag:s17] =	ssyncset.done $0x0  }
0x3f9: {  	[sflag:s17] =	ssyncadd.s32 $0xFFFFD800  }
0x3fa: {  	[tilespmem:s14], [sflag:$0x2] =	stream.indirect.gather [hbm4b:s3+s9], $0x80, s30, s9, $0xb8;
	[tilespmem:$0x1D000] =	vst v63  }
0x3fb: {  	_ =	swait.ge [sflag:s15], $0x2800  }
0x3fc: {  	[sflag:s15] =	ssyncset.done $0x0  }
0x3fd: {  	[sflag:s15] =	ssyncadd.s32 $0xFFFFD800  }
0x3fe: {  	[tilespmem:s10], [sflag:$0x1] =	stream.indirect.gather [hbm4b:s3+s9], $0x80, s31, s9, $0xb8;
	[tilespmem:$0x1D000] =	vst v63  }
0x3ff: {  	_ =	swait.ge [sflag:s17], $0x2800  }
0x400: {  	[sflag:s17] =	ssyncset.done $0x0  }
0x401: {  	s23 =	simm.s32 $0x1980;
	[sflag:s17] =	ssyncadd.s32 $0xFFFFD800  }
0x402: {  	[tilespmem:s14], [sflag:$0x2] =	stream.indirect.gather [hbm4b:s3+s9], $0x80, s23, s9, $0xb8;
	[tilespmem:$0x1D000] =	vst v63  }
0x403: {  	_ =	swait.ge [sflag:s15], $0x2800  }
0x404: {  	[sflag:s15] =	ssyncset.done $0x0  }
0x405: {  	s4 =	simm.s32 $0x1A00;
	[sflag:s15] =	ssyncadd.s32 $0xFFFFD800  }
0x406: {  	[tilespmem:s10], [sflag:$0x1] =	stream.indirect.gather [hbm4b:s3+s9], $0x80, s4, s9, $0xb8;
	[tilespmem:$0x1D000] =	vst v63  }
0x407: {  	_ =	swait.ge [sflag:s17], $0x2800  }
0x408: {  	[sflag:s17] =	ssyncset.done $0x0  }
0x409: {  	s5 =	simm.s32 $0x1A80;
	[sflag:s17] =	ssyncadd.s32 $0xFFFFD800  }
0x40a: {  	[tilespmem:s14], [sflag:$0x2] =	stream.indirect.gather [hbm4b:s3+s9], $0x80, s5, s9, $0xb8;
	[tilespmem:$0x1D000] =	vst v63  }
0x40b: {  	_ =	swait.ge [sflag:s15], $0x2800  }
0x40c: {  	[sflag:s15] =	ssyncset.done $0x0  }
0x40d: {  	s6 =	simm.s32 $0x1B00;
	[sflag:s15] =	ssyncadd.s32 $0xFFFFD800  }
0x40e: {  	[tilespmem:s10], [sflag:$0x1] =	stream.indirect.gather [hbm4b:s3+s9], $0x80, s6, s9, $0xb8;
	[tilespmem:$0x1D000] =	vst v63  }
0x40f: {  	_ =	swait.ge [sflag:s17], $0x2800  }
0x410: {  	[sflag:s17] =	ssyncset.done $0x0  }
0x411: {  	s22 =	simm.s32 $0x1B80;
	[sflag:s17] =	ssyncadd.s32 $0xFFFFD800  }
0x412: {  	[tilespmem:s14], [sflag:$0x2] =	stream.indirect.gather [hbm4b:s3+s9], $0x80, s22, s9, $0xb8;
	[tilespmem:$0x1D000] =	vst v63  }
0x413: {  	_ =	swait.ge [sflag:s15], $0x2800  }
0x414: {  	[sflag:s15] =	ssyncset.done $0x0  }
0x415: {  	s23 =	simm.s32 $0x1C00;
	[sflag:s15] =	ssyncadd.s32 $0xFFFFD800  }
0x416: {  	[tilespmem:s10], [sflag:$0x1] =	stream.indirect.gather [hbm4b:s3+s9], $0x80, s23, s9, $0xb8;
	[tilespmem:$0x1D000] =	vst v63  }
0x417: {  	_ =	swait.ge [sflag:s17], $0x2800  }
0x418: {  	[sflag:s17] =	ssyncset.done $0x0  }
0x419: {  	[sflag:s17] =	ssyncadd.s32 $0xFFFFD800  }
0x41a: {  	_ =	swait.ge [sflag:s15], $0x2800  }
0x41b: {  	[sflag:s15] =	ssyncset.done $0x0  }
0x41c: {  	[sflag:s15] =	ssyncadd.s32 $0xFFFFD800  }
0x41d: {  	_ =	swait.ge [sflag:s8], $0xC80  }
0x41e: {  	[sflag:s8] =	ssyncset.done $0x0  }
0x41f: {  	[sflag:s8] =	ssyncadd.s32 $0xFFFFF380  }
0x420: {  	_ =	swait.ge [sflag:s8], $0xC80  }
0x421: {  	[sflag:s8] =	ssyncset.done $0x0  }
0x422: {  	[sflag:s8] =	ssyncadd.s32 $0xFFFFF380  }
0x423: {  	[tilespmem:s10], [sflag:$0x1] =	stream.indirect.gather [hbm4b:s3+s9], $0x80, s2, s9, $0xb8;
	[tilespmem:$0x1D000] =	vst v63  }
0x424: {  	_ = 	snop  }
0x425: {  	[tilespmem:s14], [sflag:$0x2] =	stream.indirect.gather [hbm4b:s3+s9], $0x80, s24, s9, $0xb8;
	[tilespmem:$0x1D000] =	vst v63  }
0x426: {  	_ =	swait.ge [sflag:s15], $0x2800  }
0x427: {  	[sflag:s15] =	ssyncset.done $0x0  }
0x428: {  	[sflag:s15] =	ssyncadd.s32 $0xFFFFD800  }
0x429: {  	[tilespmem:s10], [sflag:$0x1] =	stream.indirect.gather [hbm4b:s3+s9], $0x80, s0, s9, $0xb8;
	[tilespmem:$0x1D000] =	vst v63  }
0x42a: {  	_ =	swait.ge [sflag:s17], $0x2800  }
0x42b: {  	[sflag:s17] =	ssyncset.done $0x0  }
0x42c: {  	s4 =	simm.s32 $0x180;
	[sflag:s17] =	ssyncadd.s32 $0xFFFFD800  }
0x42d: {  	[tilespmem:s14], [sflag:$0x2] =	stream.indirect.gather [hbm4b:s3+s9], $0x80, s4, s9, $0xb8;
	[tilespmem:$0x1D000] =	vst v63  }
0x42e: {  	_ =	swait.ge [sflag:s15], $0x2800  }
0x42f: {  	[sflag:s15] =	ssyncset.done $0x0  }
0x430: {  	s5 =	simm.s32 $0x200;
	[sflag:s15] =	ssyncadd.s32 $0xFFFFD800  }
0x431: {  	[tilespmem:s10], [sflag:$0x1] =	stream.indirect.gather [hbm4b:s3+s9], $0x80, s5, s9, $0xb8;
	[tilespmem:$0x1D000] =	vst v63  }
0x432: {  	_ =	swait.ge [sflag:s17], $0x2800  }
0x433: {  	[sflag:s17] =	ssyncset.done $0x0  }
0x434: {  	s6 =	simm.s32 $0x280;
	[sflag:s17] =	ssyncadd.s32 $0xFFFFD800  }
0x435: {  	[tilespmem:s14], [sflag:$0x2] =	stream.indirect.gather [hbm4b:s3+s9], $0x80, s6, s9, $0xb8;
	[tilespmem:$0x1D000] =	vst v63  }
0x436: {  	_ =	swait.ge [sflag:s15], $0x2800  }
0x437: {  	[sflag:s15] =	ssyncset.done $0x0  }
0x438: {  	s22 =	simm.s32 $0x300;
	[sflag:s15] =	ssyncadd.s32 $0xFFFFD800  }
0x439: {  	[tilespmem:s10], [sflag:$0x1] =	stream.indirect.gather [hbm4b:s3+s9], $0x80, s22, s9, $0xb8;
	[tilespmem:$0x1D000] =	vst v63  }
0x43a: {  	_ =	swait.ge [sflag:s17], $0x2800  }
0x43b: {  	[sflag:s17] =	ssyncset.done $0x0  }
0x43c: {  	s23 =	simm.s32 $0x380;
	[sflag:s17] =	ssyncadd.s32 $0xFFFFD800  }
0x43d: {  	[tilespmem:s14], [sflag:$0x2] =	stream.indirect.gather [hbm4b:s3+s9], $0x80, s23, s9, $0xb8;
	[tilespmem:$0x1D000] =	vst v63  }
0x43e: {  	_ =	swait.ge [sflag:s15], $0x2800  }
0x43f: {  	[sflag:s15] =	ssyncset.done $0x0  }
0x440: {  	s24 =	simm.s32 $0x400;
	[sflag:s15] =	ssyncadd.s32 $0xFFFFD800  }
0x441: {  	[tilespmem:s10], [sflag:$0x1] =	stream.indirect.gather [hbm4b:s3+s9], $0x80, s24, s9, $0xb8;
	[tilespmem:$0x1D000] =	vst v63  }
0x442: {  	_ =	swait.ge [sflag:s17], $0x2800  }
0x443: {  	[sflag:s17] =	ssyncset.done $0x0  }
0x444: {  	s1 =	simm.s32 $0x480;
	[sflag:s17] =	ssyncadd.s32 $0xFFFFD800  }
0x445: {  	[tilespmem:s14], [sflag:$0x2] =	stream.indirect.gather [hbm4b:s3+s9], $0x80, s1, s9, $0xb8;
	[tilespmem:$0x1D000] =	vst v63  }
0x446: {  	_ =	swait.ge [sflag:s15], $0x2800  }
0x447: {  	[sflag:s15] =	ssyncset.done $0x0  }
0x448: {  	s4 =	simm.s32 $0x500;
	[sflag:s15] =	ssyncadd.s32 $0xFFFFD800  }
0x449: {  	[tilespmem:s10], [sflag:$0x1] =	stream.indirect.gather [hbm4b:s3+s9], $0x80, s4, s9, $0xb8;
	[tilespmem:$0x1D000] =	vst v63  }
0x44a: {  	_ =	swait.ge [sflag:s17], $0x2800  }
0x44b: {  	[sflag:s17] =	ssyncset.done $0x0  }
0x44c: {  	s5 =	simm.s32 $0x580;
	[sflag:s17] =	ssyncadd.s32 $0xFFFFD800  }
0x44d: {  	[tilespmem:s14], [sflag:$0x2] =	stream.indirect.gather [hbm4b:s3+s9], $0x80, s5, s9, $0xb8;
	[tilespmem:$0x1D000] =	vst v63  }
0x44e: {  	_ =	swait.ge [sflag:s15], $0x2800  }
0x44f: {  	[sflag:s15] =	ssyncset.done $0x0  }
0x450: {  	s6 =	simm.s32 $0x600;
	[sflag:s15] =	ssyncadd.s32 $0xFFFFD800  }
0x451: {  	[tilespmem:s10], [sflag:$0x1] =	stream.indirect.gather [hbm4b:s3+s9], $0x80, s6, s9, $0xb8;
	[tilespmem:$0x1D000] =	vst v63  }
0x452: {  	_ =	swait.ge [sflag:s17], $0x2800  }
0x453: {  	[sflag:s17] =	ssyncset.done $0x0  }
0x454: {  	s22 =	simm.s32 $0x680;
	[sflag:s17] =	ssyncadd.s32 $0xFFFFD800  }
0x455: {  	[tilespmem:s14], [sflag:$0x2] =	stream.indirect.gather [hbm4b:s3+s9], $0x80, s22, s9, $0xb8;
	[tilespmem:$0x1D000] =	vst v63  }
0x456: {  	_ =	swait.ge [sflag:s15], $0x2800  }
0x457: {  	[sflag:s15] =	ssyncset.done $0x0  }
0x458: {  	s23 =	simm.s32 $0x700;
	[sflag:s15] =	ssyncadd.s32 $0xFFFFD800  }
0x459: {  	[tilespmem:s10], [sflag:$0x1] =	stream.indirect.gather [hbm4b:s3+s9], $0x80, s23, s9, $0xb8;
	[tilespmem:$0x1D000] =	vst v63  }
0x45a: {  	_ =	swait.ge [sflag:s17], $0x2800  }
0x45b: {  	[sflag:s17] =	ssyncset.done $0x0  }
0x45c: {  	s24 =	simm.s32 $0x780;
	[sflag:s17] =	ssyncadd.s32 $0xFFFFD800  }
0x45d: {  	[tilespmem:s14], [sflag:$0x2] =	stream.indirect.gather [hbm4b:s3+s9], $0x80, s24, s9, $0xb8;
	[tilespmem:$0x1D000] =	vst v63  }
0x45e: {  	_ =	swait.ge [sflag:s15], $0x2800  }
0x45f: {  	[sflag:s15] =	ssyncset.done $0x0  }
0x460: {  	s1 =	simm.s32 $0x800;
	[sflag:s15] =	ssyncadd.s32 $0xFFFFD800  }
0x461: {  	[tilespmem:s10], [sflag:$0x1] =	stream.indirect.gather [hbm4b:s3+s9], $0x80, s1, s9, $0xb8;
	[tilespmem:$0x1D000] =	vst v63  }
0x462: {  	_ =	swait.ge [sflag:s17], $0x2800  }
0x463: {  	[sflag:s17] =	ssyncset.done $0x0  }
0x464: {  	s4 =	simm.s32 $0x880;
	[sflag:s17] =	ssyncadd.s32 $0xFFFFD800  }
0x465: {  	[tilespmem:s14], [sflag:$0x2] =	stream.indirect.gather [hbm4b:s3+s9], $0x80, s4, s9, $0xb8;
	[tilespmem:$0x1D000] =	vst v63  }
0x466: {  	_ =	swait.ge [sflag:s15], $0x2800  }
0x467: {  	[sflag:s15] =	ssyncset.done $0x0  }
0x468: {  	s5 =	simm.s32 $0x900;
	[sflag:s15] =	ssyncadd.s32 $0xFFFFD800  }
0x469: {  	[tilespmem:s10], [sflag:$0x1] =	stream.indirect.gather [hbm4b:s3+s9], $0x80, s5, s9, $0xb8;
	[tilespmem:$0x1D000] =	vst v63  }
0x46a: {  	_ =	swait.ge [sflag:s17], $0x2800  }
0x46b: {  	[sflag:s17] =	ssyncset.done $0x0  }
0x46c: {  	s6 =	simm.s32 $0x980;
	[sflag:s17] =	ssyncadd.s32 $0xFFFFD800  }
0x46d: {  	[tilespmem:s14], [sflag:$0x2] =	stream.indirect.gather [hbm4b:s3+s9], $0x80, s6, s9, $0xb8;
	[tilespmem:$0x1D000] =	vst v63  }
0x46e: {  	_ =	swait.ge [sflag:s15], $0x2800  }
0x46f: {  	[sflag:s15] =	ssyncset.done $0x0  }
0x470: {  	s22 =	simm.s32 $0xA00;
	[sflag:s15] =	ssyncadd.s32 $0xFFFFD800  }
0x471: {  	[tilespmem:s10], [sflag:$0x1] =	stream.indirect.gather [hbm4b:s3+s9], $0x80, s22, s9, $0xb8;
	[tilespmem:$0x1D000] =	vst v63  }
0x472: {  	_ =	swait.ge [sflag:s17], $0x2800  }
0x473: {  	[sflag:s17] =	ssyncset.done $0x0  }
0x474: {  	s23 =	simm.s32 $0xA80;
	[sflag:s17] =	ssyncadd.s32 $0xFFFFD800  }
0x475: {  	[tilespmem:s14], [sflag:$0x2] =	stream.indirect.gather [hbm4b:s3+s9], $0x80, s23, s9, $0xb8;
	[tilespmem:$0x1D000] =	vst v63  }
0x476: {  	_ =	swait.ge [sflag:s15], $0x2800  }
0x477: {  	[sflag:s15] =	ssyncset.done $0x0  }
0x478: {  	s24 =	simm.s32 $0xB00;
	[sflag:s15] =	ssyncadd.s32 $0xFFFFD800  }
0x479: {  	[tilespmem:s10], [sflag:$0x1] =	stream.indirect.gather [hbm4b:s3+s9], $0x80, s24, s9, $0xb8;
	[tilespmem:$0x1D000] =	vst v63  }
0x47a: {  	_ =	swait.ge [sflag:s17], $0x2800  }
0x47b: {  	[sflag:s17] =	ssyncset.done $0x0  }
0x47c: {  	s1 =	simm.s32 $0xB80;
	[sflag:s17] =	ssyncadd.s32 $0xFFFFD800  }
0x47d: {  	[tilespmem:s14], [sflag:$0x2] =	stream.indirect.gather [hbm4b:s3+s9], $0x80, s1, s9, $0xb8;
	[tilespmem:$0x1D000] =	vst v63  }
0x47e: {  	_ =	swait.ge [sflag:s15], $0x2800  }
0x47f: {  	[sflag:s15] =	ssyncset.done $0x0  }
0x480: {  	s4 =	simm.s32 $0xC00;
	[sflag:s15] =	ssyncadd.s32 $0xFFFFD800  }
0x481: {  	[tilespmem:s10], [sflag:$0x1] =	stream.indirect.gather [hbm4b:s3+s9], $0x80, s4, s9, $0xb8;
	[tilespmem:$0x1D000] =	vst v63  }
0x482: {  	_ =	swait.ge [sflag:s17], $0x2800  }
0x483: {  	[sflag:s17] =	ssyncset.done $0x0  }
0x484: {  	[sflag:s17] =	ssyncadd.s32 $0xFFFFD800  }
0x485: {  	_ =	swait.ge [sflag:s15], $0x2800  }
0x486: {  	[sflag:s15] =	ssyncset.done $0x0  }
0x487: {  	[sflag:s15] =	ssyncadd.s32 $0xFFFFD800  }
0x488: {  	p0 =	sne.s32 s21, $0x1;
	[bflag:$0x0] =	sbarrier.arrive $0xFFFF  }
.Ltmp1:
0x489: {  	s5 =	rddreg [dreg:$0xe];
	(pc) =	sbr.rel @p0 .LBB2_2-.Ltmp1, $4  }
0x48a: {  	s6 =	rddreg [dreg:$0x10]  }
0x48b: {  	s24 =	simm.s32 $0x4;
	s23 =	rddreg [dreg:$0xf]  }
0x48c: {  	[hbm:s5], [sflag:s23] =	dma.local [spmem:s6], $0x2800  }
0x48d: {  	s21 =	sadd.s32 $0xFFFFFFFF, s21;
	_ =	swait.ge [sflag:s24], $0x2800  }
.LBB2_3:
0x48e: {  	s0 =	simm.s32 $0x4  }
0x48f: {  	[sflag:s0] =	ssyncset.done $0x0  }
0x490: {  	[sflag:s0] =	ssyncadd.s32 $0xFFFFD800  }
0x491: {  	_ =	sfence.sel $0x180000  }
0x492: {  	[bflag:$0x0] =	sbarrier.arrive $0xFFFF  }
0x493: {  	_ =	strace $0x9000004A  }
0x494: {  	s31 =	stileid.u32;
	[bflag:$0x2] =	sbarrier.arrive $0xFFFF  }
0x495: {  	p0 =	sne.s32 s31, $0x0;
	s0 =	rddreg [dreg:$0x2]  }
0x496: {  	s0 =	sadd.s32 @!p0 $0x100000, s0  }
0x497: {  	[sflag:s0] =	ssyncadd.tile.s32 @!p0 $0x1;
	_ =	shalt  }
.Lfunc_end2:
_tile_overlayer_lowered:
.L_overlay_start_2:
0x498: {  	(tag) =	ssettag $0x2  }
0x499: {  	s0 =	rddreg [dreg:$0x0];
	s2 =	stileid.u32  }
0x49a: {  	s1 =	rddreg [dreg:$0x1];
	p0 =	sne.s32 s2, $0x0  }
0x49b: {  	s3 =	rddreg [dreg:$0x2];
	[bflag:$0x3] =	sbarrier.arrive $0xFFFF;
	s2 =	simm.s32 @!p0 $0x1C04  }
0x49c: {  	[timem:s3], [sflag:s2] =	dma.local @!p0 [hbm:s0], s1  }
0x49d: {  	s0 =	simm.s32 @!p0 $0x4  }
0x49e: {  	_ =	swait.ge @!p0 [sflag:s0], s1  }
0x49f: {  	s1 =	ssub.s32 @!p0 $0x0, s1;
	[sflag:s0] =	ssyncset.done @!p0 $0x0  }
0x4a0: {  	[sflag:s0] =	ssyncadd.s32 @!p0 s1  }
0x4a1: {  	[bflag:$0x3] =	sbarrier.arrive $0xFFFF  }
0x4a2: {  	_ =	shalt  }

// kernel: kernel.14.cloned.1.call-start
scs
__scs_entry_jumppad:
0x0: {  	(pc) =	sbr.rel $0x88, $3  }
0x1: {  	(tag) =	ssettag $0x0;
	lr =	simm.s32 $0x1  }
0x2: {  	[smem:$0x3F96] =	sst lr;
	_ =	strace $0xD0000000  }
0x3: {  	_ = 	snop  }
0x4: {  	_ = 	snop  }
0x5: {  	_ = 	snop  }
0x6: {  	_ = 	snop  }
0x7: {  	_ = 	snop  }
__scs_overlays_trampoline_lowered:
0x8: {  	[smem:$0x3FA5] =	sst s0  }
0x9: {  	[smem:$0x3FA6] =	sst s1  }
0xa: {  	[smem:$0x3FA7] =	sst s2  }
0xb: {  	[smem:$0x3FA8] =	sst s3  }
0xc: {  	[smem:$0x3FA9] =	sst s4  }
0xd: {  	[smem:$0x3FAA] =	sst s5  }
0xe: {  	[smem:$0x3FAB] =	sst s6  }
0xf: {  	[smem:$0x3FAC] =	sst s7  }
0x10: {  	[smem:$0x3FAD] =	sst s8  }
0x11: {  	[smem:$0x3FAE] =	sst s9;
	s0 =	simm.s32 @!p0 $0x0  }
0x12: {  	s1 =	sld [smem:$0x3F94];
	s0 =	simm.s32 @p0 $0x1  }
0x13: {  	[smem:$0x3FAF] =	sst s0;
	s0 =	simm.s32 @!p1 $0x0  }
0x14: {  	s2 =	sld [smem:$0x3F93];
	s0 =	simm.s32 @p1 $0x1  }
0x15: {  	[smem:$0x3FB0] =	sst s0;
	s0 =	simm.s32 @!p2 $0x0  }
0x16: {  	s3 =	sld [smem:$0x3FDB];
	s0 =	simm.s32 @p2 $0x1  }
0x17: {  	s4 =	simm.s32 $0x1BF5;
	[smem:$0x3FB2] =	sst s0  }
0x18: {  	s0 =	sld [smem:$0x3F95];
	_ =	swait.ge [sflag:s4], $0x0  }
0x19: {  	s7 =	sld [smem:$0x3F96]  }
0x1a: {  	s8 =	sadd.s32 $0xFFFFE003, lr  }
0x1b: {  	s9 =	sadd.s32 $0xFFFFFEF7, lr;
	s5 =	simm.s32 $0xFFFFFFFF;
	p2 =	slt.u32 s8, $0xFFFFF086  }
0x1c: {  	p1 =	slt.u32 s9, $0xF7A;
	s5 =	simm.s32 @!p2 $0x0  }
0x1d: {  	s5 =	simm.s32 @p1 $0x1;
	p0 =	seq.s32 s7, s2  }
0x1e: {  	s7 =	smul.u32 @!p0 $0xF7A, s2;
	p2 =	seq.s32 @!p0 s5, $0x0  }
0x1f: {  	s9 =	smul.u32 $0xF7A, s1;
	s8 =	simm.s32 @!p0 $0x1BF5;
	p2 =	por !p2, p0  }
0x20: {  	[sflag:s8] =	ssyncset.s32 @!p0 $0xFFFFF086;
	s6 =	sadd.s32 @!p0 s3, s7;
	s7 =	simm.s32 @!p0 $0x108  }
0x21: {  	s3 =	sadd.s32 s3, s9;
	s6 =	sadd.s32 @!p0 $0x88, s6;
	s7 =	simm.s32 @p2 $0x1082  }
0x22: {  	[simem:s7], [sflag:s8] =	dma.local @!p0 [hbm:s6], $0xF7A  }
0x23: {  	s9 =	sor.u32 $0xD0000000, s2;
	s6 =	simm.s32 $0x108;
	_ =	swait.ge @!p0 [sflag:s8], $0x0  }
0x24: {  	s3 =	sadd.s32 $0x88, s3;
	s6 =	simm.s32 @!p1 $0x1082;
	[sflag:s4] =	ssyncset.s32 $0xFFFFF086  }
0x25: {  	[simem:s6], [sflag:s4] =	dma.local [hbm:s3], $0xF7A  }
0x26: {  	[smem:$0x3F96] =	sst s1;
	(tag) =	ssettag s2;
	_ =	strace s9  }
0x27: {  	s1 =	sld [smem:$0x3FA6]  }
0x28: {  	s2 =	sld [smem:$0x3FA7]  }
0x29: {  	s4 =	sld [smem:$0x3FA9]  }
0x2a: {  	p0 =	seq.s32 s5, $0x0;
	s5 =	sld [smem:$0x3FAA]  }
0x2b: {  	s6 =	sld [smem:$0x3FAB]  }
0x2c: {  	s7 =	sld [smem:$0x3FAC]  }
0x2d: {  	s3 =	simm.s32 $0x108;
	s8 =	sld [smem:$0x3FAD]  }
0x2e: {  	s3 =	simm.s32 @!p0 $0x1082;
	s9 =	sld [smem:$0x3FAE]  }
0x2f: {  	lr =	sadd.s32 s0, s3;
	s0 =	sld [smem:$0x3FA5]  }
0x30: {  	s3 =	sld [smem:$0x3FA8]  }
0x31: {  	[smem:$0x3FB1] =	sst s10  }
0x32: {  	s10 =	sld [smem:$0x3FAF];
	_ =	sdelay $0x3  }
0x33: {  	p0 =	seq.s32 s10, $0x1;
	s10 =	sld [smem:$0x3FB1];
	_ =	sdelay $0x3  }
0x34: {  	[smem:$0x3FB1] =	sst s10  }
0x35: {  	s10 =	sld [smem:$0x3FB0];
	_ =	sdelay $0x3  }
0x36: {  	p1 =	seq.s32 s10, $0x1;
	s10 =	sld [smem:$0x3FB1];
	_ =	sdelay $0x3  }
0x37: {  	[smem:$0x3FB1] =	sst s10  }
0x38: {  	s10 =	sld [smem:$0x3FB2]  }
0x39: {  	_ = 	snop;
	(pc) =	sbr.ind lr, $3  }
0x3a: {  	_ = 	snop  }
0x3b: {  	_ = 	snop  }
0x3c: {  	p2 =	seq.s32 s10, $0x1;
	s10 =	sld [smem:$0x3FB1]  }
0x3d: {  	_ =	shalt  }
0x3e: {  	_ =	shalt  }
0x3f: {  	_ =	shalt  }
0x40: {  	_ =	shalt  }
0x41: {  	_ =	shalt  }
0x42: {  	_ =	shalt  }
0x43: {  	_ =	shalt  }
0x44: {  	_ =	shalt  }
0x45: {  	_ =	shalt  }
0x46: {  	_ =	shalt  }
0x47: {  	_ =	shalt  }
0x48: {  	_ =	shalt  }
0x49: {  	_ =	shalt  }
0x4a: {  	_ =	shalt  }
0x4b: {  	_ =	shalt  }
0x4c: {  	_ =	shalt  }
0x4d: {  	_ =	shalt  }
0x4e: {  	_ =	shalt  }
0x4f: {  	_ =	shalt  }
0x50: {  	_ =	shalt  }
0x51: {  	_ =	shalt  }
0x52: {  	_ =	shalt  }
0x53: {  	_ =	shalt  }
0x54: {  	_ =	shalt  }
0x55: {  	_ =	shalt  }
0x56: {  	_ =	shalt  }
0x57: {  	_ =	shalt  }
0x58: {  	_ =	shalt  }
0x59: {  	_ =	shalt  }
0x5a: {  	_ =	shalt  }
0x5b: {  	_ =	shalt  }
0x5c: {  	_ =	shalt  }
0x5d: {  	_ =	shalt  }
0x5e: {  	_ =	shalt  }
0x5f: {  	_ =	shalt  }
0x60: {  	_ =	shalt  }
0x61: {  	_ =	shalt  }
0x62: {  	_ =	shalt  }
0x63: {  	_ =	shalt  }
0x64: {  	_ =	shalt  }
0x65: {  	_ =	shalt  }
0x66: {  	_ =	shalt  }
0x67: {  	_ =	shalt  }
0x68: {  	_ =	shalt  }
0x69: {  	_ =	shalt  }
0x6a: {  	_ =	shalt  }
0x6b: {  	_ =	shalt  }
0x6c: {  	_ =	shalt  }
0x6d: {  	_ =	shalt  }
0x6e: {  	_ =	shalt  }
0x6f: {  	_ =	shalt  }
0x70: {  	_ =	shalt  }
0x71: {  	_ =	shalt  }
0x72: {  	_ =	shalt  }
0x73: {  	_ =	shalt  }
0x74: {  	_ =	shalt  }
0x75: {  	_ =	shalt  }
0x76: {  	_ =	shalt  }
0x77: {  	_ =	shalt  }
0x78: {  	_ =	shalt  }
0x79: {  	_ =	shalt  }
0x7a: {  	_ =	shalt  }
0x7b: {  	_ =	shalt  }
0x7c: {  	_ =	shalt  }
0x7d: {  	_ =	shalt  }
0x7e: {  	_ =	shalt  }
0x7f: {  	_ =	shalt  }
0x80: {  	_ =	shalt  }
0x81: {  	_ =	shalt  }
0x82: {  	_ =	shalt  }
0x83: {  	_ =	shalt  }
0x84: {  	_ =	shalt  }
0x85: {  	_ =	shalt  }
0x86: {  	_ =	shalt  }
0x87: {  	_ =	shalt  }
.Lfunc_end0:
.L_simem_size_0:
called_computation.2_lowered:
.L_overlay_start_0:
0x88: {  	s2 =	sld [smem:$0x3FD9]  }
0x89: {  	s3 =	sld [smem:$0x3FFE];
	_ =	sdelay $0x1  }
0x8a: {  	s1 =	srdreg.scid  }
0x8b: {  	s0 =	sand.u32 $0x1, s1  }
0x8c: {  	s16 =	sshll.u32 s0, $0xA;
	s2 =	sadd.s32 s3, s2  }
0x8d: {  	s2 =	sadd.s32 s2, s16  }
0x8e: {  	[smem:$0x3FBD] =	sst s2  }
0x8f: {  	_ = 	snop  }
0x90: {  	(tm) =	ssettm $0x1  }
0x91: {  	s17 =	sld [smem:$0x3FFB];
	_ =	sdelay $0x3  }
0x92: {  	_ =	strace s17  }
0x93: {  	s2 =	sld [smem:$0x3FFC];
	_ =	sdelay $0x3  }
0x94: {  	_ =	strace s2  }
0x95: {  	s2 =	sld [smem:$0x3FFD];
	_ =	sdelay $0x3  }
0x96: {  	_ =	strace s2  }
0x97: {  	_ =	strace $0x8FFFFFFF  }
0x98: {  	s18 =	sld [smem:$0x3FDB];
	_ =	sdelay $0x1  }
0x99: {  	s19 =	simm.s32 $_scs_section_size  }
0x9a: {  	s4 =	simm.s32 $_size__tile_overlayer_lowered;
	s5 =	simm.s32 $_tile_overlayer_lowered  }
0x9b: {  	s22 =	simm.s32 $0x1BFF;
	s21 =	sshll.u32 s5, $0x1;
	s2 =	sadd.s32 s19, s18  }
0x9c: {  	s6 =	simm.s32 $0x0;
	s20 =	sshll.u32 s4, $0x1;
	s4 =	sadd.s32 s21, s2  }
0x9d: {  	[timem:s6], [sflag:s22] =	dma.local [hbm:s4], s20  }
0x9e: {  	_ =	swait.ge [sflag:s22], s20  }
0x9f: {  	s3 =	ssub.s32 $0x0, s20;
	[sflag:s22] =	ssyncset.done $0x0  }
0xa0: {  	[sflag:s22] =	ssyncadd.s32 s3;
	_ =	sdelay $0x1  }
0xa1: {  	s23 =	simm.s32 $0x1B8B  }
0xa2: {  	_ =	swait.ge [sflag:s23], $0x1  }
0xa3: {  	[sflag:s23] =	ssyncset.done $0x0  }
0xa4: {  	s25 =	simm.s32 $0x1B8E;
	s24 =	sld [smem:$0x3FFE];
	[sflag:s23] =	ssyncadd.s32 $0xFFFFFFFF  }
0xa5: {  	s26 =	simm.s32 $execute0_lowered;
	[smem:$0x3FD2] =	sst s25  }
0xa6: {  	s4 =	sshll.u32 s26, $0x1;
	_ =	strace $0x8000004C;
	[dreg:$0x1] =	wrdreg $0xFFFFFFFF  }
0xa7: {  	s28 =	simm.s32 $_size_execute0_lowered;
	s2 =	sadd.s32 s2, s4;
	[dreg:$0x0] =	wrdreg $0x0  }
0xa8: {  	s4 =	sshll.u32 s28, $0x1;
	[dreg:$0x2] =	wrdreg s2  }
0xa9: {  	[dreg:$0x3] =	wrdreg s4  }
0xaa: {  	[dreg:$0x4] =	wrdreg $0xC0  }
0xab: {  	_ =	task [dreg:s6], $0x5FFFF  }
0xac: {  	[dreg:$0x1] =	wrdreg $0xFFFFFFFF  }
0xad: {  	[dreg:$0x0] =	wrdreg $0x60  }
0xae: {  	[dreg:$0x2] =	wrdreg s24  }
0xaf: {  	[dreg:$0x3] =	wrdreg $0x196400  }
0xb0: {  	[dreg:$0x4] =	wrdreg $0x9  }
0xb1: {  	_ =	task.clear_ibuf [dreg:s6], $0x5FFFF;
	_ =	strace $0x9000004C  }
0xb2: {  	s29 =	simm.s32 $0x9;
	_ =	strace $0x8000004E  }
0xb3: {  	_ =	swait.ge [sflag:s29], $0x1  }
0xb4: {  	[sflag:s29] =	ssyncadd.s32 $0xFFFFFFFF  }
0xb5: {  	_ =	strace $0x9000004E  }
0xb6: {  	_ =	sfence  }
0xb7: {  	s30 =	sld [smem:$0x0];
	_ =	sdelay $0x2  }
0xb8: {  	s31 =	sshll.u32 s1, $0xD;
	s1 =	sshrl.u32 s1, $0x2  }
0xb9: {  	s3 =	sand.u32 $0x4000, s31;
	s1 =	sadd.s32 s1, s30  }
0xba: {  	s0 =	sor.u32 s3, s0;
	s1 =	sshll.u32 s1, $0x11  }
0xbb: {  	s0 =	sor.u32 s1, s0  }
0xbc: {  	s0 =	sadd.s32 $0x8F2B, s0  }
0xbd: {  	[sflag:s0] =	ssyncadd.remote.s32 $0x1  }
0xbe: {  	_ =	sfence.sel $0xFFFF  }
0xbf: {  	[dreg:$0x0] =	wrdreg $0xFFFFFFFF;
	(pc) =	sbr.abs _section_cstart, $3  }
0xc0: {  	[dreg:$0x1] =	wrdreg $0xFFFFFFFF  }
0xc1: {  	_ =	task.clear_ibuf [dreg:s6], $0x2FFFF;
	_ =	strace $0x9FFFFFFF  }
0xc2: {  	(tm) =	ssettm $0x7FFFFFFF  }
0xc3: {  	_ =	shalt  }
tec
execute0_lowered:
.L_overlay_start_1:
0x0: {  	(tag) =	ssettag $0x1  }
0x1: {  	s1 =	srdreg.scid  }
0x2: {  	s0 =	stileid.u32;
	s20 =	rddreg [dreg:$0x0]  }
0x3: {  	s6 =	rddreg [dreg:$0x1];
	s21 =	sand.u32 $0x1, s1;
	s30 =	sshll.u32 s0, $0x1  }
0x4: {  	s2 =	simm.s32 $0x0;
	s22 =	smul.u32 $0x2800, s0;
	s1 =	sor.u32 s21, s30  }
0x5: {  	[smem:$0x7FF] =	sst s2;
	s3 =	smul.u32 $0x2710, s1  }
0x6: {  	s8 =	sshll.u32 s0, $0x6;
	s1 =	rddreg [dreg:$0x2];
	_ =	strace $0x8000004D  }
0x7: {  	s7 =	sshrl.u32 s22, $0x3;
	s9 =	sadd.s32 s22, s6;
	s3 =	sshrl.u32 s3, $0x3  }
0x8: {  	s10 =	sshrl.u32 s9, $0x3;
	s9 =	simm.s32 $0x4;
	s5 =	sadd.s32 s3, s20  }
0x9: {  	s3 =	sadd.s32 $0x16600, s20;
	s4 =	sadd.s32 $0x2C00, s5;
	s5 =	sadd.s32 $0xC840, s5  }
0xa: {  	[tilespmem:s2], [sflag:$0x3] =	stream.linear.gather [hbm4b:s4+s2], $0x2710, $0x38;
	[tilespmem:$0x1BE40] =	vst v63  }
0xb: {  	s6 =	sadd.s32 s3, s7;
	s7 =	sor.u32 $0x1C04, s8;
	s8 =	simm.s32 $0x4E20  }
0xc: {  	[tilespmem:s8], [sflag:$0x3] =	stream.linear.gather [hbm4b:s5+s2], $0x2710, $0x38;
	[tilespmem:$0x1BE40] =	vst v63  }
0xd: {  	[spmem:s10], [sflag:s7] =	dma.local [hbm:s6], $0x500  }
0xe: {  	_ =	swait.ge [sflag:s9], $0x500  }
0xf: {  	[sflag:s9] =	ssyncset.done $0x0  }
0x10: {  	[sflag:s9] =	ssyncadd.s32 $0xFFFFFB00  }
0x11: {  	s11 =	simm.s32 $0x3;
	[bflag:$0x0] =	sbarrier.arrive $0xFFFF  }
0x12: {  	_ =	swait.ge [sflag:s11], $0x2710  }
0x13: {  	[sflag:s11] =	ssyncset.done $0x0  }
0x14: {  	[sflag:s11] =	ssyncadd.s32 $0xFFFFD8F0  }
0x15: {  	_ =	swait.ge [sflag:s11], $0x2710  }
0x16: {  	[sflag:s11] =	ssyncset.done $0x0  }
0x17: {  	s12 =	simm.s32 $0x7D0;
	s13 =	simm.s32 $0x9C40;
	[sflag:s11] =	ssyncadd.s32 $0xFFFFD8F0  }
0x18: {  	[tilespmem:s13], [sflag:$0x1] =	stream.indirect.gather [hbm4b:s3+s12], $0x10, s2, s12, $0xb8;
	[tilespmem:$0x1BE40] =	vst v63  }
0x19: {  	s14 =	simm.s32 $0x11940;
	s15 =	simm.s32 $0x1  }
0x1a: {  	[tilespmem:s14], [sflag:$0x2] =	stream.indirect.gather [hbm4b:s3+s12], $0x10, s12, s12, $0xb8;
	[tilespmem:$0x1BE40] =	vst v63  }
0x1b: {  	_ =	swait.ge [sflag:s15], $0x7D00  }
0x1c: {  	[sflag:s15] =	ssyncset.done $0x0  }
0x1d: {  	s16 =	simm.s32 $0xFA0;
	s17 =	simm.s32 $0x2;
	[sflag:s15] =	ssyncadd.s32 $0xFFFF8300  }
0x1e: {  	[tilespmem:s13], [sflag:$0x1] =	stream.indirect.gather [hbm4b:s3+s12], $0x10, s16, s12, $0xb8;
	[tilespmem:$0x1BE40] =	vst v63  }
0x1f: {  	_ =	swait.ge [sflag:s17], $0x7D00  }
0x20: {  	[sflag:s17] =	ssyncset.done $0x0  }
0x21: {  	s18 =	simm.s32 $0x1770;
	[sflag:s17] =	ssyncadd.s32 $0xFFFF8300  }
0x22: {  	[tilespmem:s14], [sflag:$0x2] =	stream.indirect.gather [hbm4b:s3+s12], $0x10, s18, s12, $0xb8;
	[tilespmem:$0x1BE40] =	vst v63  }
0x23: {  	_ =	swait.ge [sflag:s15], $0x7D00  }
0x24: {  	[sflag:s15] =	ssyncset.done $0x0  }
0x25: {  	s19 =	simm.s32 $0x1F40;
	[sflag:s15] =	ssyncadd.s32 $0xFFFF8300  }
0x26: {  	[tilespmem:s13], [sflag:$0x1] =	stream.indirect.gather [hbm4b:s3+s12], $0x10, s19, s12, $0xb8;
	[tilespmem:$0x1BE40] =	vst v63  }
0x27: {  	s23 =	smul.u32 $0x28000, s21;
	s21 =	ssub.s32 $0x2, s21;
	_ =	swait.ge [sflag:s17], $0x7D00  }
0x28: {  	s31 =	sshrl.u32 s21, $0x1;
	[sflag:s17] =	ssyncset.done $0x0  }
0x29: {  	s21 =	ssub.s32 s21, s31;
	[sflag:s17] =	ssyncadd.s32 $0xFFFF8300  }
0x2a: {  	s22 =	sadd.s32 s22, s23;
	s21 =	smax.u32 s21, $0x1;
	_ =	swait.ge [sflag:s15], $0x7D00  }
0x2b: {  	s22 =	sshrl.u32 s22, $0x3;
	p0 =	sne.s32 s21, $0x1;
	[sflag:s15] =	ssyncset.done $0x0  }
.Ltmp0:
0x2c: {  	s20 =	sadd.s32 s22, s20;
	[sflag:s15] =	ssyncadd.s32 $0xFFFF8300;
	(pc) =	sbr.rel @!p0 .LBB2_2-.Ltmp0, $4  }
0x2d: {  	s20 =	sadd.s32 $0x1B600, s20;
	[bflag:$0x0] =	sbarrier.arrive $0xFFFF  }
0x2e: {  	[hbm:s20], [sflag:s7] =	dma.local [spmem:s10], $0x500  }
0x2f: {  	_ =	swait.ge [sflag:s9], $0x500  }
0x30: {  	s21 =	sadd.s32 $0xFFFFFFFF, s21;
	[sflag:s9] =	ssyncset.done $0x0  }
.LBB2_1:
0x31: {  	p0 =	sne.s32 s21, $0x1;
	s21 =	sadd.s32 $0xFFFFFFFF, s21;
	[sflag:s9] =	ssyncadd.s32 $0xFFFFFB00  }
0x32: {  	[tilespmem:s2], [sflag:$0x3] =	stream.linear.gather [hbm4b:s4+s2], $0x2710, $0x38;
	[tilespmem:$0x1BE40] =	vst v63  }
0x33: {  	_ = 	snop  }
0x34: {  	[tilespmem:s8], [sflag:$0x3] =	stream.linear.gather [hbm4b:s5+s2], $0x2710, $0x38;
	[tilespmem:$0x1BE40] =	vst v63  }
0x35: {  	[spmem:s10], [sflag:s7] =	dma.local [hbm:s6], $0x500  }
0x36: {  	_ =	swait.ge [sflag:s9], $0x500  }
0x37: {  	[sflag:s9] =	ssyncset.done $0x0  }
0x38: {  	[sflag:s9] =	ssyncadd.s32 $0xFFFFFB00  }
0x39: {  	[bflag:$0x0] =	sbarrier.arrive $0xFFFF  }
0x3a: {  	_ =	swait.ge [sflag:s11], $0x2710  }
0x3b: {  	[sflag:s11] =	ssyncset.done $0x0  }
0x3c: {  	[sflag:s11] =	ssyncadd.s32 $0xFFFFD8F0  }
0x3d: {  	_ =	swait.ge [sflag:s11], $0x2710  }
0x3e: {  	[sflag:s11] =	ssyncset.done $0x0  }
0x3f: {  	[sflag:s11] =	ssyncadd.s32 $0xFFFFD8F0  }
0x40: {  	[tilespmem:s13], [sflag:$0x1] =	stream.indirect.gather [hbm4b:s3+s12], $0x10, s2, s12, $0xb8;
	[tilespmem:$0x1BE40] =	vst v63  }
0x41: {  	_ = 	snop  }
0x42: {  	[tilespmem:s14], [sflag:$0x2] =	stream.indirect.gather [hbm4b:s3+s12], $0x10, s12, s12, $0xb8;
	[tilespmem:$0x1BE40] =	vst v63  }
0x43: {  	_ =	swait.ge [sflag:s15], $0x7D00  }
0x44: {  	[sflag:s15] =	ssyncset.done $0x0  }
0x45: {  	[sflag:s15] =	ssyncadd.s32 $0xFFFF8300  }
0x46: {  	[tilespmem:s13], [sflag:$0x1] =	stream.indirect.gather [hbm4b:s3+s12], $0x10, s16, s12, $0xb8;
	[tilespmem:$0x1BE40] =	vst v63  }
0x47: {  	_ =	swait.ge [sflag:s17], $0x7D00  }
0x48: {  	[sflag:s17] =	ssyncset.done $0x0  }
0x49: {  	[sflag:s17] =	ssyncadd.s32 $0xFFFF8300  }
0x4a: {  	[tilespmem:s14], [sflag:$0x2] =	stream.indirect.gather [hbm4b:s3+s12], $0x10, s18, s12, $0xb8;
	[tilespmem:$0x1BE40] =	vst v63  }
0x4b: {  	_ =	swait.ge [sflag:s15], $0x7D00  }
0x4c: {  	[sflag:s15] =	ssyncset.done $0x0  }
0x4d: {  	[sflag:s15] =	ssyncadd.s32 $0xFFFF8300  }
0x4e: {  	[tilespmem:s13], [sflag:$0x1] =	stream.indirect.gather [hbm4b:s3+s12], $0x10, s19, s12, $0xb8;
	[tilespmem:$0x1BE40] =	vst v63  }
0x4f: {  	_ =	swait.ge [sflag:s17], $0x7D00  }
0x50: {  	[sflag:s17] =	ssyncset.done $0x0  }
0x51: {  	[sflag:s17] =	ssyncadd.s32 $0xFFFF8300  }
0x52: {  	_ =	swait.ge [sflag:s15], $0x7D00  }
0x53: {  	[sflag:s15] =	ssyncset.done $0x0  }
.Ltmp1:
0x54: {  	[sflag:s15] =	ssyncadd.s32 $0xFFFF8300;
	(pc) =	sbr.rel @p0 .LBB2_1-.Ltmp1, $4  }
0x55: {  	[bflag:$0x0] =	sbarrier.arrive $0xFFFF  }
0x56: {  	[hbm:s20], [sflag:s7] =	dma.local [spmem:s10], $0x500  }
0x57: {  	_ =	swait.ge [sflag:s9], $0x500  }
0x58: {  	[sflag:s9] =	ssyncset.done $0x0  }
.LBB2_2:
0x59: {  	[sflag:s9] =	ssyncadd.s32 $0xFFFFFB00  }
0x5a: {  	_ =	sfence.sel $0x180000  }
0x5b: {  	[bflag:$0x0] =	sbarrier.arrive $0xFFFF  }
0x5c: {  	p0 =	sne.s32 s0, $0x0;
	_ =	strace $0x9000004D  }
0x5d: {  	s0 =	sadd.s32 @!p0 $0x100000, s1;
	[bflag:$0x2] =	sbarrier.arrive $0xFFFF  }
0x5e: {  	[sflag:s0] =	ssyncadd.tile.s32 @!p0 $0x1;
	_ =	shalt  }
.Lfunc_end2:
_tile_overlayer_lowered:
.L_overlay_start_2:
0x5f: {  	(tag) =	ssettag $0x2  }
0x60: {  	s0 =	rddreg [dreg:$0x0];
	s2 =	stileid.u32  }
0x61: {  	s1 =	rddreg [dreg:$0x1];
	p0 =	sne.s32 s2, $0x0  }
0x62: {  	s3 =	rddreg [dreg:$0x2];
	[bflag:$0x3] =	sbarrier.arrive $0xFFFF;
	s2 =	simm.s32 @!p0 $0x1C04  }
0x63: {  	[timem:s3], [sflag:s2] =	dma.local @!p0 [hbm:s0], s1  }
0x64: {  	s0 =	simm.s32 @!p0 $0x4  }
0x65: {  	_ =	swait.ge @!p0 [sflag:s0], s1  }
0x66: {  	s1 =	ssub.s32 @!p0 $0x0, s1;
	[sflag:s0] =	ssyncset.done @!p0 $0x0  }
0x67: {  	[sflag:s0] =	ssyncadd.s32 @!p0 s1  }
0x68: {  	[bflag:$0x3] =	sbarrier.arrive $0xFFFF  }
0x69: {  	_ =	shalt  }

// kernel: kernel.8.cloned.1.call-start
scs
__scs_entry_jumppad:
0x0: {  	(pc) =	sbr.rel $0x88, $3  }
0x1: {  	(tag) =	ssettag $0x0;
	lr =	simm.s32 $0x1  }
0x2: {  	[smem:$0x3F96] =	sst lr;
	_ =	strace $0xD0000000  }
0x3: {  	_ = 	snop  }
0x4: {  	_ = 	snop  }
0x5: {  	_ = 	snop  }
0x6: {  	_ = 	snop  }
0x7: {  	_ = 	snop  }
__scs_overlays_trampoline_lowered:
0x8: {  	[smem:$0x3FA5] =	sst s0  }
0x9: {  	[smem:$0x3FA6] =	sst s1  }
0xa: {  	[smem:$0x3FA7] =	sst s2  }
0xb: {  	[smem:$0x3FA8] =	sst s3  }
0xc: {  	[smem:$0x3FA9] =	sst s4  }
0xd: {  	[smem:$0x3FAA] =	sst s5  }
0xe: {  	[smem:$0x3FAB] =	sst s6  }
0xf: {  	[smem:$0x3FAC] =	sst s7  }
0x10: {  	[smem:$0x3FAD] =	sst s8  }
0x11: {  	[smem:$0x3FAE] =	sst s9;
	s0 =	simm.s32 @!p0 $0x0  }
0x12: {  	s1 =	sld [smem:$0x3F94];
	s0 =	simm.s32 @p0 $0x1  }
0x13: {  	[smem:$0x3FAF] =	sst s0;
	s0 =	simm.s32 @!p1 $0x0  }
0x14: {  	s2 =	sld [smem:$0x3F93];
	s0 =	simm.s32 @p1 $0x1  }
0x15: {  	[smem:$0x3FB0] =	sst s0;
	s0 =	simm.s32 @!p2 $0x0  }
0x16: {  	s3 =	sld [smem:$0x3FDB];
	s0 =	simm.s32 @p2 $0x1  }
0x17: {  	s4 =	simm.s32 $0x1BF5;
	[smem:$0x3FB2] =	sst s0  }
0x18: {  	s0 =	sld [smem:$0x3F95];
	_ =	swait.ge [sflag:s4], $0x0  }
0x19: {  	s7 =	sld [smem:$0x3F96]  }
0x1a: {  	s8 =	sadd.s32 $0xFFFFE003, lr  }
0x1b: {  	s9 =	sadd.s32 $0xFFFFFEF7, lr;
	s5 =	simm.s32 $0xFFFFFFFF;
	p2 =	slt.u32 s8, $0xFFFFF086  }
0x1c: {  	p1 =	slt.u32 s9, $0xF7A;
	s5 =	simm.s32 @!p2 $0x0  }
0x1d: {  	s5 =	simm.s32 @p1 $0x1;
	p0 =	seq.s32 s7, s2  }
0x1e: {  	s7 =	smul.u32 @!p0 $0xF7A, s2;
	p2 =	seq.s32 @!p0 s5, $0x0  }
0x1f: {  	s9 =	smul.u32 $0xF7A, s1;
	s8 =	simm.s32 @!p0 $0x1BF5;
	p2 =	por !p2, p0  }
0x20: {  	[sflag:s8] =	ssyncset.s32 @!p0 $0xFFFFF086;
	s6 =	sadd.s32 @!p0 s3, s7;
	s7 =	simm.s32 @!p0 $0x108  }
0x21: {  	s3 =	sadd.s32 s3, s9;
	s6 =	sadd.s32 @!p0 $0x88, s6;
	s7 =	simm.s32 @p2 $0x1082  }
0x22: {  	[simem:s7], [sflag:s8] =	dma.local @!p0 [hbm:s6], $0xF7A  }
0x23: {  	s9 =	sor.u32 $0xD0000000, s2;
	s6 =	simm.s32 $0x108;
	_ =	swait.ge @!p0 [sflag:s8], $0x0  }
0x24: {  	s3 =	sadd.s32 $0x88, s3;
	s6 =	simm.s32 @!p1 $0x1082;
	[sflag:s4] =	ssyncset.s32 $0xFFFFF086  }
0x25: {  	[simem:s6], [sflag:s4] =	dma.local [hbm:s3], $0xF7A  }
0x26: {  	[smem:$0x3F96] =	sst s1;
	(tag) =	ssettag s2;
	_ =	strace s9  }
0x27: {  	s1 =	sld [smem:$0x3FA6]  }
0x28: {  	s2 =	sld [smem:$0x3FA7]  }
0x29: {  	s4 =	sld [smem:$0x3FA9]  }
0x2a: {  	p0 =	seq.s32 s5, $0x0;
	s5 =	sld [smem:$0x3FAA]  }
0x2b: {  	s6 =	sld [smem:$0x3FAB]  }
0x2c: {  	s7 =	sld [smem:$0x3FAC]  }
0x2d: {  	s3 =	simm.s32 $0x108;
	s8 =	sld [smem:$0x3FAD]  }
0x2e: {  	s3 =	simm.s32 @!p0 $0x1082;
	s9 =	sld [smem:$0x3FAE]  }
0x2f: {  	lr =	sadd.s32 s0, s3;
	s0 =	sld [smem:$0x3FA5]  }
0x30: {  	s3 =	sld [smem:$0x3FA8]  }
0x31: {  	[smem:$0x3FB1] =	sst s10  }
0x32: {  	s10 =	sld [smem:$0x3FAF];
	_ =	sdelay $0x3  }
0x33: {  	p0 =	seq.s32 s10, $0x1;
	s10 =	sld [smem:$0x3FB1];
	_ =	sdelay $0x3  }
0x34: {  	[smem:$0x3FB1] =	sst s10  }
0x35: {  	s10 =	sld [smem:$0x3FB0];
	_ =	sdelay $0x3  }
0x36: {  	p1 =	seq.s32 s10, $0x1;
	s10 =	sld [smem:$0x3FB1];
	_ =	sdelay $0x3  }
0x37: {  	[smem:$0x3FB1] =	sst s10  }
0x38: {  	s10 =	sld [smem:$0x3FB2]  }
0x39: {  	_ = 	snop;
	(pc) =	sbr.ind lr, $3  }
0x3a: {  	_ = 	snop  }
0x3b: {  	_ = 	snop  }
0x3c: {  	p2 =	seq.s32 s10, $0x1;
	s10 =	sld [smem:$0x3FB1]  }
0x3d: {  	_ =	shalt  }
0x3e: {  	_ =	shalt  }
0x3f: {  	_ =	shalt  }
0x40: {  	_ =	shalt  }
0x41: {  	_ =	shalt  }
0x42: {  	_ =	shalt  }
0x43: {  	_ =	shalt  }
0x44: {  	_ =	shalt  }
0x45: {  	_ =	shalt  }
0x46: {  	_ =	shalt  }
0x47: {  	_ =	shalt  }
0x48: {  	_ =	shalt  }
0x49: {  	_ =	shalt  }
0x4a: {  	_ =	shalt  }
0x4b: {  	_ =	shalt  }
0x4c: {  	_ =	shalt  }
0x4d: {  	_ =	shalt  }
0x4e: {  	_ =	shalt  }
0x4f: {  	_ =	shalt  }
0x50: {  	_ =	shalt  }
0x51: {  	_ =	shalt  }
0x52: {  	_ =	shalt  }
0x53: {  	_ =	shalt  }
0x54: {  	_ =	shalt  }
0x55: {  	_ =	shalt  }
0x56: {  	_ =	shalt  }
0x57: {  	_ =	shalt  }
0x58: {  	_ =	shalt  }
0x59: {  	_ =	shalt  }
0x5a: {  	_ =	shalt  }
0x5b: {  	_ =	shalt  }
0x5c: {  	_ =	shalt  }
0x5d: {  	_ =	shalt  }
0x5e: {  	_ =	shalt  }
0x5f: {  	_ =	shalt  }
0x60: {  	_ =	shalt  }
0x61: {  	_ =	shalt  }
0x62: {  	_ =	shalt  }
0x63: {  	_ =	shalt  }
0x64: {  	_ =	shalt  }
0x65: {  	_ =	shalt  }
0x66: {  	_ =	shalt  }
0x67: {  	_ =	shalt  }
0x68: {  	_ =	shalt  }
0x69: {  	_ =	shalt  }
0x6a: {  	_ =	shalt  }
0x6b: {  	_ =	shalt  }
0x6c: {  	_ =	shalt  }
0x6d: {  	_ =	shalt  }
0x6e: {  	_ =	shalt  }
0x6f: {  	_ =	shalt  }
0x70: {  	_ =	shalt  }
0x71: {  	_ =	shalt  }
0x72: {  	_ =	shalt  }
0x73: {  	_ =	shalt  }
0x74: {  	_ =	shalt  }
0x75: {  	_ =	shalt  }
0x76: {  	_ =	shalt  }
0x77: {  	_ =	shalt  }
0x78: {  	_ =	shalt  }
0x79: {  	_ =	shalt  }
0x7a: {  	_ =	shalt  }
0x7b: {  	_ =	shalt  }
0x7c: {  	_ =	shalt  }
0x7d: {  	_ =	shalt  }
0x7e: {  	_ =	shalt  }
0x7f: {  	_ =	shalt  }
0x80: {  	_ =	shalt  }
0x81: {  	_ =	shalt  }
0x82: {  	_ =	shalt  }
0x83: {  	_ =	shalt  }
0x84: {  	_ =	shalt  }
0x85: {  	_ =	shalt  }
0x86: {  	_ =	shalt  }
0x87: {  	_ =	shalt  }
.Lfunc_end0:
.L_simem_size_0:
called_computation_lowered:
.L_overlay_start_0:
0x88: {  	s2 =	sld [smem:$0x3FD9]  }
0x89: {  	s3 =	sld [smem:$0x3FFE];
	_ =	sdelay $0x1  }
0x8a: {  	s1 =	srdreg.scid  }
0x8b: {  	s0 =	sand.u32 $0x1, s1  }
0x8c: {  	s16 =	sshll.u32 s0, $0xA;
	s2 =	sadd.s32 s3, s2  }
0x8d: {  	s2 =	sadd.s32 s2, s16  }
0x8e: {  	[smem:$0x3FBD] =	sst s2  }
0x8f: {  	_ = 	snop  }
0x90: {  	(tm) =	ssettm $0x1  }
0x91: {  	s17 =	sld [smem:$0x3FFB];
	_ =	sdelay $0x3  }
0x92: {  	_ =	strace s17  }
0x93: {  	s2 =	sld [smem:$0x3FFC];
	_ =	sdelay $0x3  }
0x94: {  	_ =	strace s2  }
0x95: {  	s2 =	sld [smem:$0x3FFD];
	_ =	sdelay $0x3  }
0x96: {  	_ =	strace s2  }
0x97: {  	_ =	strace $0x8FFFFFFF  }
0x98: {  	s18 =	sld [smem:$0x3FDB];
	_ =	sdelay $0x1  }
0x99: {  	s19 =	simm.s32 $_scs_section_size  }
0x9a: {  	s4 =	simm.s32 $_size__tile_overlayer_lowered;
	s5 =	simm.s32 $_tile_overlayer_lowered  }
0x9b: {  	s22 =	simm.s32 $0x1BFF;
	s21 =	sshll.u32 s5, $0x1;
	s2 =	sadd.s32 s19, s18  }
0x9c: {  	s6 =	simm.s32 $0x0;
	s20 =	sshll.u32 s4, $0x1;
	s4 =	sadd.s32 s21, s2  }
0x9d: {  	[timem:s6], [sflag:s22] =	dma.local [hbm:s4], s20  }
0x9e: {  	_ =	swait.ge [sflag:s22], s20  }
0x9f: {  	s3 =	ssub.s32 $0x0, s20;
	[sflag:s22] =	ssyncset.done $0x0  }
0xa0: {  	[sflag:s22] =	ssyncadd.s32 s3;
	_ =	sdelay $0x1  }
0xa1: {  	s23 =	simm.s32 $0x1B8B  }
0xa2: {  	_ =	swait.ge [sflag:s23], $0x1  }
0xa3: {  	[sflag:s23] =	ssyncset.done $0x0  }
0xa4: {  	s25 =	simm.s32 $0x1B8E;
	s24 =	sld [smem:$0x3FFE];
	[sflag:s23] =	ssyncadd.s32 $0xFFFFFFFF  }
0xa5: {  	s26 =	simm.s32 $execute0_lowered;
	[smem:$0x3FD2] =	sst s25  }
0xa6: {  	s4 =	sshll.u32 s26, $0x1;
	_ =	strace $0x80000046;
	[dreg:$0x1] =	wrdreg $0xFFFFFFFF  }
0xa7: {  	s28 =	simm.s32 $_size_execute0_lowered;
	s2 =	sadd.s32 s2, s4;
	[dreg:$0x0] =	wrdreg $0x0  }
0xa8: {  	s4 =	sshll.u32 s28, $0x1;
	[dreg:$0x2] =	wrdreg s2  }
0xa9: {  	[dreg:$0x3] =	wrdreg s4  }
0xaa: {  	[dreg:$0x4] =	wrdreg $0xC0  }
0xab: {  	_ =	task [dreg:s6], $0x5FFFF  }
0xac: {  	[dreg:$0x1] =	wrdreg $0xFFFFFFFF  }
0xad: {  	[dreg:$0x0] =	wrdreg $0x60  }
0xae: {  	[dreg:$0x2] =	wrdreg s24  }
0xaf: {  	[dreg:$0x3] =	wrdreg $0x9  }
0xb0: {  	_ =	task.clear_ibuf [dreg:s6], $0x4FFFF;
	_ =	strace $0x90000046  }
0xb1: {  	s29 =	simm.s32 $0x9;
	_ =	strace $0x80000048  }
0xb2: {  	_ =	swait.ge [sflag:s29], $0x1  }
0xb3: {  	[sflag:s29] =	ssyncadd.s32 $0xFFFFFFFF  }
0xb4: {  	_ =	strace $0x90000048  }
0xb5: {  	_ =	sfence  }
0xb6: {  	s30 =	sld [smem:$0x0];
	_ =	sdelay $0x2  }
0xb7: {  	s31 =	sshll.u32 s1, $0xD;
	s1 =	sshrl.u32 s1, $0x2  }
0xb8: {  	s3 =	sand.u32 $0x4000, s31;
	s1 =	sadd.s32 s1, s30  }
0xb9: {  	s0 =	sor.u32 s3, s0;
	s1 =	sshll.u32 s1, $0x11  }
0xba: {  	s0 =	sor.u32 s1, s0  }
0xbb: {  	s0 =	sadd.s32 $0x8F2B, s0  }
0xbc: {  	[sflag:s0] =	ssyncadd.remote.s32 $0x1  }
0xbd: {  	_ =	sfence.sel $0xFFFF  }
0xbe: {  	[dreg:$0x0] =	wrdreg $0xFFFFFFFF;
	(pc) =	sbr.abs _section_cstart, $3  }
0xbf: {  	[dreg:$0x1] =	wrdreg $0xFFFFFFFF  }
0xc0: {  	_ =	task.clear_ibuf [dreg:s6], $0x2FFFF;
	_ =	strace $0x9FFFFFFF  }
0xc1: {  	(tm) =	ssettm $0x7FFFFFFF  }
tec
execute0_lowered:
.L_overlay_start_1:
0x0: {  	(tag) =	ssettag $0x1  }
0x1: {  	s1 =	srdreg.scid  }
0x2: {  	s0 =	stileid.u32;
	s6 =	rddreg [dreg:$0x0];
	s2 =	simm.s32 $0x0  }
0x3: {  	s8 =	simm.s32 $0x1;
	s3 =	sand.u32 $0x1, s1;
	s28 =	sshll.u32 s0, $0x1  }
0x4: {  	s9 =	simm.s32 $0x2780;
	s29 =	sshrl.u32 s0, $0x2;
	s4 =	sor.u32 s3, s28  }
0x5: {  	s1 =	rddreg [dreg:$0x1];
	s5 =	smul.u32 $0x13C00, s29;
	s30 =	sshll.u32 s4, $0x7  }
0x6: {  	s10 =	simm.s32 $0x0;
	[smem:$0x7FF] =	sst s2;
	s7 =	sand.u32 $0x380, s30  }
0x7: {  	s3 =	ssub.s32 $0x2, s3;
	s4 =	smul.u32 $0x500, s4;
	s5 =	sor.u32 s7, s5  }
0x8: {  	_ =	strace $0x80000047;
	s31 =	sshrl.u32 s3, $0x1;
	s5 =	sadd.s32 $0x4F000, s5  }
0x9: {  	s4 =	sadd.s32 s4, s6;
	s7 =	simm.s32 $0x400;
	s5 =	sshrl.u32 s5, $0x3  }
0xa: {  	s4 =	sadd.s32 $0x16800, s4;
	s5 =	sadd.s32 s5, s6;
	s6 =	ssub.s32 s3, s31  }
0xb: {  	v0 =	vimm.f32 $0.0e+00;
	v1 =	vimm.f32 $1.000000000e+00;
	s3 =	sadd.s32 $0x2C00, s5;
	s5 =	smax.u32 s6, $0x1;
	s6 =	simm.s32 $0x80  }
.LBB2_1:
0xc: {  	s11 =	simm.s32 $0x40;
	s12 =	simm.s32 $0x0  }
.LBB2_2:
0xd: {  	p0 =	sne.s32 s11, $0x9FC0;
	[tilespmem:s12+$0x2780] =	vst v0;
	s12 =	smov.u32 s11;
	s11 =	sadd.s32 $0x40, s11  }
.Ltmp0:
0xe: {  	(pc) =	sbr.rel @p0 .LBB2_2-.Ltmp0, $2  }
0xf: {  	_ =	sdelay $0x2  }
0x10: {  	s12 =	sshra.s32 s12, $0x2  }
0x11: {  	[tilespmem:s12+$0x2780] =	vst v0;
	s11 =	simm.s32 $0x0  }
0x12: {  	[tilespmem:s11], [sflag:$0x1] =	stream.strided.gather [hbm4b:s3+s6], $0x2780, s7, s6, $0x38;
	[tilespmem:$0x4F80] =	vst v63  }
0x13: {  	_ =	swait.ge [sflag:s8], $0x2780  }
0x14: {  	[sflag:s8] =	ssyncset.done $0x0  }
0x15: {  	s12 =	simm.s32 $0x0;
	s11 =	simm.s32 $0x40;
	[sflag:s8] =	ssyncadd.s32 $0xFFFFD880  }
.LBB2_4:
0x16: {  	p0 =	sne.s32 s11, $0x9C00;
	v2 =	vld [tilespmem:s12+$0x0];
	_ =	sdelay $0x3  }
.Ltmp1:
0x17: {  	(pc) =	sbr.rel @p0 .LBB2_4-.Ltmp1, $2  }
0x18: {  	_ =	sdelay $0x2  }
0x19: {  	s12 =	sshra.s32 s11, $0x2;
	s11 =	sadd.s32 $0x40, s11;
	[tilespmem:v2+s9+$0x0] =	vst.idx.add.f32.msk $0xffff, v1  }
0x1a: {  	v2 =	vld [tilespmem:s12+$0x0];
	_ =	sdelay $0x5  }
0x1b: {  	s10 =	sadd.s32 $0x1, s10  }
0x1c: {  	p0 =	sne.s32 s10, s5  }
.Ltmp2:
0x1d: {  	[tilespmem:v2+s9+$0x0] =	vst.idx.add.f32.msk $0xffff, v1;
	(pc) =	sbr.rel @p0 .LBB2_1-.Ltmp2, $4  }
0x1e: {  	[hbm4b:s4+s2] =	stream.linear.scatter [tilespmem:s9], [sflag:$0x1], $0x2800, $0x38;
	[tilespmem:$0x4F80] =	vst v63  }
0x1f: {  	_ =	swait.ge [sflag:s8], $0x2800  }
0x20: {  	[sflag:s8] =	ssyncset.done $0x0  }
0x21: {  	[sflag:s8] =	ssyncadd.s32 $0xFFFFD800  }
0x22: {  	_ =	sfence.sel $0x180000  }
0x23: {  	[bflag:$0x0] =	sbarrier.arrive $0xFFFF  }
0x24: {  	p0 =	sne.s32 s0, $0x0;
	_ =	strace $0x90000047  }
0x25: {  	s0 =	sadd.s32 @!p0 $0x100000, s1;
	[bflag:$0x2] =	sbarrier.arrive $0xFFFF  }
0x26: {  	[sflag:s0] =	ssyncadd.tile.s32 @!p0 $0x1;
	_ =	shalt  }
.Lfunc_end2:
_tile_overlayer_lowered:
.L_overlay_start_2:
0x27: {  	(tag) =	ssettag $0x2  }
0x28: {  	s0 =	rddreg [dreg:$0x0];
	s2 =	stileid.u32  }
0x29: {  	s1 =	rddreg [dreg:$0x1];
	p0 =	sne.s32 s2, $0x0  }
0x2a: {  	s3 =	rddreg [dreg:$0x2];
	[bflag:$0x3] =	sbarrier.arrive $0xFFFF;
	s2 =	simm.s32 @!p0 $0x1C01  }
0x2b: {  	[timem:s3], [sflag:s2] =	dma.local @!p0 [hbm:s0], s1  }
0x2c: {  	s0 =	simm.s32 @!p0 $0x1  }
0x2d: {  	_ =	swait.ge @!p0 [sflag:s0], s1  }
0x2e: {  	s1 =	ssub.s32 @!p0 $0x0, s1;
	[sflag:s0] =	ssyncset.done @!p0 $0x0  }
0x2f: {  	[sflag:s0] =	ssyncadd.s32 @!p0 s1  }
0x30: {  	[bflag:$0x3] =	sbarrier.arrive $0xFFFF  }
0x31: {  	_ =	shalt  }

</sc_bundles>
